<compile_context>
chip_gen: v7x
topology: tpu7x:2x2x1
jax: 0.10.2.dev20260603
libtpu: 0.0.44.dev20260713+nightly
codegen_flags: <defaults>
</compile_context>

<pallas_src>
import functools

import jax
import jax.numpy as jnp
from jax import lax
from jax.experimental import pallas as pl
from jax.experimental.pallas import tpu as pltpu
from jax.experimental.pallas import tpu_sc as plsc

N = 10000
E = 320000
F = 128
H = 20
L_OUT = 10

HP = 32
N_PAD = 10112
NPK = N_PAD // 4
NVK = N // 4

NC = 2
NS = 16
NW = NC * NS
EB = 128
NB_TOT = E // EB
NB_W = NB_TOT // NW
NB_X = NB_TOT - NB_W * NW
ROWS_T = N_PAD // NS


def _sc_scatter_body(p_hbm, edge_hbm, zero_hbm, out_hbm,
                     src_v, dst_v, rows0, rows1, ptab, acc, sem0, sem1):
    c = lax.axis_index("c")
    s = lax.axis_index("s")
    wid = c * NS + s
    row0 = pl.multiple_of(s * ROWS_T, 8)

    pltpu.sync_copy(p_hbm.at[pl.ds(row0, ROWS_T)],
                    ptab.at[pl.ds(row0, ROWS_T)])
    pltpu.sync_copy(zero_hbm.at[pl.ds(row0, ROWS_T)],
                    acc.at[pl.ds(row0, ROWS_T)])
    pltpu.sync_copy(edge_hbm.at[0].at[pl.ds(wid * NB_W, NB_W)],
                    src_v.at[pl.ds(0, NB_W)])
    pltpu.sync_copy(edge_hbm.at[1].at[pl.ds(wid * NB_W, NB_W)],
                    dst_v.at[pl.ds(0, NB_W)])

    @pl.when(wid < NB_X)
    def _():
        xb = NW * NB_W + wid
        pltpu.sync_copy(edge_hbm.at[0].at[pl.ds(xb, 1)],
                        src_v.at[pl.ds(NB_W, 1)])
        pltpu.sync_copy(edge_hbm.at[1].at[pl.ds(xb, 1)],
                        dst_v.at[pl.ds(NB_W, 1)])

    plsc.subcore_barrier()

    pltpu.async_copy(ptab.at[src_v.at[0]], rows0, sem0)

    def step(t, carry):
        j0 = 2 * t
        j1 = 2 * t + 1
        j2 = jnp.minimum(2 * t + 2, NB_W - 1)
        pltpu.async_copy(ptab.at[src_v.at[j1]], rows1, sem1)
        pltpu.make_async_copy(ptab.at[src_v.at[j0]], rows0, sem0).wait()
        pltpu.sync_copy(rows0, acc.at[dst_v.at[j0]], add=True)
        pltpu.async_copy(ptab.at[src_v.at[j2]], rows0, sem0)
        pltpu.make_async_copy(ptab.at[src_v.at[j1]], rows1, sem1).wait()
        pltpu.sync_copy(rows1, acc.at[dst_v.at[j1]], add=True)
        return carry

    lax.fori_loop(0, NB_W // 2, step, 0)
    pltpu.make_async_copy(ptab.at[src_v.at[NB_W - 1]], rows0, sem0).wait()

    @pl.when(wid < NB_X)
    def _():
        pltpu.async_copy(ptab.at[src_v.at[NB_W]], rows0, sem0)
        pltpu.make_async_copy(ptab.at[src_v.at[NB_W]], rows0, sem0).wait()
        pltpu.sync_copy(rows0, acc.at[dst_v.at[NB_W]], add=True)

    plsc.subcore_barrier()
    pltpu.sync_copy(acc.at[pl.ds(row0, ROWS_T)],
                    out_hbm.at[c].at[pl.ds(row0, ROWS_T)])


@functools.cache
def _sc_scatter():
    return pl.kernel(
        _sc_scatter_body,
        out_type=jax.ShapeDtypeStruct((NC, N_PAD, HP), jnp.float32),
        mesh=plsc.VectorSubcoreMesh(core_axis_name="c", subcore_axis_name="s",
                                    num_cores=NC, num_subcores=NS),
        compiler_params=pltpu.CompilerParams(use_tc_tiling_on_sc=False),
        scratch_types=[
            pltpu.VMEM((NB_W + 1, EB), jnp.int32),
            pltpu.VMEM((NB_W + 1, EB), jnp.int32),
            pltpu.VMEM((EB, HP), jnp.float32),
            pltpu.VMEM((EB, HP), jnp.float32),
            pltpu.VMEM_SHARED((N_PAD, HP), jnp.float32),
            pltpu.VMEM_SHARED((N_PAD, HP), jnp.float32),
            pltpu.SemaphoreType.DMA,
            pltpu.SemaphoreType.DMA,
        ],
    )


def _dot_t(a, b):
    return lax.dot_general(a, b, (((1,), (1,)), ((), ())),
                           precision=lax.Precision.HIGHEST,
                           preferred_element_type=jnp.float32)


def _fold4(v):
    return (v + jnp.roll(v, 32, axis=1) + jnp.roll(v, 64, axis=1)
            + jnp.roll(v, 96, axis=1))


def _tc_pre_body(x_ref, w_ref, p_ref, r_ref):
    y = _dot_t(x_ref[...], w_ref[...])
    p_ref[:NVK] = y[:, :128]
    r_ref[:NVK] = y[:, 128:]


def _tc_mid_body(acc_ref, r_ref, b_ref, g_ref, be_ref, wrel_ref, wroot_ref,
                 h_ref, p_ref, rn_ref):
    s = acc_ref[0] + acc_ref[1] + r_ref[...] + b_ref[...]
    t = jnp.maximum(s, 0.0)
    tv = t[:NVK]
    mu = _fold4(jnp.sum(tv, axis=0, keepdims=True)) * (1.0 / N)
    m2 = _fold4(jnp.sum(tv * tv, axis=0, keepdims=True)) * (1.0 / N)
    var = m2 - mu * mu
    h = (t - mu) * lax.rsqrt(var + 1e-5) * g_ref[...] + be_ref[...]
    h_ref[...] = h
    p_ref[...] = _dot_t(h, wrel_ref[...])
    rn_ref[...] = _dot_t(h, wroot_ref[...])


def _tc_post_body(acc_ref, r_ref, b_ref, h1_ref, h2_ref, a1_ref, a2_ref,
                  a3_ref, lb_ref, out_ref):
    s = acc_ref[0] + acc_ref[1] + r_ref[...] + b_ref[...]
    h3 = jnp.maximum(s, 0.0)
    out_ref[...] = (_dot_t(h1_ref[...], a1_ref[...])
                    + _dot_t(h2_ref[...], a2_ref[...])
                    + _dot_t(h3, a3_ref[...]) + lb_ref[...])


_f32 = lambda *shape: jax.ShapeDtypeStruct(shape, jnp.float32)

_tc_pre = pl.pallas_call(
    _tc_pre_body, out_shape=(_f32(NPK, 128), _f32(NPK, 128)))

_tc_mid = pl.pallas_call(
    _tc_mid_body,
    out_shape=(_f32(NPK, 128), _f32(NPK, 128), _f32(NPK, 128)))

_tc_post = pl.pallas_call(_tc_post_body, out_shape=_f32(NPK, 128))


_EYE4 = None


def _pad_w(w, rows, cols):
    return jnp.pad(w, ((0, rows - w.shape[0]), (0, cols - w.shape[1])))


def _kron4(w):
    return jnp.kron(jnp.eye(4, dtype=w.dtype), w)


def _tile_v(v):
    return jnp.tile(jnp.pad(v, (0, HP - v.shape[0])), 4)[None, :]


def kernel(x, edge_index, W1_rel, W1_root, b1, g1, be1,
           W2_rel, W2_root, b2, g2, be2,
           W3_rel, W3_root, b3, lin_W, lin_b):
    x4 = x.reshape(NVK, 4 * F)
    ei3 = edge_index.reshape(2, NB_TOT, EB)
    zeros = jnp.zeros((N_PAD, HP), jnp.float32)

    w1r = _kron4(_pad_w(W1_rel, HP, F))
    w1o = _kron4(_pad_w(W1_root, HP, F))
    w2r = _kron4(_pad_w(W2_rel, HP, HP))
    w2o = _kron4(_pad_w(W2_root, HP, HP))
    w3r = _kron4(_pad_w(W3_rel, HP, HP))
    w3o = _kron4(_pad_w(W3_root, HP, HP))
    a1 = _kron4(_pad_w(lin_W[:, 0:H], HP, HP))
    a2 = _kron4(_pad_w(lin_W[:, H:2 * H], HP, HP))
    a3 = _kron4(_pad_w(lin_W[:, 2 * H:3 * H], HP, HP))
    lb = _tile_v(lin_b)

    sc = _sc_scatter()
    p1, r1 = _tc_pre(x4, jnp.concatenate([w1r, w1o], axis=0))
    acc1 = sc(p1.reshape(N_PAD, HP), ei3, zeros)
    h1, p2, r2 = _tc_mid(acc1.reshape(NC, NPK, 128), r1,
                         _tile_v(b1), _tile_v(g1), _tile_v(be1), w2r, w2o)
    acc2 = sc(p2.reshape(N_PAD, HP), ei3, zeros)
    h2, p3, r3 = _tc_mid(acc2.reshape(NC, NPK, 128), r2,
                         _tile_v(b2), _tile_v(g2), _tile_v(be2), w3r, w3o)
    acc3 = sc(p3.reshape(N_PAD, HP), ei3, zeros)
    outp = _tc_post(acc3.reshape(NC, NPK, 128), r3, _tile_v(b3),
                    h1, h2, a1, a2, a3, lb)
    return outp.reshape(N_PAD, HP)[:N, :L_OUT]

# --- scband reference (transcript-rebuilt; emitter-appended) ---
"""Pipeline reference for scband-node-gnn-80376017977457 (READ-ONLY COPY).

The authoritative reference and input builder live on the scoring server;
editing this copy changes nothing except your own understanding.
"""

import jax, jax.numpy as jnp
import numpy as np

N = 10000
E = 320000
F = 128
H = 20
L = 10


def setup_inputs(seed: int = 0) -> dict:
    key = jax.random.key(seed)
    ks = jax.random.split(key, 20)
    x = jax.random.normal(ks[0], (N, F), dtype=jnp.float32)
    edge_index = jax.random.randint(ks[1], (2, E), 0, N, dtype=jnp.int32)
    def xavier(k, shape):
        fan_in, fan_out = shape[1], shape[0]
        a = np.sqrt(6.0 / (fan_in + fan_out))
        return jax.random.uniform(k, shape, dtype=jnp.float32, minval=-a, maxval=a)
    W1_rel = xavier(ks[2], (H, F))
    W1_root = xavier(ks[3], (H, F))
    b1 = jnp.zeros((H,), jnp.float32)
    g1 = jnp.ones((H,), jnp.float32)
    be1 = jnp.zeros((H,), jnp.float32)
    W2_rel = xavier(ks[4], (H, H))
    W2_root = xavier(ks[5], (H, H))
    b2 = jnp.zeros((H,), jnp.float32)
    g2 = jnp.ones((H,), jnp.float32)
    be2 = jnp.zeros((H,), jnp.float32)
    W3_rel = xavier(ks[6], (H, H))
    W3_root = xavier(ks[7], (H, H))
    b3 = jnp.zeros((H,), jnp.float32)
    lin_W = xavier(ks[8], (L, 3 * H))
    lin_b = jnp.zeros((L,), jnp.float32)
    return {"x": x, "edge_index": edge_index,
            "W1_rel": W1_rel, "W1_root": W1_root, "b1": b1, "g1": g1, "be1": be1,
            "W2_rel": W2_rel, "W2_root": W2_root, "b2": b2, "g2": g2, "be2": be2,
            "W3_rel": W3_rel, "W3_root": W3_root, "b3": b3,
            "lin_W": lin_W, "lin_b": lin_b}


def reference(x, edge_index, W1_rel, W1_root, b1, g1, be1,
              W2_rel, W2_root, b2, g2, be2,
              W3_rel, W3_root, b3, lin_W, lin_b):
    src = edge_index[0]
    dst = edge_index[1]
    ew = jnp.ones((edge_index.shape[1],), dtype=x.dtype)  # default edge_weights = ones

    def gconv(h, Wr, Wroot, b):
        # PyG GraphConv (aggr='add'): lin_rel(sum_j e_ji * x_j) + lin_root(x_i)
        msg = h[src] * ew[:, None]
        agg = jax.ops.segment_sum(msg, dst, num_segments=h.shape[0])
        return agg @ Wr.T + b + h @ Wroot.T

    def bn(h, g, be):
        mu = jnp.mean(h, axis=0)
        var = jnp.var(h, axis=0)
        return (h - mu) / jnp.sqrt(var + 1e-5) * g + be

    e1 = bn(jax.nn.relu(gconv(x, W1_rel, W1_root, b1)), g1, be1)
    e2 = bn(jax.nn.relu(gconv(e1, W2_rel, W2_root, b2)), g2, be2)
    e3 = jax.nn.relu(gconv(e2, W3_rel, W3_root, b3))
    embs = jnp.concatenate([e1, e2, e3], axis=1)
    return embs @ lin_W.T + lin_b

if __name__ == "__main__":
    import jax
    _d = setup_inputs()
    print(jax.jit(kernel)(*tuple(_d.values())))

</pallas_src>

<mosaic_0001>
#map = affine_map<(d0, d1) -> (0, 0)>
#map1 = affine_map<(d0, d1) -> (0, 0, 0)>
module attributes {stable_mosaic.version = 14 : i64} {
  func.func @_sc_scatter_body(%arg0: i32, %arg1: i32, %arg2: memref<10112x32xf32, #tpu.memory_space<hbm>>, %arg3: memref<2x2500x128xi32, #tpu.memory_space<hbm>>, %arg4: memref<10112x32xf32, #tpu.memory_space<hbm>>, %arg5: memref<2x10112x32xf32, #tpu.memory_space<hbm>>, %arg6: memref<79x128xi32, #tpu.memory_space<vmem>>, %arg7: memref<79x128xi32, #tpu.memory_space<vmem>>, %arg8: memref<128x32xf32, #tpu.memory_space<vmem>>, %arg9: memref<128x32xf32, #tpu.memory_space<vmem>>, %arg10: memref<10112x32xf32, #tpu.memory_space<vmem_shared>>, %arg11: memref<10112x32xf32, #tpu.memory_space<vmem_shared>>, %arg12: memref<!tpu.dma_semaphore, #tpu.memory_space<semaphore_mem>>, %arg13: memref<!tpu.dma_semaphore, #tpu.memory_space<semaphore_mem>>) attributes {dimension_semantics = [#tpu.dimension_semantics<core_parallel>, #tpu.dimension_semantics<subcore_parallel>], iteration_bounds = array<i64: 2, 16>, scalar_prefetch = 0 : i64, scratch_operands = 8 : i64, tpu.core_type = #tpu.core_type<sc_vector_subcore>, window_params = [{transform_indices = #map}, {transform_indices = #map1}, {transform_indices = #map}, {transform_indices = #map1}]} {
    %mul3A = arith.constant 16 : i32
    %mul3A_0 = arith.muli %arg0, %mul3A : i32
    %add3A = arith.addi %mul3A_0, %arg1 : i32
    %mul3A_1 = arith.constant 632 : i32
    %mul3A_2 = arith.muli %arg1, %mul3A_1 : i32
    %multiple_of3A = tpu.assume_multiple %mul3A_2, 8 : i32
    "tpu.region"() ({
      %run_scoped3A_33 = tpu.sem_alloc : memref<!tpu.dma_semaphore, #tpu.memory_space<semaphore_mem>>
      %dma_start3A_34 = arith.constant 0 : i32
      %dma_start3A_35 = tpu.memref_slice %arg10[%multiple_of3A, %dma_start3A_34] : memref<10112x32xf32, #tpu.memory_space<vmem_shared>> -> memref<632x32xf32, #tpu.memory_space<vmem_shared>>
      %dma_start3A_36 = arith.constant 0 : i32
      %dma_start3A_37 = tpu.memref_slice %arg2[%multiple_of3A, %dma_start3A_36] : memref<10112x32xf32, #tpu.memory_space<hbm>> -> memref<632x32xf32, #tpu.memory_space<hbm>>
      tpu.enqueue_dma source(%dma_start3A_37 : memref<632x32xf32, #tpu.memory_space<hbm>>) target(%dma_start3A_35 : memref<632x32xf32, #tpu.memory_space<vmem_shared>>) target_semaphore(%run_scoped3A_33 : memref<!tpu.dma_semaphore, #tpu.memory_space<semaphore_mem>>)
      %dma_wait3A_38 = arith.constant 0 : i32
      %dma_wait3A_39 = tpu.memref_slice %arg10[%multiple_of3A, %dma_wait3A_38] : memref<10112x32xf32, #tpu.memory_space<vmem_shared>> -> memref<632x32xf32, #tpu.memory_space<vmem_shared>>
      %dma_wait3A_40 = arith.constant 0 : i32
      %dma_wait3A_41 = tpu.memref_slice %arg2[%multiple_of3A, %dma_wait3A_40] : memref<10112x32xf32, #tpu.memory_space<hbm>> -> memref<632x32xf32, #tpu.memory_space<hbm>>
      tpu.wait_dma2 semaphore(%run_scoped3A_33 : memref<!tpu.dma_semaphore, #tpu.memory_space<semaphore_mem>>) src(%dma_wait3A_41 : memref<632x32xf32, #tpu.memory_space<hbm>>) dst(%dma_wait3A_39 : memref<632x32xf32, #tpu.memory_space<vmem_shared>>)
      tpu.yield
    }) : () -> ()
    "tpu.region"() ({
      %run_scoped3A_33 = tpu.sem_alloc : memref<!tpu.dma_semaphore, #tpu.memory_space<semaphore_mem>>
      %dma_start3A_34 = arith.constant 0 : i32
      %dma_start3A_35 = tpu.memref_slice %arg11[%multiple_of3A, %dma_start3A_34] : memref<10112x32xf32, #tpu.memory_space<vmem_shared>> -> memref<632x32xf32, #tpu.memory_space<vmem_shared>>
      %dma_start3A_36 = arith.constant 0 : i32
      %dma_start3A_37 = tpu.memref_slice %arg4[%multiple_of3A, %dma_start3A_36] : memref<10112x32xf32, #tpu.memory_space<hbm>> -> memref<632x32xf32, #tpu.memory_space<hbm>>
      tpu.enqueue_dma source(%dma_start3A_37 : memref<632x32xf32, #tpu.memory_space<hbm>>) target(%dma_start3A_35 : memref<632x32xf32, #tpu.memory_space<vmem_shared>>) target_semaphore(%run_scoped3A_33 : memref<!tpu.dma_semaphore, #tpu.memory_space<semaphore_mem>>)
      %dma_wait3A_38 = arith.constant 0 : i32
      %dma_wait3A_39 = tpu.memref_slice %arg11[%multiple_of3A, %dma_wait3A_38] : memref<10112x32xf32, #tpu.memory_space<vmem_shared>> -> memref<632x32xf32, #tpu.memory_space<vmem_shared>>
      %dma_wait3A_40 = arith.constant 0 : i32
      %dma_wait3A_41 = tpu.memref_slice %arg4[%multiple_of3A, %dma_wait3A_40] : memref<10112x32xf32, #tpu.memory_space<hbm>> -> memref<632x32xf32, #tpu.memory_space<hbm>>
      tpu.wait_dma2 semaphore(%run_scoped3A_33 : memref<!tpu.dma_semaphore, #tpu.memory_space<semaphore_mem>>) src(%dma_wait3A_41 : memref<632x32xf32, #tpu.memory_space<hbm>>) dst(%dma_wait3A_39 : memref<632x32xf32, #tpu.memory_space<vmem_shared>>)
      tpu.yield
    }) : () -> ()
    %mul3A_3 = arith.constant 78 : i32
    %mul3A_4 = arith.muli %add3A, %mul3A_3 : i32
    %run_scoped3A = arith.constant 0 : i32
    "tpu.region"() ({
      %run_scoped3A_33 = tpu.sem_alloc : memref<!tpu.dma_semaphore, #tpu.memory_space<semaphore_mem>>
      %dma_start3A_34 = arith.constant 0 : i32
      %dma_start3A_35 = arith.constant 0 : i32
      %dma_start3A_36 = tpu.memref_slice %arg6[%dma_start3A_34, %dma_start3A_35] : memref<79x128xi32, #tpu.memory_space<vmem>> -> memref<78x128xi32, #tpu.memory_space<vmem>>
      %dma_start3A_37 = arith.constant 0 : i32
      %dma_start3A_38 = arith.constant 0 : i32
      %dma_start3A_39 = tpu.memref_slice %arg3[%run_scoped3A, %dma_start3A_37, %dma_start3A_38] : memref<2x2500x128xi32, #tpu.memory_space<hbm>> -> memref<1x2500x128xi32, #tpu.memory_space<hbm>>
      %dma_start3A_40 = tpu.memref_squeeze %dma_start3A_39 : memref<1x2500x128xi32, #tpu.memory_space<hbm>> -> memref<2500x128xi32, #tpu.memory_space<hbm>>
      %dma_start3A_41 = arith.constant 0 : i32
      %dma_start3A_42 = tpu.memref_slice %dma_start3A_40[%mul3A_4, %dma_start3A_41] : memref<2500x128xi32, #tpu.memory_space<hbm>> -> memref<78x128xi32, #tpu.memory_space<hbm>>
      %dma_start3A_43 = arith.constant 0 : i32
      %dma_start3A_44 = arith.constant 0 : i32
      %dma_start3A_45 = tpu.memref_slice %arg6[%dma_start3A_43, %dma_start3A_44] : memref<79x128xi32, #tpu.memory_space<vmem>> -> memref<78x128xi32, #tpu.memory_space<vmem>>
      %dma_start3A_46 = arith.constant 0 : i32
      %dma_start3A_47 = arith.constant 0 : i32
      %dma_start3A_48 = tpu.memref_slice %arg3[%run_scoped3A, %dma_start3A_46, %dma_start3A_47] : memref<2x2500x128xi32, #tpu.memory_space<hbm>> -> memref<1x2500x128xi32, #tpu.memory_space<hbm>>
      %dma_start3A_49 = tpu.memref_squeeze %dma_start3A_48 : memref<1x2500x128xi32, #tpu.memory_space<hbm>> -> memref<2500x128xi32, #tpu.memory_space<hbm>>
      %dma_start3A_50 = arith.constant 0 : i32
      %dma_start3A_51 = tpu.memref_slice %dma_start3A_49[%mul3A_4, %dma_start3A_50] : memref<2500x128xi32, #tpu.memory_space<hbm>> -> memref<78x128xi32, #tpu.memory_space<hbm>>
      tpu.enqueue_dma source(%dma_start3A_51 : memref<78x128xi32, #tpu.memory_space<hbm>>) target(%dma_start3A_45 : memref<78x128xi32, #tpu.memory_space<vmem>>) target_semaphore(%run_scoped3A_33 : memref<!tpu.dma_semaphore, #tpu.memory_space<semaphore_mem>>)
      %dma_wait3A_52 = arith.constant 0 : i32
      %dma_wait3A_53 = arith.constant 0 : i32
      %dma_wait3A_54 = tpu.memref_slice %arg6[%dma_wait3A_52, %dma_wait3A_53] : memref<79x128xi32, #tpu.memory_space<vmem>> -> memref<78x128xi32, #tpu.memory_space<vmem>>
      %dma_wait3A_55 = arith.constant 0 : i32
      %dma_wait3A_56 = arith.constant 0 : i32
      %dma_wait3A_57 = tpu.memref_slice %arg3[%run_scoped3A, %dma_wait3A_55, %dma_wait3A_56] : memref<2x2500x128xi32, #tpu.memory_space<hbm>> -> memref<1x2500x128xi32, #tpu.memory_space<hbm>>
      %dma_wait3A_58 = tpu.memref_squeeze %dma_wait3A_57 : memref<1x2500x128xi32, #tpu.memory_space<hbm>> -> memref<2500x128xi32, #tpu.memory_space<hbm>>
      %dma_wait3A_59 = arith.constant 0 : i32
      %dma_wait3A_60 = tpu.memref_slice %dma_wait3A_58[%mul3A_4, %dma_wait3A_59] : memref<2500x128xi32, #tpu.memory_space<hbm>> -> memref<78x128xi32, #tpu.memory_space<hbm>>
      %dma_wait3A_61 = arith.constant 0 : i32
      %dma_wait3A_62 = arith.constant 0 : i32
      %dma_wait3A_63 = tpu.memref_slice %arg6[%dma_wait3A_61, %dma_wait3A_62] : memref<79x128xi32, #tpu.memory_space<vmem>> -> memref<78x128xi32, #tpu.memory_space<vmem>>
      %dma_wait3A_64 = arith.constant 0 : i32
      %dma_wait3A_65 = arith.constant 0 : i32
      %dma_wait3A_66 = tpu.memref_slice %arg3[%run_scoped3A, %dma_wait3A_64, %dma_wait3A_65] : memref<2x2500x128xi32, #tpu.memory_space<hbm>> -> memref<1x2500x128xi32, #tpu.memory_space<hbm>>
      %dma_wait3A_67 = tpu.memref_squeeze %dma_wait3A_66 : memref<1x2500x128xi32, #tpu.memory_space<hbm>> -> memref<2500x128xi32, #tpu.memory_space<hbm>>
      %dma_wait3A_68 = arith.constant 0 : i32
      %dma_wait3A_69 = tpu.memref_slice %dma_wait3A_67[%mul3A_4, %dma_wait3A_68] : memref<2500x128xi32, #tpu.memory_space<hbm>> -> memref<78x128xi32, #tpu.memory_space<hbm>>
      tpu.wait_dma2 semaphore(%run_scoped3A_33 : memref<!tpu.dma_semaphore, #tpu.memory_space<semaphore_mem>>) src(%dma_wait3A_69 : memref<78x128xi32, #tpu.memory_space<hbm>>) dst(%dma_wait3A_63 : memref<78x128xi32, #tpu.memory_space<vmem>>)
      tpu.yield
    }) : () -> ()
    %mul3A_5 = arith.constant 78 : i32
    %mul3A_6 = arith.muli %add3A, %mul3A_5 : i32
    %run_scoped3A_7 = arith.constant 1 : i32
    "tpu.region"() ({
      %run_scoped3A_33 = tpu.sem_alloc : memref<!tpu.dma_semaphore, #tpu.memory_space<semaphore_mem>>
      %dma_start3A_34 = arith.constant 0 : i32
      %dma_start3A_35 = arith.constant 0 : i32
      %dma_start3A_36 = tpu.memref_slice %arg7[%dma_start3A_34, %dma_start3A_35] : memref<79x128xi32, #tpu.memory_space<vmem>> -> memref<78x128xi32, #tpu.memory_space<vmem>>
      %dma_start3A_37 = arith.constant 0 : i32
      %dma_start3A_38 = arith.constant 0 : i32
      %dma_start3A_39 = tpu.memref_slice %arg3[%run_scoped3A_7, %dma_start3A_37, %dma_start3A_38] : memref<2x2500x128xi32, #tpu.memory_space<hbm>> -> memref<1x2500x128xi32, #tpu.memory_space<hbm>>
      %dma_start3A_40 = tpu.memref_squeeze %dma_start3A_39 : memref<1x2500x128xi32, #tpu.memory_space<hbm>> -> memref<2500x128xi32, #tpu.memory_space<hbm>>
      %dma_start3A_41 = arith.constant 0 : i32
      %dma_start3A_42 = tpu.memref_slice %dma_start3A_40[%mul3A_6, %dma_start3A_41] : memref<2500x128xi32, #tpu.memory_space<hbm>> -> memref<78x128xi32, #tpu.memory_space<hbm>>
      %dma_start3A_43 = arith.constant 0 : i32
      %dma_start3A_44 = arith.constant 0 : i32
      %dma_start3A_45 = tpu.memref_slice %arg7[%dma_start3A_43, %dma_start3A_44] : memref<79x128xi32, #tpu.memory_space<vmem>> -> memref<78x128xi32, #tpu.memory_space<vmem>>
      %dma_start3A_46 = arith.constant 0 : i32
      %dma_start3A_47 = arith.constant 0 : i32
      %dma_start3A_48 = tpu.memref_slice %arg3[%run_scoped3A_7, %dma_start3A_46, %dma_start3A_47] : memref<2x2500x128xi32, #tpu.memory_space<hbm>> -> memref<1x2500x128xi32, #tpu.memory_space<hbm>>
      %dma_start3A_49 = tpu.memref_squeeze %dma_start3A_48 : memref<1x2500x128xi32, #tpu.memory_space<hbm>> -> memref<2500x128xi32, #tpu.memory_space<hbm>>
      %dma_start3A_50 = arith.constant 0 : i32
      %dma_start3A_51 = tpu.memref_slice %dma_start3A_49[%mul3A_6, %dma_start3A_50] : memref<2500x128xi32, #tpu.memory_space<hbm>> -> memref<78x128xi32, #tpu.memory_space<hbm>>
      tpu.enqueue_dma source(%dma_start3A_51 : memref<78x128xi32, #tpu.memory_space<hbm>>) target(%dma_start3A_45 : memref<78x128xi32, #tpu.memory_space<vmem>>) target_semaphore(%run_scoped3A_33 : memref<!tpu.dma_semaphore, #tpu.memory_space<semaphore_mem>>)
      %dma_wait3A_52 = arith.constant 0 : i32
      %dma_wait3A_53 = arith.constant 0 : i32
      %dma_wait3A_54 = tpu.memref_slice %arg7[%dma_wait3A_52, %dma_wait3A_53] : memref<79x128xi32, #tpu.memory_space<vmem>> -> memref<78x128xi32, #tpu.memory_space<vmem>>
      %dma_wait3A_55 = arith.constant 0 : i32
      %dma_wait3A_56 = arith.constant 0 : i32
      %dma_wait3A_57 = tpu.memref_slice %arg3[%run_scoped3A_7, %dma_wait3A_55, %dma_wait3A_56] : memref<2x2500x128xi32, #tpu.memory_space<hbm>> -> memref<1x2500x128xi32, #tpu.memory_space<hbm>>
      %dma_wait3A_58 = tpu.memref_squeeze %dma_wait3A_57 : memref<1x2500x128xi32, #tpu.memory_space<hbm>> -> memref<2500x128xi32, #tpu.memory_space<hbm>>
      %dma_wait3A_59 = arith.constant 0 : i32
      %dma_wait3A_60 = tpu.memref_slice %dma_wait3A_58[%mul3A_6, %dma_wait3A_59] : memref<2500x128xi32, #tpu.memory_space<hbm>> -> memref<78x128xi32, #tpu.memory_space<hbm>>
      %dma_wait3A_61 = arith.constant 0 : i32
      %dma_wait3A_62 = arith.constant 0 : i32
      %dma_wait3A_63 = tpu.memref_slice %arg7[%dma_wait3A_61, %dma_wait3A_62] : memref<79x128xi32, #tpu.memory_space<vmem>> -> memref<78x128xi32, #tpu.memory_space<vmem>>
      %dma_wait3A_64 = arith.constant 0 : i32
      %dma_wait3A_65 = arith.constant 0 : i32
      %dma_wait3A_66 = tpu.memref_slice %arg3[%run_scoped3A_7, %dma_wait3A_64, %dma_wait3A_65] : memref<2x2500x128xi32, #tpu.memory_space<hbm>> -> memref<1x2500x128xi32, #tpu.memory_space<hbm>>
      %dma_wait3A_67 = tpu.memref_squeeze %dma_wait3A_66 : memref<1x2500x128xi32, #tpu.memory_space<hbm>> -> memref<2500x128xi32, #tpu.memory_space<hbm>>
      %dma_wait3A_68 = arith.constant 0 : i32
      %dma_wait3A_69 = tpu.memref_slice %dma_wait3A_67[%mul3A_6, %dma_wait3A_68] : memref<2500x128xi32, #tpu.memory_space<hbm>> -> memref<78x128xi32, #tpu.memory_space<hbm>>
      tpu.wait_dma2 semaphore(%run_scoped3A_33 : memref<!tpu.dma_semaphore, #tpu.memory_space<semaphore_mem>>) src(%dma_wait3A_69 : memref<78x128xi32, #tpu.memory_space<hbm>>) dst(%dma_wait3A_63 : memref<78x128xi32, #tpu.memory_space<vmem>>)
      tpu.yield
    }) : () -> ()
    %lt3A = arith.constant 4 : i32
    %lt3A_8 = arith.cmpi slt, %add3A, %lt3A : i32
    %convert_element_type3A = arith.extui %lt3A_8 : i1 to i32
    %cond3A = arith.constant 0 : i32
    %cond3A_9 = arith.cmpi ne, %convert_element_type3A, %cond3A : i32
    scf.if %cond3A_9 {
      %add3A_33 = arith.constant 2496 : i32
      %add3A_34 = arith.addi %add3A_33, %add3A : i32
      %run_scoped3A_35 = arith.constant 0 : i32
      "tpu.region"() ({
        %run_scoped3A_37 = tpu.sem_alloc : memref<!tpu.dma_semaphore, #tpu.memory_space<semaphore_mem>>
        %dma_start3A_38 = arith.constant 78 : i32
        %dma_start3A_39 = arith.constant 0 : i32
        %dma_start3A_40 = tpu.memref_slice %arg6[%dma_start3A_38, %dma_start3A_39] : memref<79x128xi32, #tpu.memory_space<vmem>> -> memref<1x128xi32, #tpu.memory_space<vmem>>
        %dma_start3A_41 = arith.constant 0 : i32
        %dma_start3A_42 = arith.constant 0 : i32
        %dma_start3A_43 = tpu.memref_slice %arg3[%run_scoped3A_35, %dma_start3A_41, %dma_start3A_42] : memref<2x2500x128xi32, #tpu.memory_space<hbm>> -> memref<1x2500x128xi32, #tpu.memory_space<hbm>>
        %dma_start3A_44 = tpu.memref_squeeze %dma_start3A_43 : memref<1x2500x128xi32, #tpu.memory_space<hbm>> -> memref<2500x128xi32, #tpu.memory_space<hbm>>
        %dma_start3A_45 = arith.constant 0 : i32
        %dma_start3A_46 = tpu.memref_slice %dma_start3A_44[%add3A_34, %dma_start3A_45] : memref<2500x128xi32, #tpu.memory_space<hbm>> -> memref<1x128xi32, #tpu.memory_space<hbm>>
        %dma_start3A_47 = arith.constant 78 : i32
        %dma_start3A_48 = arith.constant 0 : i32
        %dma_start3A_49 = tpu.memref_slice %arg6[%dma_start3A_47, %dma_start3A_48] : memref<79x128xi32, #tpu.memory_space<vmem>> -> memref<1x128xi32, #tpu.memory_space<vmem>>
        %dma_start3A_50 = arith.constant 0 : i32
        %dma_start3A_51 = arith.constant 0 : i32
        %dma_start3A_52 = tpu.memref_slice %arg3[%run_scoped3A_35, %dma_start3A_50, %dma_start3A_51] : memref<2x2500x128xi32, #tpu.memory_space<hbm>> -> memref<1x2500x128xi32, #tpu.memory_space<hbm>>
        %dma_start3A_53 = tpu.memref_squeeze %dma_start3A_52 : memref<1x2500x128xi32, #tpu.memory_space<hbm>> -> memref<2500x128xi32, #tpu.memory_space<hbm>>
        %dma_start3A_54 = arith.constant 0 : i32
        %dma_start3A_55 = tpu.memref_slice %dma_start3A_53[%add3A_34, %dma_start3A_54] : memref<2500x128xi32, #tpu.memory_space<hbm>> -> memref<1x128xi32, #tpu.memory_space<hbm>>
        tpu.enqueue_dma source(%dma_start3A_55 : memref<1x128xi32, #tpu.memory_space<hbm>>) target(%dma_start3A_49 : memref<1x128xi32, #tpu.memory_space<vmem>>) target_semaphore(%run_scoped3A_37 : memref<!tpu.dma_semaphore, #tpu.memory_space<semaphore_mem>>)
        %dma_wait3A_56 = arith.constant 78 : i32
        %dma_wait3A_57 = arith.constant 0 : i32
        %dma_wait3A_58 = tpu.memref_slice %arg6[%dma_wait3A_56, %dma_wait3A_57] : memref<79x128xi32, #tpu.memory_space<vmem>> -> memref<1x128xi32, #tpu.memory_space<vmem>>
        %dma_wait3A_59 = arith.constant 0 : i32
        %dma_wait3A_60 = arith.constant 0 : i32
        %dma_wait3A_61 = tpu.memref_slice %arg3[%run_scoped3A_35, %dma_wait3A_59, %dma_wait3A_60] : memref<2x2500x128xi32, #tpu.memory_space<hbm>> -> memref<1x2500x128xi32, #tpu.memory_space<hbm>>
        %dma_wait3A_62 = tpu.memref_squeeze %dma_wait3A_61 : memref<1x2500x128xi32, #tpu.memory_space<hbm>> -> memref<2500x128xi32, #tpu.memory_space<hbm>>
        %dma_wait3A_63 = arith.constant 0 : i32
        %dma_wait3A_64 = tpu.memref_slice %dma_wait3A_62[%add3A_34, %dma_wait3A_63] : memref<2500x128xi32, #tpu.memory_space<hbm>> -> memref<1x128xi32, #tpu.memory_space<hbm>>
        %dma_wait3A_65 = arith.constant 78 : i32
        %dma_wait3A_66 = arith.constant 0 : i32
        %dma_wait3A_67 = tpu.memref_slice %arg6[%dma_wait3A_65, %dma_wait3A_66] : memref<79x128xi32, #tpu.memory_space<vmem>> -> memref<1x128xi32, #tpu.memory_space<vmem>>
        %dma_wait3A_68 = arith.constant 0 : i32
        %dma_wait3A_69 = arith.constant 0 : i32
        %dma_wait3A_70 = tpu.memref_slice %arg3[%run_scoped3A_35, %dma_wait3A_68, %dma_wait3A_69] : memref<2x2500x128xi32, #tpu.memory_space<hbm>> -> memref<1x2500x128xi32, #tpu.memory_space<hbm>>
        %dma_wait3A_71 = tpu.memref_squeeze %dma_wait3A_70 : memref<1x2500x128xi32, #tpu.memory_space<hbm>> -> memref<2500x128xi32, #tpu.memory_space<hbm>>
        %dma_wait3A_72 = arith.constant 0 : i32
        %dma_wait3A_73 = tpu.memref_slice %dma_wait3A_71[%add3A_34, %dma_wait3A_72] : memref<2500x128xi32, #tpu.memory_space<hbm>> -> memref<1x128xi32, #tpu.memory_space<hbm>>
        tpu.wait_dma2 semaphore(%run_scoped3A_37 : memref<!tpu.dma_semaphore, #tpu.memory_space<semaphore_mem>>) src(%dma_wait3A_73 : memref<1x128xi32, #tpu.memory_space<hbm>>) dst(%dma_wait3A_67 : memref<1x128xi32, #tpu.memory_space<vmem>>)
        tpu.yield
      }) : () -> ()
      %run_scoped3A_36 = arith.constant 1 : i32
      "tpu.region"() ({
        %run_scoped3A_37 = tpu.sem_alloc : memref<!tpu.dma_semaphore, #tpu.memory_space<semaphore_mem>>
        %dma_start3A_38 = arith.constant 78 : i32
        %dma_start3A_39 = arith.constant 0 : i32
        %dma_start3A_40 = tpu.memref_slice %arg7[%dma_start3A_38, %dma_start3A_39] : memref<79x128xi32, #tpu.memory_space<vmem>> -> memref<1x128xi32, #tpu.memory_space<vmem>>
        %dma_start3A_41 = arith.constant 0 : i32
        %dma_start3A_42 = arith.constant 0 : i32
        %dma_start3A_43 = tpu.memref_slice %arg3[%run_scoped3A_36, %dma_start3A_41, %dma_start3A_42] : memref<2x2500x128xi32, #tpu.memory_space<hbm>> -> memref<1x2500x128xi32, #tpu.memory_space<hbm>>
        %dma_start3A_44 = tpu.memref_squeeze %dma_start3A_43 : memref<1x2500x128xi32, #tpu.memory_space<hbm>> -> memref<2500x128xi32, #tpu.memory_space<hbm>>
        %dma_start3A_45 = arith.constant 0 : i32
        %dma_start3A_46 = tpu.memref_slice %dma_start3A_44[%add3A_34, %dma_start3A_45] : memref<2500x128xi32, #tpu.memory_space<hbm>> -> memref<1x128xi32, #tpu.memory_space<hbm>>
        %dma_start3A_47 = arith.constant 78 : i32
        %dma_start3A_48 = arith.constant 0 : i32
        %dma_start3A_49 = tpu.memref_slice %arg7[%dma_start3A_47, %dma_start3A_48] : memref<79x128xi32, #tpu.memory_space<vmem>> -> memref<1x128xi32, #tpu.memory_space<vmem>>
        %dma_start3A_50 = arith.constant 0 : i32
        %dma_start3A_51 = arith.constant 0 : i32
        %dma_start3A_52 = tpu.memref_slice %arg3[%run_scoped3A_36, %dma_start3A_50, %dma_start3A_51] : memref<2x2500x128xi32, #tpu.memory_space<hbm>> -> memref<1x2500x128xi32, #tpu.memory_space<hbm>>
        %dma_start3A_53 = tpu.memref_squeeze %dma_start3A_52 : memref<1x2500x128xi32, #tpu.memory_space<hbm>> -> memref<2500x128xi32, #tpu.memory_space<hbm>>
        %dma_start3A_54 = arith.constant 0 : i32
        %dma_start3A_55 = tpu.memref_slice %dma_start3A_53[%add3A_34, %dma_start3A_54] : memref<2500x128xi32, #tpu.memory_space<hbm>> -> memref<1x128xi32, #tpu.memory_space<hbm>>
        tpu.enqueue_dma source(%dma_start3A_55 : memref<1x128xi32, #tpu.memory_space<hbm>>) target(%dma_start3A_49 : memref<1x128xi32, #tpu.memory_space<vmem>>) target_semaphore(%run_scoped3A_37 : memref<!tpu.dma_semaphore, #tpu.memory_space<semaphore_mem>>)
        %dma_wait3A_56 = arith.constant 78 : i32
        %dma_wait3A_57 = arith.constant 0 : i32
        %dma_wait3A_58 = tpu.memref_slice %arg7[%dma_wait3A_56, %dma_wait3A_57] : memref<79x128xi32, #tpu.memory_space<vmem>> -> memref<1x128xi32, #tpu.memory_space<vmem>>
        %dma_wait3A_59 = arith.constant 0 : i32
        %dma_wait3A_60 = arith.constant 0 : i32
        %dma_wait3A_61 = tpu.memref_slice %arg3[%run_scoped3A_36, %dma_wait3A_59, %dma_wait3A_60] : memref<2x2500x128xi32, #tpu.memory_space<hbm>> -> memref<1x2500x128xi32, #tpu.memory_space<hbm>>
        %dma_wait3A_62 = tpu.memref_squeeze %dma_wait3A_61 : memref<1x2500x128xi32, #tpu.memory_space<hbm>> -> memref<2500x128xi32, #tpu.memory_space<hbm>>
        %dma_wait3A_63 = arith.constant 0 : i32
        %dma_wait3A_64 = tpu.memref_slice %dma_wait3A_62[%add3A_34, %dma_wait3A_63] : memref<2500x128xi32, #tpu.memory_space<hbm>> -> memref<1x128xi32, #tpu.memory_space<hbm>>
        %dma_wait3A_65 = arith.constant 78 : i32
        %dma_wait3A_66 = arith.constant 0 : i32
        %dma_wait3A_67 = tpu.memref_slice %arg7[%dma_wait3A_65, %dma_wait3A_66] : memref<79x128xi32, #tpu.memory_space<vmem>> -> memref<1x128xi32, #tpu.memory_space<vmem>>
        %dma_wait3A_68 = arith.constant 0 : i32
        %dma_wait3A_69 = arith.constant 0 : i32
        %dma_wait3A_70 = tpu.memref_slice %arg3[%run_scoped3A_36, %dma_wait3A_68, %dma_wait3A_69] : memref<2x2500x128xi32, #tpu.memory_space<hbm>> -> memref<1x2500x128xi32, #tpu.memory_space<hbm>>
        %dma_wait3A_71 = tpu.memref_squeeze %dma_wait3A_70 : memref<1x2500x128xi32, #tpu.memory_space<hbm>> -> memref<2500x128xi32, #tpu.memory_space<hbm>>
        %dma_wait3A_72 = arith.constant 0 : i32
        %dma_wait3A_73 = tpu.memref_slice %dma_wait3A_71[%add3A_34, %dma_wait3A_72] : memref<2500x128xi32, #tpu.memory_space<hbm>> -> memref<1x128xi32, #tpu.memory_space<hbm>>
        tpu.wait_dma2 semaphore(%run_scoped3A_37 : memref<!tpu.dma_semaphore, #tpu.memory_space<semaphore_mem>>) src(%dma_wait3A_73 : memref<1x128xi32, #tpu.memory_space<hbm>>) dst(%dma_wait3A_67 : memref<1x128xi32, #tpu.memory_space<vmem>>)
        tpu.yield
      }) : () -> ()
    } else {
    }
    %barrier3A = arith.constant 0 : index
    tpu.barrier barrier_id(%barrier3A)
    %dma_start3A = arith.constant 0 : i32
    %dma_start3A_10 = arith.constant 0 : i32
    %dma_start3A_11 = tpu.memref_slice %arg6[%dma_start3A, %dma_start3A_10] : memref<79x128xi32, #tpu.memory_space<vmem>> -> memref<1x128xi32, #tpu.memory_space<vmem>>
    %dma_start3A_12 = tpu.memref_squeeze %dma_start3A_11 : memref<1x128xi32, #tpu.memory_space<vmem>> -> memref<128xi32, #tpu.memory_space<vmem>>
    %dma_start3A_13 = arith.constant 0 : i32
    %dma_start3A_14 = arith.constant 0 : i32
    %dma_start3A_15 = tpu.memref_slice %arg10[%dma_start3A_13, %dma_start3A_14] : memref<10112x32xf32, #tpu.memory_space<vmem_shared>> -> memref<10112x32xf32, #tpu.memory_space<vmem_shared>>
    tpu.enqueue_indirect_dma source(%dma_start3A_15 : memref<10112x32xf32, #tpu.memory_space<vmem_shared>>) target(%arg8 : memref<128x32xf32, #tpu.memory_space<vmem>>) offsets(%dma_start3A_12 : memref<128xi32, #tpu.memory_space<vmem>>) semaphore(%arg12 : memref<!tpu.dma_semaphore, #tpu.memory_space<semaphore_mem>>)
    %scan3A = arith.constant 0 : i32
    %scan3A_16 = arith.constant 0 : i32
    %scan3A_17 = arith.constant 39 : i32
    %scan3A_18 = arith.addi %scan3A_16, %scan3A_17 : i32
    %scan3A_19 = arith.constant 1 : i32
    scf.for %scan3A_33 = %scan3A_16 to %scan3A_18 step %scan3A_19  : i32 {
      %mul3A_34 = arith.constant 2 : i32
      %mul3A_35 = arith.muli %mul3A_34, %scan3A_33 : i32
      %mul3A_36 = arith.constant 2 : i32
      %mul3A_37 = arith.muli %mul3A_36, %scan3A_33 : i32
      %add3A_38 = arith.constant 1 : i32
      %add3A_39 = arith.addi %mul3A_37, %add3A_38 : i32
      %mul3A_40 = arith.constant 2 : i32
      %mul3A_41 = arith.muli %mul3A_40, %scan3A_33 : i32
      %add3A_42 = arith.constant 2 : i32
      %add3A_43 = arith.addi %mul3A_41, %add3A_42 : i32
      %min3A = arith.constant 77 : i32
      %min3A_44 = arith.minsi %add3A_43, %min3A : i32
      %dma_start3A_45 = arith.constant 0 : i32
      %dma_start3A_46 = tpu.memref_slice %arg6[%add3A_39, %dma_start3A_45] : memref<79x128xi32, #tpu.memory_space<vmem>> -> memref<1x128xi32, #tpu.memory_space<vmem>>
      %dma_start3A_47 = tpu.memref_squeeze %dma_start3A_46 : memref<1x128xi32, #tpu.memory_space<vmem>> -> memref<128xi32, #tpu.memory_space<vmem>>
      %dma_start3A_48 = arith.constant 0 : i32
      %dma_start3A_49 = arith.constant 0 : i32
      %dma_start3A_50 = tpu.memref_slice %arg10[%dma_start3A_48, %dma_start3A_49] : memref<10112x32xf32, #tpu.memory_space<vmem_shared>> -> memref<10112x32xf32, #tpu.memory_space<vmem_shared>>
      tpu.enqueue_indirect_dma source(%dma_start3A_50 : memref<10112x32xf32, #tpu.memory_space<vmem_shared>>) target(%arg9 : memref<128x32xf32, #tpu.memory_space<vmem>>) offsets(%dma_start3A_47 : memref<128xi32, #tpu.memory_space<vmem>>) semaphore(%arg13 : memref<!tpu.dma_semaphore, #tpu.memory_space<semaphore_mem>>)
      %dma_wait3A_51 = arith.constant 0 : i32
      %dma_wait3A_52 = tpu.memref_slice %arg6[%mul3A_35, %dma_wait3A_51] : memref<79x128xi32, #tpu.memory_space<vmem>> -> memref<1x128xi32, #tpu.memory_space<vmem>>
      %dma_wait3A_53 = tpu.memref_squeeze %dma_wait3A_52 : memref<1x128xi32, #tpu.memory_space<vmem>> -> memref<128xi32, #tpu.memory_space<vmem>>
      %dma_wait3A_54 = arith.constant 0 : i32
      %dma_wait3A_55 = arith.constant 0 : i32
      %dma_wait3A_56 = tpu.memref_slice %arg10[%dma_wait3A_54, %dma_wait3A_55] : memref<10112x32xf32, #tpu.memory_space<vmem_shared>> -> memref<10112x32xf32, #tpu.memory_space<vmem_shared>>
      tpu.wait_indirect_dma semaphore(%arg12 : memref<!tpu.dma_semaphore, #tpu.memory_space<semaphore_mem>>) src(%dma_wait3A_56 : memref<10112x32xf32, #tpu.memory_space<vmem_shared>>) dst(%arg8 : memref<128x32xf32, #tpu.memory_space<vmem>>)
      "tpu.region"() ({
        %run_scoped3A_69 = tpu.sem_alloc : memref<!tpu.dma_semaphore, #tpu.memory_space<semaphore_mem>>
        %dma_start3A_70 = arith.constant 0 : i32
        %dma_start3A_71 = tpu.memref_slice %arg7[%mul3A_35, %dma_start3A_70] : memref<79x128xi32, #tpu.memory_space<vmem>> -> memref<1x128xi32, #tpu.memory_space<vmem>>
        %dma_start3A_72 = tpu.memref_squeeze %dma_start3A_71 : memref<1x128xi32, #tpu.memory_space<vmem>> -> memref<128xi32, #tpu.memory_space<vmem>>
        %dma_start3A_73 = arith.constant 0 : i32
        %dma_start3A_74 = arith.constant 0 : i32
        %dma_start3A_75 = tpu.memref_slice %arg11[%dma_start3A_73, %dma_start3A_74] : memref<10112x32xf32, #tpu.memory_space<vmem_shared>> -> memref<10112x32xf32, #tpu.memory_space<vmem_shared>>
        tpu.enqueue_indirect_dma source(%arg8 : memref<128x32xf32, #tpu.memory_space<vmem>>) target(%dma_start3A_75 : memref<10112x32xf32, #tpu.memory_space<vmem_shared>>) offsets(%dma_start3A_72 : memref<128xi32, #tpu.memory_space<vmem>>) semaphore(%run_scoped3A_69 : memref<!tpu.dma_semaphore, #tpu.memory_space<semaphore_mem>>) {add = true}
        %dma_wait3A_76 = arith.constant 0 : i32
        %dma_wait3A_77 = tpu.memref_slice %arg7[%mul3A_35, %dma_wait3A_76] : memref<79x128xi32, #tpu.memory_space<vmem>> -> memref<1x128xi32, #tpu.memory_space<vmem>>
        %dma_wait3A_78 = tpu.memref_squeeze %dma_wait3A_77 : memref<1x128xi32, #tpu.memory_space<vmem>> -> memref<128xi32, #tpu.memory_space<vmem>>
        %dma_wait3A_79 = arith.constant 0 : i32
        %dma_wait3A_80 = arith.constant 0 : i32
        %dma_wait3A_81 = tpu.memref_slice %arg11[%dma_wait3A_79, %dma_wait3A_80] : memref<10112x32xf32, #tpu.memory_space<vmem_shared>> -> memref<10112x32xf32, #tpu.memory_space<vmem_shared>>
        tpu.wait_indirect_dma semaphore(%run_scoped3A_69 : memref<!tpu.dma_semaphore, #tpu.memory_space<semaphore_mem>>) src(%arg8 : memref<128x32xf32, #tpu.memory_space<vmem>>) dst(%dma_wait3A_81 : memref<10112x32xf32, #tpu.memory_space<vmem_shared>>)
        tpu.yield
      }) : () -> ()
      %dma_start3A_57 = arith.constant 0 : i32
      %dma_start3A_58 = tpu.memref_slice %arg6[%min3A_44, %dma_start3A_57] : memref<79x128xi32, #tpu.memory_space<vmem>> -> memref<1x128xi32, #tpu.memory_space<vmem>>
      %dma_start3A_59 = tpu.memref_squeeze %dma_start3A_58 : memref<1x128xi32, #tpu.memory_space<vmem>> -> memref<128xi32, #tpu.memory_space<vmem>>
      %dma_start3A_60 = arith.constant 0 : i32
      %dma_start3A_61 = arith.constant 0 : i32
      %dma_start3A_62 = tpu.memref_slice %arg10[%dma_start3A_60, %dma_start3A_61] : memref<10112x32xf32, #tpu.memory_space<vmem_shared>> -> memref<10112x32xf32, #tpu.memory_space<vmem_shared>>
      tpu.enqueue_indirect_dma source(%dma_start3A_62 : memref<10112x32xf32, #tpu.memory_space<vmem_shared>>) target(%arg8 : memref<128x32xf32, #tpu.memory_space<vmem>>) offsets(%dma_start3A_59 : memref<128xi32, #tpu.memory_space<vmem>>) semaphore(%arg12 : memref<!tpu.dma_semaphore, #tpu.memory_space<semaphore_mem>>)
      %dma_wait3A_63 = arith.constant 0 : i32
      %dma_wait3A_64 = tpu.memref_slice %arg6[%add3A_39, %dma_wait3A_63] : memref<79x128xi32, #tpu.memory_space<vmem>> -> memref<1x128xi32, #tpu.memory_space<vmem>>
      %dma_wait3A_65 = tpu.memref_squeeze %dma_wait3A_64 : memref<1x128xi32, #tpu.memory_space<vmem>> -> memref<128xi32, #tpu.memory_space<vmem>>
      %dma_wait3A_66 = arith.constant 0 : i32
      %dma_wait3A_67 = arith.constant 0 : i32
      %dma_wait3A_68 = tpu.memref_slice %arg10[%dma_wait3A_66, %dma_wait3A_67] : memref<10112x32xf32, #tpu.memory_space<vmem_shared>> -> memref<10112x32xf32, #tpu.memory_space<vmem_shared>>
      tpu.wait_indirect_dma semaphore(%arg13 : memref<!tpu.dma_semaphore, #tpu.memory_space<semaphore_mem>>) src(%dma_wait3A_68 : memref<10112x32xf32, #tpu.memory_space<vmem_shared>>) dst(%arg9 : memref<128x32xf32, #tpu.memory_space<vmem>>)
      "tpu.region"() ({
        %run_scoped3A_69 = tpu.sem_alloc : memref<!tpu.dma_semaphore, #tpu.memory_space<semaphore_mem>>
        %dma_start3A_70 = arith.constant 0 : i32
        %dma_start3A_71 = tpu.memref_slice %arg7[%add3A_39, %dma_start3A_70] : memref<79x128xi32, #tpu.memory_space<vmem>> -> memref<1x128xi32, #tpu.memory_space<vmem>>
        %dma_start3A_72 = tpu.memref_squeeze %dma_start3A_71 : memref<1x128xi32, #tpu.memory_space<vmem>> -> memref<128xi32, #tpu.memory_space<vmem>>
        %dma_start3A_73 = arith.constant 0 : i32
        %dma_start3A_74 = arith.constant 0 : i32
        %dma_start3A_75 = tpu.memref_slice %arg11[%dma_start3A_73, %dma_start3A_74] : memref<10112x32xf32, #tpu.memory_space<vmem_shared>> -> memref<10112x32xf32, #tpu.memory_space<vmem_shared>>
        tpu.enqueue_indirect_dma source(%arg9 : memref<128x32xf32, #tpu.memory_space<vmem>>) target(%dma_start3A_75 : memref<10112x32xf32, #tpu.memory_space<vmem_shared>>) offsets(%dma_start3A_72 : memref<128xi32, #tpu.memory_space<vmem>>) semaphore(%run_scoped3A_69 : memref<!tpu.dma_semaphore, #tpu.memory_space<semaphore_mem>>) {add = true}
        %dma_wait3A_76 = arith.constant 0 : i32
        %dma_wait3A_77 = tpu.memref_slice %arg7[%add3A_39, %dma_wait3A_76] : memref<79x128xi32, #tpu.memory_space<vmem>> -> memref<1x128xi32, #tpu.memory_space<vmem>>
        %dma_wait3A_78 = tpu.memref_squeeze %dma_wait3A_77 : memref<1x128xi32, #tpu.memory_space<vmem>> -> memref<128xi32, #tpu.memory_space<vmem>>
        %dma_wait3A_79 = arith.constant 0 : i32
        %dma_wait3A_80 = arith.constant 0 : i32
        %dma_wait3A_81 = tpu.memref_slice %arg11[%dma_wait3A_79, %dma_wait3A_80] : memref<10112x32xf32, #tpu.memory_space<vmem_shared>> -> memref<10112x32xf32, #tpu.memory_space<vmem_shared>>
        tpu.wait_indirect_dma semaphore(%run_scoped3A_69 : memref<!tpu.dma_semaphore, #tpu.memory_space<semaphore_mem>>) src(%arg9 : memref<128x32xf32, #tpu.memory_space<vmem>>) dst(%dma_wait3A_81 : memref<10112x32xf32, #tpu.memory_space<vmem_shared>>)
        tpu.yield
      }) : () -> ()
    }
    %scan3A_20 = arith.constant 39 : i32
    %dma_wait3A = arith.constant 77 : i32
    %dma_wait3A_21 = arith.constant 0 : i32
    %dma_wait3A_22 = tpu.memref_slice %arg6[%dma_wait3A, %dma_wait3A_21] : memref<79x128xi32, #tpu.memory_space<vmem>> -> memref<1x128xi32, #tpu.memory_space<vmem>>
    %dma_wait3A_23 = tpu.memref_squeeze %dma_wait3A_22 : memref<1x128xi32, #tpu.memory_space<vmem>> -> memref<128xi32, #tpu.memory_space<vmem>>
    %dma_wait3A_24 = arith.constant 0 : i32
    %dma_wait3A_25 = arith.constant 0 : i32
    %dma_wait3A_26 = tpu.memref_slice %arg10[%dma_wait3A_24, %dma_wait3A_25] : memref<10112x32xf32, #tpu.memory_space<vmem_shared>> -> memref<10112x32xf32, #tpu.memory_space<vmem_shared>>
    tpu.wait_indirect_dma semaphore(%arg12 : memref<!tpu.dma_semaphore, #tpu.memory_space<semaphore_mem>>) src(%dma_wait3A_26 : memref<10112x32xf32, #tpu.memory_space<vmem_shared>>) dst(%arg8 : memref<128x32xf32, #tpu.memory_space<vmem>>)
    %lt3A_27 = arith.constant 4 : i32
    %lt3A_28 = arith.cmpi slt, %add3A, %lt3A_27 : i32
    %convert_element_type3A_29 = arith.extui %lt3A_28 : i1 to i32
    %cond3A_30 = arith.constant 0 : i32
    %cond3A_31 = arith.cmpi ne, %convert_element_type3A_29, %cond3A_30 : i32
    scf.if %cond3A_31 {
      %dma_start3A_33 = arith.constant 78 : i32
      %dma_start3A_34 = arith.constant 0 : i32
      %dma_start3A_35 = tpu.memref_slice %arg6[%dma_start3A_33, %dma_start3A_34] : memref<79x128xi32, #tpu.memory_space<vmem>> -> memref<1x128xi32, #tpu.memory_space<vmem>>
      %dma_start3A_36 = tpu.memref_squeeze %dma_start3A_35 : memref<1x128xi32, #tpu.memory_space<vmem>> -> memref<128xi32, #tpu.memory_space<vmem>>
      %dma_start3A_37 = arith.constant 0 : i32
      %dma_start3A_38 = arith.constant 0 : i32
      %dma_start3A_39 = tpu.memref_slice %arg10[%dma_start3A_37, %dma_start3A_38] : memref<10112x32xf32, #tpu.memory_space<vmem_shared>> -> memref<10112x32xf32, #tpu.memory_space<vmem_shared>>
      tpu.enqueue_indirect_dma source(%dma_start3A_39 : memref<10112x32xf32, #tpu.memory_space<vmem_shared>>) target(%arg8 : memref<128x32xf32, #tpu.memory_space<vmem>>) offsets(%dma_start3A_36 : memref<128xi32, #tpu.memory_space<vmem>>) semaphore(%arg12 : memref<!tpu.dma_semaphore, #tpu.memory_space<semaphore_mem>>)
      %dma_wait3A_40 = arith.constant 78 : i32
      %dma_wait3A_41 = arith.constant 0 : i32
      %dma_wait3A_42 = tpu.memref_slice %arg6[%dma_wait3A_40, %dma_wait3A_41] : memref<79x128xi32, #tpu.memory_space<vmem>> -> memref<1x128xi32, #tpu.memory_space<vmem>>
      %dma_wait3A_43 = tpu.memref_squeeze %dma_wait3A_42 : memref<1x128xi32, #tpu.memory_space<vmem>> -> memref<128xi32, #tpu.memory_space<vmem>>
      %dma_wait3A_44 = arith.constant 0 : i32
      %dma_wait3A_45 = arith.constant 0 : i32
      %dma_wait3A_46 = tpu.memref_slice %arg10[%dma_wait3A_44, %dma_wait3A_45] : memref<10112x32xf32, #tpu.memory_space<vmem_shared>> -> memref<10112x32xf32, #tpu.memory_space<vmem_shared>>
      tpu.wait_indirect_dma semaphore(%arg12 : memref<!tpu.dma_semaphore, #tpu.memory_space<semaphore_mem>>) src(%dma_wait3A_46 : memref<10112x32xf32, #tpu.memory_space<vmem_shared>>) dst(%arg8 : memref<128x32xf32, #tpu.memory_space<vmem>>)
      %run_scoped3A_47 = arith.constant 78 : i32
      "tpu.region"() ({
        %run_scoped3A_48 = tpu.sem_alloc : memref<!tpu.dma_semaphore, #tpu.memory_space<semaphore_mem>>
        %dma_start3A_49 = arith.constant 0 : i32
        %dma_start3A_50 = tpu.memref_slice %arg7[%run_scoped3A_47, %dma_start3A_49] : memref<79x128xi32, #tpu.memory_space<vmem>> -> memref<1x128xi32, #tpu.memory_space<vmem>>
        %dma_start3A_51 = tpu.memref_squeeze %dma_start3A_50 : memref<1x128xi32, #tpu.memory_space<vmem>> -> memref<128xi32, #tpu.memory_space<vmem>>
        %dma_start3A_52 = arith.constant 0 : i32
        %dma_start3A_53 = arith.constant 0 : i32
        %dma_start3A_54 = tpu.memref_slice %arg11[%dma_start3A_52, %dma_start3A_53] : memref<10112x32xf32, #tpu.memory_space<vmem_shared>> -> memref<10112x32xf32, #tpu.memory_space<vmem_shared>>
        tpu.enqueue_indirect_dma source(%arg8 : memref<128x32xf32, #tpu.memory_space<vmem>>) target(%dma_start3A_54 : memref<10112x32xf32, #tpu.memory_space<vmem_shared>>) offsets(%dma_start3A_51 : memref<128xi32, #tpu.memory_space<vmem>>) semaphore(%run_scoped3A_48 : memref<!tpu.dma_semaphore, #tpu.memory_space<semaphore_mem>>) {add = true}
        %dma_wait3A_55 = arith.constant 0 : i32
        %dma_wait3A_56 = tpu.memref_slice %arg7[%run_scoped3A_47, %dma_wait3A_55] : memref<79x128xi32, #tpu.memory_space<vmem>> -> memref<1x128xi32, #tpu.memory_space<vmem>>
        %dma_wait3A_57 = tpu.memref_squeeze %dma_wait3A_56 : memref<1x128xi32, #tpu.memory_space<vmem>> -> memref<128xi32, #tpu.memory_space<vmem>>
        %dma_wait3A_58 = arith.constant 0 : i32
        %dma_wait3A_59 = arith.constant 0 : i32
        %dma_wait3A_60 = tpu.memref_slice %arg11[%dma_wait3A_58, %dma_wait3A_59] : memref<10112x32xf32, #tpu.memory_space<vmem_shared>> -> memref<10112x32xf32, #tpu.memory_space<vmem_shared>>
        tpu.wait_indirect_dma semaphore(%run_scoped3A_48 : memref<!tpu.dma_semaphore, #tpu.memory_space<semaphore_mem>>) src(%arg8 : memref<128x32xf32, #tpu.memory_space<vmem>>) dst(%dma_wait3A_60 : memref<10112x32xf32, #tpu.memory_space<vmem_shared>>)
        tpu.yield
      }) : () -> ()
    } else {
    }
    %barrier3A_32 = arith.constant 0 : index
    tpu.barrier barrier_id(%barrier3A_32)
    "tpu.region"() ({
      %run_scoped3A_33 = tpu.sem_alloc : memref<!tpu.dma_semaphore, #tpu.memory_space<semaphore_mem>>
      %dma_start3A_34 = arith.constant 0 : i32
      %dma_start3A_35 = arith.constant 0 : i32
      %dma_start3A_36 = tpu.memref_slice %arg5[%arg0, %dma_start3A_34, %dma_start3A_35] : memref<2x10112x32xf32, #tpu.memory_space<hbm>> -> memref<1x10112x32xf32, #tpu.memory_space<hbm>>
      %dma_start3A_37 = tpu.memref_squeeze %dma_start3A_36 : memref<1x10112x32xf32, #tpu.memory_space<hbm>> -> memref<10112x32xf32, #tpu.memory_space<hbm>>
      %dma_start3A_38 = arith.constant 0 : i32
      %dma_start3A_39 = tpu.memref_slice %dma_start3A_37[%multiple_of3A, %dma_start3A_38] : memref<10112x32xf32, #tpu.memory_space<hbm>> -> memref<632x32xf32, #tpu.memory_space<hbm>>
      %dma_start3A_40 = arith.constant 0 : i32
      %dma_start3A_41 = tpu.memref_slice %arg11[%multiple_of3A, %dma_start3A_40] : memref<10112x32xf32, #tpu.memory_space<vmem_shared>> -> memref<632x32xf32, #tpu.memory_space<vmem_shared>>
      tpu.enqueue_dma source(%dma_start3A_41 : memref<632x32xf32, #tpu.memory_space<vmem_shared>>) target(%dma_start3A_39 : memref<632x32xf32, #tpu.memory_space<hbm>>) target_semaphore(%run_scoped3A_33 : memref<!tpu.dma_semaphore, #tpu.memory_space<semaphore_mem>>)
      %dma_wait3A_42 = arith.constant 0 : i32
      %dma_wait3A_43 = arith.constant 0 : i32
      %dma_wait3A_44 = tpu.memref_slice %arg5[%arg0, %dma_wait3A_42, %dma_wait3A_43] : memref<2x10112x32xf32, #tpu.memory_space<hbm>> -> memref<1x10112x32xf32, #tpu.memory_space<hbm>>
      %dma_wait3A_45 = tpu.memref_squeeze %dma_wait3A_44 : memref<1x10112x32xf32, #tpu.memory_space<hbm>> -> memref<10112x32xf32, #tpu.memory_space<hbm>>
      %dma_wait3A_46 = arith.constant 0 : i32
      %dma_wait3A_47 = tpu.memref_slice %dma_wait3A_45[%multiple_of3A, %dma_wait3A_46] : memref<10112x32xf32, #tpu.memory_space<hbm>> -> memref<632x32xf32, #tpu.memory_space<hbm>>
      %dma_wait3A_48 = arith.constant 0 : i32
      %dma_wait3A_49 = tpu.memref_slice %arg11[%multiple_of3A, %dma_wait3A_48] : memref<10112x32xf32, #tpu.memory_space<vmem_shared>> -> memref<632x32xf32, #tpu.memory_space<vmem_shared>>
      tpu.wait_dma2 semaphore(%run_scoped3A_33 : memref<!tpu.dma_semaphore, #tpu.memory_space<semaphore_mem>>) src(%dma_wait3A_49 : memref<632x32xf32, #tpu.memory_space<vmem_shared>>) dst(%dma_wait3A_47 : memref<632x32xf32, #tpu.memory_space<hbm>>)
      tpu.yield
    }) : () -> ()
    return
  }
}

#map = affine_map<(d0, d1) -> (0, 0)>
#map1 = affine_map<(d0, d1) -> (0, 0, 0)>
module attributes {stable_mosaic.version = 14 : i64} {
  func.func @_sc_scatter_body(%arg0: i32, %arg1: i32, %arg2: memref<10112x32xf32, #tpu.memory_space<hbm>>, %arg3: memref<2x2500x128xi32, #tpu.memory_space<hbm>>, %arg4: memref<10112x32xf32, #tpu.memory_space<hbm>>, %arg5: memref<2x10112x32xf32, #tpu.memory_space<hbm>>, %arg6: memref<79x128xi32, #tpu.memory_space<vmem>>, %arg7: memref<79x128xi32, #tpu.memory_space<vmem>>, %arg8: memref<128x32xf32, #tpu.memory_space<vmem>>, %arg9: memref<128x32xf32, #tpu.memory_space<vmem>>, %arg10: memref<10112x32xf32, #tpu.memory_space<vmem_shared>>, %arg11: memref<10112x32xf32, #tpu.memory_space<vmem_shared>>, %arg12: memref<!tpu.dma_semaphore, #tpu.memory_space<semaphore_mem>>, %arg13: memref<!tpu.dma_semaphore, #tpu.memory_space<semaphore_mem>>) attributes {dimension_semantics = [#tpu.dimension_semantics<core_parallel>, #tpu.dimension_semantics<subcore_parallel>], iteration_bounds = array<i64: 2, 16>, scalar_prefetch = 0 : i64, scratch_operands = 8 : i64, tpu.core_type = #tpu.core_type<sc_vector_subcore>, window_params = [{transform_indices = #map}, {transform_indices = #map1}, {transform_indices = #map}, {transform_indices = #map1}]} {
    %mul3A = arith.constant 16 : i32
    %mul3A_0 = arith.muli %arg0, %mul3A : i32
    %add3A = arith.addi %mul3A_0, %arg1 : i32
    %mul3A_1 = arith.constant 632 : i32
    %mul3A_2 = arith.muli %arg1, %mul3A_1 : i32
    %multiple_of3A = tpu.assume_multiple %mul3A_2, 8 : i32
    "tpu.region"() ({
      %run_scoped3A_33 = tpu.sem_alloc : memref<!tpu.dma_semaphore, #tpu.memory_space<semaphore_mem>>
      %dma_start3A_34 = arith.constant 0 : i32
      %dma_start3A_35 = tpu.memref_slice %arg10[%multiple_of3A, %dma_start3A_34] : memref<10112x32xf32, #tpu.memory_space<vmem_shared>> -> memref<632x32xf32, #tpu.memory_space<vmem_shared>>
      %dma_start3A_36 = arith.constant 0 : i32
      %dma_start3A_37 = tpu.memref_slice %arg2[%multiple_of3A, %dma_start3A_36] : memref<10112x32xf32, #tpu.memory_space<hbm>> -> memref<632x32xf32, #tpu.memory_space<hbm>>
      tpu.enqueue_dma source(%dma_start3A_37 : memref<632x32xf32, #tpu.memory_space<hbm>>) target(%dma_start3A_35 : memref<632x32xf32, #tpu.memory_space<vmem_shared>>) target_semaphore(%run_scoped3A_33 : memref<!tpu.dma_semaphore, #tpu.memory_space<semaphore_mem>>)
      %dma_wait3A_38 = arith.constant 0 : i32
      %dma_wait3A_39 = tpu.memref_slice %arg10[%multiple_of3A, %dma_wait3A_38] : memref<10112x32xf32, #tpu.memory_space<vmem_shared>> -> memref<632x32xf32, #tpu.memory_space<vmem_shared>>
      %dma_wait3A_40 = arith.constant 0 : i32
      %dma_wait3A_41 = tpu.memref_slice %arg2[%multiple_of3A, %dma_wait3A_40] : memref<10112x32xf32, #tpu.memory_space<hbm>> -> memref<632x32xf32, #tpu.memory_space<hbm>>
      tpu.wait_dma2 semaphore(%run_scoped3A_33 : memref<!tpu.dma_semaphore, #tpu.memory_space<semaphore_mem>>) src(%dma_wait3A_41 : memref<632x32xf32, #tpu.memory_space<hbm>>) dst(%dma_wait3A_39 : memref<632x32xf32, #tpu.memory_space<vmem_shared>>)
      tpu.yield
    }) : () -> ()
    "tpu.region"() ({
      %run_scoped3A_33 = tpu.sem_alloc : memref<!tpu.dma_semaphore, #tpu.memory_space<semaphore_mem>>
      %dma_start3A_34 = arith.constant 0 : i32
      %dma_start3A_35 = tpu.memref_slice %arg11[%multiple_of3A, %dma_start3A_34] : memref<10112x32xf32, #tpu.memory_space<vmem_shared>> -> memref<632x32xf32, #tpu.memory_space<vmem_shared>>
      %dma_start3A_36 = arith.constant 0 : i32
      %dma_start3A_37 = tpu.memref_slice %arg4[%multiple_of3A, %dma_start3A_36] : memref<10112x32xf32, #tpu.memory_space<hbm>> -> memref<632x32xf32, #tpu.memory_space<hbm>>
      tpu.enqueue_dma source(%dma_start3A_37 : memref<632x32xf32, #tpu.memory_space<hbm>>) target(%dma_start3A_35 : memref<632x32xf32, #tpu.memory_space<vmem_shared>>) target_semaphore(%run_scoped3A_33 : memref<!tpu.dma_semaphore, #tpu.memory_space<semaphore_mem>>)
      %dma_wait3A_38 = arith.constant 0 : i32
      %dma_wait3A_39 = tpu.memref_slice %arg11[%multiple_of3A, %dma_wait3A_38] : memref<10112x32xf32, #tpu.memory_space<vmem_shared>> -> memref<632x32xf32, #tpu.memory_space<vmem_shared>>
      %dma_wait3A_40 = arith.constant 0 : i32
      %dma_wait3A_41 = tpu.memref_slice %arg4[%multiple_of3A, %dma_wait3A_40] : memref<10112x32xf32, #tpu.memory_space<hbm>> -> memref<632x32xf32, #tpu.memory_space<hbm>>
      tpu.wait_dma2 semaphore(%run_scoped3A_33 : memref<!tpu.dma_semaphore, #tpu.memory_space<semaphore_mem>>) src(%dma_wait3A_41 : memref<632x32xf32, #tpu.memory_space<hbm>>) dst(%dma_wait3A_39 : memref<632x32xf32, #tpu.memory_space<vmem_shared>>)
      tpu.yield
    }) : () -> ()
    %mul3A_3 = arith.constant 78 : i32
    %mul3A_4 = arith.muli %add3A, %mul3A_3 : i32
    %run_scoped3A = arith.constant 0 : i32
    "tpu.region"() ({
      %run_scoped3A_33 = tpu.sem_alloc : memref<!tpu.dma_semaphore, #tpu.memory_space<semaphore_mem>>
      %dma_start3A_34 = arith.constant 0 : i32
      %dma_start3A_35 = arith.constant 0 : i32
      %dma_start3A_36 = tpu.memref_slice %arg6[%dma_start3A_34, %dma_start3A_35] : memref<79x128xi32, #tpu.memory_space<vmem>> -> memref<78x128xi32, #tpu.memory_space<vmem>>
      %dma_start3A_37 = arith.constant 0 : i32
      %dma_start3A_38 = arith.constant 0 : i32
      %dma_start3A_39 = tpu.memref_slice %arg3[%run_scoped3A, %dma_start3A_37, %dma_start3A_38] : memref<2x2500x128xi32, #tpu.memory_space<hbm>> -> memref<1x2500x128xi32, #tpu.memory_space<hbm>>
      %dma_start3A_40 = tpu.memref_squeeze %dma_start3A_39 : memref<1x2500x128xi32, #tpu.memory_space<hbm>> -> memref<2500x128xi32, #tpu.memory_space<hbm>>
      %dma_start3A_41 = arith.constant 0 : i32
      %dma_start3A_42 = tpu.memref_slice %dma_start3A_40[%mul3A_4, %dma_start3A_41] : memref<2500x128xi32, #tpu.memory_space<hbm>> -> memref<78x128xi32, #tpu.memory_space<hbm>>
      %dma_start3A_43 = arith.constant 0 : i32
      %dma_start3A_44 = arith.constant 0 : i32
      %dma_start3A_45 = tpu.memref_slice %arg6[%dma_start3A_43, %dma_start3A_44] : memref<79x128xi32, #tpu.memory_space<vmem>> -> memref<78x128xi32, #tpu.memory_space<vmem>>
      %dma_start3A_46 = arith.constant 0 : i32
      %dma_start3A_47 = arith.constant 0 : i32
      %dma_start3A_48 = tpu.memref_slice %arg3[%run_scoped3A, %dma_start3A_46, %dma_start3A_47] : memref<2x2500x128xi32, #tpu.memory_space<hbm>> -> memref<1x2500x128xi32, #tpu.memory_space<hbm>>
      %dma_start3A_49 = tpu.memref_squeeze %dma_start3A_48 : memref<1x2500x128xi32, #tpu.memory_space<hbm>> -> memref<2500x128xi32, #tpu.memory_space<hbm>>
      %dma_start3A_50 = arith.constant 0 : i32
      %dma_start3A_51 = tpu.memref_slice %dma_start3A_49[%mul3A_4, %dma_start3A_50] : memref<2500x128xi32, #tpu.memory_space<hbm>> -> memref<78x128xi32, #tpu.memory_space<hbm>>
      tpu.enqueue_dma source(%dma_start3A_51 : memref<78x128xi32, #tpu.memory_space<hbm>>) target(%dma_start3A_45 : memref<78x128xi32, #tpu.memory_space<vmem>>) target_semaphore(%run_scoped3A_33 : memref<!tpu.dma_semaphore, #tpu.memory_space<semaphore_mem>>)
      %dma_wait3A_52 = arith.constant 0 : i32
      %dma_wait3A_53 = arith.constant 0 : i32
      %dma_wait3A_54 = tpu.memref_slice %arg6[%dma_wait3A_52, %dma_wait3A_53] : memref<79x128xi32, #tpu.memory_space<vmem>> -> memref<78x128xi32, #tpu.memory_space<vmem>>
      %dma_wait3A_55 = arith.constant 0 : i32
      %dma_wait3A_56 = arith.constant 0 : i32
      %dma_wait3A_57 = tpu.memref_slice %arg3[%run_scoped3A, %dma_wait3A_55, %dma_wait3A_56] : memref<2x2500x128xi32, #tpu.memory_space<hbm>> -> memref<1x2500x128xi32, #tpu.memory_space<hbm>>
      %dma_wait3A_58 = tpu.memref_squeeze %dma_wait3A_57 : memref<1x2500x128xi32, #tpu.memory_space<hbm>> -> memref<2500x128xi32, #tpu.memory_space<hbm>>
      %dma_wait3A_59 = arith.constant 0 : i32
      %dma_wait3A_60 = tpu.memref_slice %dma_wait3A_58[%mul3A_4, %dma_wait3A_59] : memref<2500x128xi32, #tpu.memory_space<hbm>> -> memref<78x128xi32, #tpu.memory_space<hbm>>
      %dma_wait3A_61 = arith.constant 0 : i32
      %dma_wait3A_62 = arith.constant 0 : i32
      %dma_wait3A_63 = tpu.memref_slice %arg6[%dma_wait3A_61, %dma_wait3A_62] : memref<79x128xi32, #tpu.memory_space<vmem>> -> memref<78x128xi32, #tpu.memory_space<vmem>>
      %dma_wait3A_64 = arith.constant 0 : i32
      %dma_wait3A_65 = arith.constant 0 : i32
      %dma_wait3A_66 = tpu.memref_slice %arg3[%run_scoped3A, %dma_wait3A_64, %dma_wait3A_65] : memref<2x2500x128xi32, #tpu.memory_space<hbm>> -> memref<1x2500x128xi32, #tpu.memory_space<hbm>>
      %dma_wait3A_67 = tpu.memref_squeeze %dma_wait3A_66 : memref<1x2500x128xi32, #tpu.memory_space<hbm>> -> memref<2500x128xi32, #tpu.memory_space<hbm>>
      %dma_wait3A_68 = arith.constant 0 : i32
      %dma_wait3A_69 = tpu.memref_slice %dma_wait3A_67[%mul3A_4, %dma_wait3A_68] : memref<2500x128xi32, #tpu.memory_space<hbm>> -> memref<78x128xi32, #tpu.memory_space<hbm>>
      tpu.wait_dma2 semaphore(%run_scoped3A_33 : memref<!tpu.dma_semaphore, #tpu.memory_space<semaphore_mem>>) src(%dma_wait3A_69 : memref<78x128xi32, #tpu.memory_space<hbm>>) dst(%dma_wait3A_63 : memref<78x128xi32, #tpu.memory_space<vmem>>)
      tpu.yield
    }) : () -> ()
    %mul3A_5 = arith.constant 78 : i32
    %mul3A_6 = arith.muli %add3A, %mul3A_5 : i32
    %run_scoped3A_7 = arith.constant 1 : i32
    "tpu.region"() ({
      %run_scoped3A_33 = tpu.sem_alloc : memref<!tpu.dma_semaphore, #tpu.memory_space<semaphore_mem>>
      %dma_start3A_34 = arith.constant 0 : i32
      %dma_start3A_35 = arith.constant 0 : i32
      %dma_start3A_36 = tpu.memref_slice %arg7[%dma_start3A_34, %dma_start3A_35] : memref<79x128xi32, #tpu.memory_space<vmem>> -> memref<78x128xi32, #tpu.memory_space<vmem>>
      %dma_start3A_37 = arith.constant 0 : i32
      %dma_start3A_38 = arith.constant 0 : i32
      %dma_start3A_39 = tpu.memref_slice %arg3[%run_scoped3A_7, %dma_start3A_37, %dma_start3A_38] : memref<2x2500x128xi32, #tpu.memory_space<hbm>> -> memref<1x2500x128xi32, #tpu.memory_space<hbm>>
      %dma_start3A_40 = tpu.memref_squeeze %dma_start3A_39 : memref<1x2500x128xi32, #tpu.memory_space<hbm>> -> memref<2500x128xi32, #tpu.memory_space<hbm>>
      %dma_start3A_41 = arith.constant 0 : i32
      %dma_start3A_42 = tpu.memref_slice %dma_start3A_40[%mul3A_6, %dma_start3A_41] : memref<2500x128xi32, #tpu.memory_space<hbm>> -> memref<78x128xi32, #tpu.memory_space<hbm>>
      %dma_start3A_43 = arith.constant 0 : i32
      %dma_start3A_44 = arith.constant 0 : i32
      %dma_start3A_45 = tpu.memref_slice %arg7[%dma_start3A_43, %dma_start3A_44] : memref<79x128xi32, #tpu.memory_space<vmem>> -> memref<78x128xi32, #tpu.memory_space<vmem>>
      %dma_start3A_46 = arith.constant 0 : i32
      %dma_start3A_47 = arith.constant 0 : i32
      %dma_start3A_48 = tpu.memref_slice %arg3[%run_scoped3A_7, %dma_start3A_46, %dma_start3A_47] : memref<2x2500x128xi32, #tpu.memory_space<hbm>> -> memref<1x2500x128xi32, #tpu.memory_space<hbm>>
      %dma_start3A_49 = tpu.memref_squeeze %dma_start3A_48 : memref<1x2500x128xi32, #tpu.memory_space<hbm>> -> memref<2500x128xi32, #tpu.memory_space<hbm>>
      %dma_start3A_50 = arith.constant 0 : i32
      %dma_start3A_51 = tpu.memref_slice %dma_start3A_49[%mul3A_6, %dma_start3A_50] : memref<2500x128xi32, #tpu.memory_space<hbm>> -> memref<78x128xi32, #tpu.memory_space<hbm>>
      tpu.enqueue_dma source(%dma_start3A_51 : memref<78x128xi32, #tpu.memory_space<hbm>>) target(%dma_start3A_45 : memref<78x128xi32, #tpu.memory_space<vmem>>) target_semaphore(%run_scoped3A_33 : memref<!tpu.dma_semaphore, #tpu.memory_space<semaphore_mem>>)
      %dma_wait3A_52 = arith.constant 0 : i32
      %dma_wait3A_53 = arith.constant 0 : i32
      %dma_wait3A_54 = tpu.memref_slice %arg7[%dma_wait3A_52, %dma_wait3A_53] : memref<79x128xi32, #tpu.memory_space<vmem>> -> memref<78x128xi32, #tpu.memory_space<vmem>>
      %dma_wait3A_55 = arith.constant 0 : i32
      %dma_wait3A_56 = arith.constant 0 : i32
      %dma_wait3A_57 = tpu.memref_slice %arg3[%run_scoped3A_7, %dma_wait3A_55, %dma_wait3A_56] : memref<2x2500x128xi32, #tpu.memory_space<hbm>> -> memref<1x2500x128xi32, #tpu.memory_space<hbm>>
      %dma_wait3A_58 = tpu.memref_squeeze %dma_wait3A_57 : memref<1x2500x128xi32, #tpu.memory_space<hbm>> -> memref<2500x128xi32, #tpu.memory_space<hbm>>
      %dma_wait3A_59 = arith.constant 0 : i32
      %dma_wait3A_60 = tpu.memref_slice %dma_wait3A_58[%mul3A_6, %dma_wait3A_59] : memref<2500x128xi32, #tpu.memory_space<hbm>> -> memref<78x128xi32, #tpu.memory_space<hbm>>
      %dma_wait3A_61 = arith.constant 0 : i32
      %dma_wait3A_62 = arith.constant 0 : i32
      %dma_wait3A_63 = tpu.memref_slice %arg7[%dma_wait3A_61, %dma_wait3A_62] : memref<79x128xi32, #tpu.memory_space<vmem>> -> memref<78x128xi32, #tpu.memory_space<vmem>>
      %dma_wait3A_64 = arith.constant 0 : i32
      %dma_wait3A_65 = arith.constant 0 : i32
      %dma_wait3A_66 = tpu.memref_slice %arg3[%run_scoped3A_7, %dma_wait3A_64, %dma_wait3A_65] : memref<2x2500x128xi32, #tpu.memory_space<hbm>> -> memref<1x2500x128xi32, #tpu.memory_space<hbm>>
      %dma_wait3A_67 = tpu.memref_squeeze %dma_wait3A_66 : memref<1x2500x128xi32, #tpu.memory_space<hbm>> -> memref<2500x128xi32, #tpu.memory_space<hbm>>
      %dma_wait3A_68 = arith.constant 0 : i32
      %dma_wait3A_69 = tpu.memref_slice %dma_wait3A_67[%mul3A_6, %dma_wait3A_68] : memref<2500x128xi32, #tpu.memory_space<hbm>> -> memref<78x128xi32, #tpu.memory_space<hbm>>
      tpu.wait_dma2 semaphore(%run_scoped3A_33 : memref<!tpu.dma_semaphore, #tpu.memory_space<semaphore_mem>>) src(%dma_wait3A_69 : memref<78x128xi32, #tpu.memory_space<hbm>>) dst(%dma_wait3A_63 : memref<78x128xi32, #tpu.memory_space<vmem>>)
      tpu.yield
    }) : () -> ()
    %lt3A = arith.constant 4 : i32
    %lt3A_8 = arith.cmpi slt, %add3A, %lt3A : i32
    %convert_element_type3A = arith.extui %lt3A_8 : i1 to i32
    %cond3A = arith.constant 0 : i32
    %cond3A_9 = arith.cmpi ne, %convert_element_type3A, %cond3A : i32
    scf.if %cond3A_9 {
      %add3A_33 = arith.constant 2496 : i32
      %add3A_34 = arith.addi %add3A_33, %add3A : i32
      %run_scoped3A_35 = arith.constant 0 : i32
      "tpu.region"() ({
        %run_scoped3A_37 = tpu.sem_alloc : memref<!tpu.dma_semaphore, #tpu.memory_space<semaphore_mem>>
        %dma_start3A_38 = arith.constant 78 : i32
        %dma_start3A_39 = arith.constant 0 : i32
        %dma_start3A_40 = tpu.memref_slice %arg6[%dma_start3A_38, %dma_start3A_39] : memref<79x128xi32, #tpu.memory_space<vmem>> -> memref<1x128xi32, #tpu.memory_space<vmem>>
        %dma_start3A_41 = arith.constant 0 : i32
        %dma_start3A_42 = arith.constant 0 : i32
        %dma_start3A_43 = tpu.memref_slice %arg3[%run_scoped3A_35, %dma_start3A_41, %dma_start3A_42] : memref<2x2500x128xi32, #tpu.memory_space<hbm>> -> memref<1x2500x128xi32, #tpu.memory_space<hbm>>
        %dma_start3A_44 = tpu.memref_squeeze %dma_start3A_43 : memref<1x2500x128xi32, #tpu.memory_space<hbm>> -> memref<2500x128xi32, #tpu.memory_space<hbm>>
        %dma_start3A_45 = arith.constant 0 : i32
        %dma_start3A_46 = tpu.memref_slice %dma_start3A_44[%add3A_34, %dma_start3A_45] : memref<2500x128xi32, #tpu.memory_space<hbm>> -> memref<1x128xi32, #tpu.memory_space<hbm>>
        %dma_start3A_47 = arith.constant 78 : i32
        %dma_start3A_48 = arith.constant 0 : i32
        %dma_start3A_49 = tpu.memref_slice %arg6[%dma_start3A_47, %dma_start3A_48] : memref<79x128xi32, #tpu.memory_space<vmem>> -> memref<1x128xi32, #tpu.memory_space<vmem>>
        %dma_start3A_50 = arith.constant 0 : i32
        %dma_start3A_51 = arith.constant 0 : i32
        %dma_start3A_52 = tpu.memref_slice %arg3[%run_scoped3A_35, %dma_start3A_50, %dma_start3A_51] : memref<2x2500x128xi32, #tpu.memory_space<hbm>> -> memref<1x2500x128xi32, #tpu.memory_space<hbm>>
        %dma_start3A_53 = tpu.memref_squeeze %dma_start3A_52 : memref<1x2500x128xi32, #tpu.memory_space<hbm>> -> memref<2500x128xi32, #tpu.memory_space<hbm>>
        %dma_start3A_54 = arith.constant 0 : i32
        %dma_start3A_55 = tpu.memref_slice %dma_start3A_53[%add3A_34, %dma_start3A_54] : memref<2500x128xi32, #tpu.memory_space<hbm>> -> memref<1x128xi32, #tpu.memory_space<hbm>>
        tpu.enqueue_dma source(%dma_start3A_55 : memref<1x128xi32, #tpu.memory_space<hbm>>) target(%dma_start3A_49 : memref<1x128xi32, #tpu.memory_space<vmem>>) target_semaphore(%run_scoped3A_37 : memref<!tpu.dma_semaphore, #tpu.memory_space<semaphore_mem>>)
        %dma_wait3A_56 = arith.constant 78 : i32
        %dma_wait3A_57 = arith.constant 0 : i32
        %dma_wait3A_58 = tpu.memref_slice %arg6[%dma_wait3A_56, %dma_wait3A_57] : memref<79x128xi32, #tpu.memory_space<vmem>> -> memref<1x128xi32, #tpu.memory_space<vmem>>
        %dma_wait3A_59 = arith.constant 0 : i32
        %dma_wait3A_60 = arith.constant 0 : i32
        %dma_wait3A_61 = tpu.memref_slice %arg3[%run_scoped3A_35, %dma_wait3A_59, %dma_wait3A_60] : memref<2x2500x128xi32, #tpu.memory_space<hbm>> -> memref<1x2500x128xi32, #tpu.memory_space<hbm>>
        %dma_wait3A_62 = tpu.memref_squeeze %dma_wait3A_61 : memref<1x2500x128xi32, #tpu.memory_space<hbm>> -> memref<2500x128xi32, #tpu.memory_space<hbm>>
        %dma_wait3A_63 = arith.constant 0 : i32
        %dma_wait3A_64 = tpu.memref_slice %dma_wait3A_62[%add3A_34, %dma_wait3A_63] : memref<2500x128xi32, #tpu.memory_space<hbm>> -> memref<1x128xi32, #tpu.memory_space<hbm>>
        %dma_wait3A_65 = arith.constant 78 : i32
        %dma_wait3A_66 = arith.constant 0 : i32
        %dma_wait3A_67 = tpu.memref_slice %arg6[%dma_wait3A_65, %dma_wait3A_66] : memref<79x128xi32, #tpu.memory_space<vmem>> -> memref<1x128xi32, #tpu.memory_space<vmem>>
        %dma_wait3A_68 = arith.constant 0 : i32
        %dma_wait3A_69 = arith.constant 0 : i32
        %dma_wait3A_70 = tpu.memref_slice %arg3[%run_scoped3A_35, %dma_wait3A_68, %dma_wait3A_69] : memref<2x2500x128xi32, #tpu.memory_space<hbm>> -> memref<1x2500x128xi32, #tpu.memory_space<hbm>>
        %dma_wait3A_71 = tpu.memref_squeeze %dma_wait3A_70 : memref<1x2500x128xi32, #tpu.memory_space<hbm>> -> memref<2500x128xi32, #tpu.memory_space<hbm>>
        %dma_wait3A_72 = arith.constant 0 : i32
        %dma_wait3A_73 = tpu.memref_slice %dma_wait3A_71[%add3A_34, %dma_wait3A_72] : memref<2500x128xi32, #tpu.memory_space<hbm>> -> memref<1x128xi32, #tpu.memory_space<hbm>>
        tpu.wait_dma2 semaphore(%run_scoped3A_37 : memref<!tpu.dma_semaphore, #tpu.memory_space<semaphore_mem>>) src(%dma_wait3A_73 : memref<1x128xi32, #tpu.memory_space<hbm>>) dst(%dma_wait3A_67 : memref<1x128xi32, #tpu.memory_space<vmem>>)
        tpu.yield
      }) : () -> ()
      %run_scoped3A_36 = arith.constant 1 : i32
      "tpu.region"() ({
        %run_scoped3A_37 = tpu.sem_alloc : memref<!tpu.dma_semaphore, #tpu.memory_space<semaphore_mem>>
        %dma_start3A_38 = arith.constant 78 : i32
        %dma_start3A_39 = arith.constant 0 : i32
        %dma_start3A_40 = tpu.memref_slice %arg7[%dma_start3A_38, %dma_start3A_39] : memref<79x128xi32, #tpu.memory_space<vmem>> -> memref<1x128xi32, #tpu.memory_space<vmem>>
        %dma_start3A_41 = arith.constant 0 : i32
        %dma_start3A_42 = arith.constant 0 : i32
        %dma_start3A_43 = tpu.memref_slice %arg3[%run_scoped3A_36, %dma_start3A_41, %dma_start3A_42] : memref<2x2500x128xi32, #tpu.memory_space<hbm>> -> memref<1x2500x128xi32, #tpu.memory_space<hbm>>
        %dma_start3A_44 = tpu.memref_squeeze %dma_start3A_43 : memref<1x2500x128xi32, #tpu.memory_space<hbm>> -> memref<2500x128xi32, #tpu.memory_space<hbm>>
        %dma_start3A_45 = arith.constant 0 : i32
        %dma_start3A_46 = tpu.memref_slice %dma_start3A_44[%add3A_34, %dma_start3A_45] : memref<2500x128xi32, #tpu.memory_space<hbm>> -> memref<1x128xi32, #tpu.memory_space<hbm>>
        %dma_start3A_47 = arith.constant 78 : i32
        %dma_start3A_48 = arith.constant 0 : i32
        %dma_start3A_49 = tpu.memref_slice %arg7[%dma_start3A_47, %dma_start3A_48] : memref<79x128xi32, #tpu.memory_space<vmem>> -> memref<1x128xi32, #tpu.memory_space<vmem>>
        %dma_start3A_50 = arith.constant 0 : i32
        %dma_start3A_51 = arith.constant 0 : i32
        %dma_start3A_52 = tpu.memref_slice %arg3[%run_scoped3A_36, %dma_start3A_50, %dma_start3A_51] : memref<2x2500x128xi32, #tpu.memory_space<hbm>> -> memref<1x2500x128xi32, #tpu.memory_space<hbm>>
        %dma_start3A_53 = tpu.memref_squeeze %dma_start3A_52 : memref<1x2500x128xi32, #tpu.memory_space<hbm>> -> memref<2500x128xi32, #tpu.memory_space<hbm>>
        %dma_start3A_54 = arith.constant 0 : i32
        %dma_start3A_55 = tpu.memref_slice %dma_start3A_53[%add3A_34, %dma_start3A_54] : memref<2500x128xi32, #tpu.memory_space<hbm>> -> memref<1x128xi32, #tpu.memory_space<hbm>>
        tpu.enqueue_dma source(%dma_start3A_55 : memref<1x128xi32, #tpu.memory_space<hbm>>) target(%dma_start3A_49 : memref<1x128xi32, #tpu.memory_space<vmem>>) target_semaphore(%run_scoped3A_37 : memref<!tpu.dma_semaphore, #tpu.memory_space<semaphore_mem>>)
        %dma_wait3A_56 = arith.constant 78 : i32
        %dma_wait3A_57 = arith.constant 0 : i32
        %dma_wait3A_58 = tpu.memref_slice %arg7[%dma_wait3A_56, %dma_wait3A_57] : memref<79x128xi32, #tpu.memory_space<vmem>> -> memref<1x128xi32, #tpu.memory_space<vmem>>
        %dma_wait3A_59 = arith.constant 0 : i32
        %dma_wait3A_60 = arith.constant 0 : i32
        %dma_wait3A_61 = tpu.memref_slice %arg3[%run_scoped3A_36, %dma_wait3A_59, %dma_wait3A_60] : memref<2x2500x128xi32, #tpu.memory_space<hbm>> -> memref<1x2500x128xi32, #tpu.memory_space<hbm>>
        %dma_wait3A_62 = tpu.memref_squeeze %dma_wait3A_61 : memref<1x2500x128xi32, #tpu.memory_space<hbm>> -> memref<2500x128xi32, #tpu.memory_space<hbm>>
        %dma_wait3A_63 = arith.constant 0 : i32
        %dma_wait3A_64 = tpu.memref_slice %dma_wait3A_62[%add3A_34, %dma_wait3A_63] : memref<2500x128xi32, #tpu.memory_space<hbm>> -> memref<1x128xi32, #tpu.memory_space<hbm>>
        %dma_wait3A_65 = arith.constant 78 : i32
        %dma_wait3A_66 = arith.constant 0 : i32
        %dma_wait3A_67 = tpu.memref_slice %arg7[%dma_wait3A_65, %dma_wait3A_66] : memref<79x128xi32, #tpu.memory_space<vmem>> -> memref<1x128xi32, #tpu.memory_space<vmem>>
        %dma_wait3A_68 = arith.constant 0 : i32
        %dma_wait3A_69 = arith.constant 0 : i32
        %dma_wait3A_70 = tpu.memref_slice %arg3[%run_scoped3A_36, %dma_wait3A_68, %dma_wait3A_69] : memref<2x2500x128xi32, #tpu.memory_space<hbm>> -> memref<1x2500x128xi32, #tpu.memory_space<hbm>>
        %dma_wait3A_71 = tpu.memref_squeeze %dma_wait3A_70 : memref<1x2500x128xi32, #tpu.memory_space<hbm>> -> memref<2500x128xi32, #tpu.memory_space<hbm>>
        %dma_wait3A_72 = arith.constant 0 : i32
        %dma_wait3A_73 = tpu.memref_slice %dma_wait3A_71[%add3A_34, %dma_wait3A_72] : memref<2500x128xi32, #tpu.memory_space<hbm>> -> memref<1x128xi32, #tpu.memory_space<hbm>>
        tpu.wait_dma2 semaphore(%run_scoped3A_37 : memref<!tpu.dma_semaphore, #tpu.memory_space<semaphore_mem>>) src(%dma_wait3A_73 : memref<1x128xi32, #tpu.memory_space<hbm>>) dst(%dma_wait3A_67 : memref<1x128xi32, #tpu.memory_space<vmem>>)
        tpu.yield
      }) : () -> ()
    } else {
    }
    %barrier3A = arith.constant 0 : index
    tpu.barrier barrier_id(%barrier3A)
    %dma_start3A = arith.constant 0 : i32
    %dma_start3A_10 = arith.constant 0 : i32
    %dma_start3A_11 = tpu.memref_slice %arg6[%dma_start3A, %dma_start3A_10] : memref<79x128xi32, #tpu.memory_space<vmem>> -> memref<1x128xi32, #tpu.memory_space<vmem>>
    %dma_start3A_12 = tpu.memref_squeeze %dma_start3A_11 : memref<1x128xi32, #tpu.memory_space<vmem>> -> memref<128xi32, #tpu.memory_space<vmem>>
    %dma_start3A_13 = arith.constant 0 : i32
    %dma_start3A_14 = arith.constant 0 : i32
    %dma_start3A_15 = tpu.memref_slice %arg10[%dma_start3A_13, %dma_start3A_14] : memref<10112x32xf32, #tpu.memory_space<vmem_shared>> -> memref<10112x32xf32, #tpu.memory_space<vmem_shared>>
    tpu.enqueue_indirect_dma source(%dma_start3A_15 : memref<10112x32xf32, #tpu.memory_space<vmem_shared>>) target(%arg8 : memref<128x32xf32, #tpu.memory_space<vmem>>) offsets(%dma_start3A_12 : memref<128xi32, #tpu.memory_space<vmem>>) semaphore(%arg12 : memref<!tpu.dma_semaphore, #tpu.memory_space<semaphore_mem>>)
    %scan3A = arith.constant 0 : i32
    %scan3A_16 = arith.constant 0 : i32
    %scan3A_17 = arith.constant 39 : i32
    %scan3A_18 = arith.addi %scan3A_16, %scan3A_17 : i32
    %scan3A_19 = arith.constant 1 : i32
    scf.for %scan3A_33 = %scan3A_16 to %scan3A_18 step %scan3A_19  : i32 {
      %mul3A_34 = arith.constant 2 : i32
      %mul3A_35 = arith.muli %mul3A_34, %scan3A_33 : i32
      %mul3A_36 = arith.constant 2 : i32
      %mul3A_37 = arith.muli %mul3A_36, %scan3A_33 : i32
      %add3A_38 = arith.constant 1 : i32
      %add3A_39 = arith.addi %mul3A_37, %add3A_38 : i32
      %mul3A_40 = arith.constant 2 : i32
      %mul3A_41 = arith.muli %mul3A_40, %scan3A_33 : i32
      %add3A_42 = arith.constant 2 : i32
      %add3A_43 = arith.addi %mul3A_41, %add3A_42 : i32
      %min3A = arith.constant 77 : i32
      %min3A_44 = arith.minsi %add3A_43, %min3A : i32
      %dma_start3A_45 = arith.constant 0 : i32
      %dma_start3A_46 = tpu.memref_slice %arg6[%add3A_39, %dma_start3A_45] : memref<79x128xi32, #tpu.memory_space<vmem>> -> memref<1x128xi32, #tpu.memory_space<vmem>>
      %dma_start3A_47 = tpu.memref_squeeze %dma_start3A_46 : memref<1x128xi32, #tpu.memory_space<vmem>> -> memref<128xi32, #tpu.memory_space<vmem>>
      %dma_start3A_48 = arith.constant 0 : i32
      %dma_start3A_49 = arith.constant 0 : i32
      %dma_start3A_50 = tpu.memref_slice %arg10[%dma_start3A_48, %dma_start3A_49] : memref<10112x32xf32, #tpu.memory_space<vmem_shared>> -> memref<10112x32xf32, #tpu.memory_space<vmem_shared>>
      tpu.enqueue_indirect_dma source(%dma_start3A_50 : memref<10112x32xf32, #tpu.memory_space<vmem_shared>>) target(%arg9 : memref<128x32xf32, #tpu.memory_space<vmem>>) offsets(%dma_start3A_47 : memref<128xi32, #tpu.memory_space<vmem>>) semaphore(%arg13 : memref<!tpu.dma_semaphore, #tpu.memory_space<semaphore_mem>>)
      %dma_wait3A_51 = arith.constant 0 : i32
      %dma_wait3A_52 = tpu.memref_slice %arg6[%mul3A_35, %dma_wait3A_51] : memref<79x128xi32, #tpu.memory_space<vmem>> -> memref<1x128xi32, #tpu.memory_space<vmem>>
      %dma_wait3A_53 = tpu.memref_squeeze %dma_wait3A_52 : memref<1x128xi32, #tpu.memory_space<vmem>> -> memref<128xi32, #tpu.memory_space<vmem>>
      %dma_wait3A_54 = arith.constant 0 : i32
      %dma_wait3A_55 = arith.constant 0 : i32
      %dma_wait3A_56 = tpu.memref_slice %arg10[%dma_wait3A_54, %dma_wait3A_55] : memref<10112x32xf32, #tpu.memory_space<vmem_shared>> -> memref<10112x32xf32, #tpu.memory_space<vmem_shared>>
      tpu.wait_indirect_dma semaphore(%arg12 : memref<!tpu.dma_semaphore, #tpu.memory_space<semaphore_mem>>) src(%dma_wait3A_56 : memref<10112x32xf32, #tpu.memory_space<vmem_shared>>) dst(%arg8 : memref<128x32xf32, #tpu.memory_space<vmem>>)
      "tpu.region"() ({
        %run_scoped3A_69 = tpu.sem_alloc : memref<!tpu.dma_semaphore, #tpu.memory_space<semaphore_mem>>
        %dma_start3A_70 = arith.constant 0 : i32
        %dma_start3A_71 = tpu.memref_slice %arg7[%mul3A_35, %dma_start3A_70] : memref<79x128xi32, #tpu.memory_space<vmem>> -> memref<1x128xi32, #tpu.memory_space<vmem>>
        %dma_start3A_72 = tpu.memref_squeeze %dma_start3A_71 : memref<1x128xi32, #tpu.memory_space<vmem>> -> memref<128xi32, #tpu.memory_space<vmem>>
        %dma_start3A_73 = arith.constant 0 : i32
        %dma_start3A_74 = arith.constant 0 : i32
        %dma_start3A_75 = tpu.memref_slice %arg11[%dma_start3A_73, %dma_start3A_74] : memref<10112x32xf32, #tpu.memory_space<vmem_shared>> -> memref<10112x32xf32, #tpu.memory_space<vmem_shared>>
        tpu.enqueue_indirect_dma source(%arg8 : memref<128x32xf32, #tpu.memory_space<vmem>>) target(%dma_start3A_75 : memref<10112x32xf32, #tpu.memory_space<vmem_shared>>) offsets(%dma_start3A_72 : memref<128xi32, #tpu.memory_space<vmem>>) semaphore(%run_scoped3A_69 : memref<!tpu.dma_semaphore, #tpu.memory_space<semaphore_mem>>) {add = true}
        %dma_wait3A_76 = arith.constant 0 : i32
        %dma_wait3A_77 = tpu.memref_slice %arg7[%mul3A_35, %dma_wait3A_76] : memref<79x128xi32, #tpu.memory_space<vmem>> -> memref<1x128xi32, #tpu.memory_space<vmem>>
        %dma_wait3A_78 = tpu.memref_squeeze %dma_wait3A_77 : memref<1x128xi32, #tpu.memory_space<vmem>> -> memref<128xi32, #tpu.memory_space<vmem>>
        %dma_wait3A_79 = arith.constant 0 : i32
        %dma_wait3A_80 = arith.constant 0 : i32
        %dma_wait3A_81 = tpu.memref_slice %arg11[%dma_wait3A_79, %dma_wait3A_80] : memref<10112x32xf32, #tpu.memory_space<vmem_shared>> -> memref<10112x32xf32, #tpu.memory_space<vmem_shared>>
        tpu.wait_indirect_dma semaphore(%run_scoped3A_69 : memref<!tpu.dma_semaphore, #tpu.memory_space<semaphore_mem>>) src(%arg8 : memref<128x32xf32, #tpu.memory_space<vmem>>) dst(%dma_wait3A_81 : memref<10112x32xf32, #tpu.memory_space<vmem_shared>>)
        tpu.yield
      }) : () -> ()
      %dma_start3A_57 = arith.constant 0 : i32
      %dma_start3A_58 = tpu.memref_slice %arg6[%min3A_44, %dma_start3A_57] : memref<79x128xi32, #tpu.memory_space<vmem>> -> memref<1x128xi32, #tpu.memory_space<vmem>>
      %dma_start3A_59 = tpu.memref_squeeze %dma_start3A_58 : memref<1x128xi32, #tpu.memory_space<vmem>> -> memref<128xi32, #tpu.memory_space<vmem>>
      %dma_start3A_60 = arith.constant 0 : i32
      %dma_start3A_61 = arith.constant 0 : i32
      %dma_start3A_62 = tpu.memref_slice %arg10[%dma_start3A_60, %dma_start3A_61] : memref<10112x32xf32, #tpu.memory_space<vmem_shared>> -> memref<10112x32xf32, #tpu.memory_space<vmem_shared>>
      tpu.enqueue_indirect_dma source(%dma_start3A_62 : memref<10112x32xf32, #tpu.memory_space<vmem_shared>>) target(%arg8 : memref<128x32xf32, #tpu.memory_space<vmem>>) offsets(%dma_start3A_59 : memref<128xi32, #tpu.memory_space<vmem>>) semaphore(%arg12 : memref<!tpu.dma_semaphore, #tpu.memory_space<semaphore_mem>>)
      %dma_wait3A_63 = arith.constant 0 : i32
      %dma_wait3A_64 = tpu.memref_slice %arg6[%add3A_39, %dma_wait3A_63] : memref<79x128xi32, #tpu.memory_space<vmem>> -> memref<1x128xi32, #tpu.memory_space<vmem>>
      %dma_wait3A_65 = tpu.memref_squeeze %dma_wait3A_64 : memref<1x128xi32, #tpu.memory_space<vmem>> -> memref<128xi32, #tpu.memory_space<vmem>>
      %dma_wait3A_66 = arith.constant 0 : i32
      %dma_wait3A_67 = arith.constant 0 : i32
      %dma_wait3A_68 = tpu.memref_slice %arg10[%dma_wait3A_66, %dma_wait3A_67] : memref<10112x32xf32, #tpu.memory_space<vmem_shared>> -> memref<10112x32xf32, #tpu.memory_space<vmem_shared>>
      tpu.wait_indirect_dma semaphore(%arg13 : memref<!tpu.dma_semaphore, #tpu.memory_space<semaphore_mem>>) src(%dma_wait3A_68 : memref<10112x32xf32, #tpu.memory_space<vmem_shared>>) dst(%arg9 : memref<128x32xf32, #tpu.memory_space<vmem>>)
      "tpu.region"() ({
        %run_scoped3A_69 = tpu.sem_alloc : memref<!tpu.dma_semaphore, #tpu.memory_space<semaphore_mem>>
        %dma_start3A_70 = arith.constant 0 : i32
        %dma_start3A_71 = tpu.memref_slice %arg7[%add3A_39, %dma_start3A_70] : memref<79x128xi32, #tpu.memory_space<vmem>> -> memref<1x128xi32, #tpu.memory_space<vmem>>
        %dma_start3A_72 = tpu.memref_squeeze %dma_start3A_71 : memref<1x128xi32, #tpu.memory_space<vmem>> -> memref<128xi32, #tpu.memory_space<vmem>>
        %dma_start3A_73 = arith.constant 0 : i32
        %dma_start3A_74 = arith.constant 0 : i32
        %dma_start3A_75 = tpu.memref_slice %arg11[%dma_start3A_73, %dma_start3A_74] : memref<10112x32xf32, #tpu.memory_space<vmem_shared>> -> memref<10112x32xf32, #tpu.memory_space<vmem_shared>>
        tpu.enqueue_indirect_dma source(%arg9 : memref<128x32xf32, #tpu.memory_space<vmem>>) target(%dma_start3A_75 : memref<10112x32xf32, #tpu.memory_space<vmem_shared>>) offsets(%dma_start3A_72 : memref<128xi32, #tpu.memory_space<vmem>>) semaphore(%run_scoped3A_69 : memref<!tpu.dma_semaphore, #tpu.memory_space<semaphore_mem>>) {add = true}
        %dma_wait3A_76 = arith.constant 0 : i32
        %dma_wait3A_77 = tpu.memref_slice %arg7[%add3A_39, %dma_wait3A_76] : memref<79x128xi32, #tpu.memory_space<vmem>> -> memref<1x128xi32, #tpu.memory_space<vmem>>
        %dma_wait3A_78 = tpu.memref_squeeze %dma_wait3A_77 : memref<1x128xi32, #tpu.memory_space<vmem>> -> memref<128xi32, #tpu.memory_space<vmem>>
        %dma_wait3A_79 = arith.constant 0 : i32
        %dma_wait3A_80 = arith.constant 0 : i32
        %dma_wait3A_81 = tpu.memref_slice %arg11[%dma_wait3A_79, %dma_wait3A_80] : memref<10112x32xf32, #tpu.memory_space<vmem_shared>> -> memref<10112x32xf32, #tpu.memory_space<vmem_shared>>
        tpu.wait_indirect_dma semaphore(%run_scoped3A_69 : memref<!tpu.dma_semaphore, #tpu.memory_space<semaphore_mem>>) src(%arg9 : memref<128x32xf32, #tpu.memory_space<vmem>>) dst(%dma_wait3A_81 : memref<10112x32xf32, #tpu.memory_space<vmem_shared>>)
        tpu.yield
      }) : () -> ()
    }
    %scan3A_20 = arith.constant 39 : i32
    %dma_wait3A = arith.constant 77 : i32
    %dma_wait3A_21 = arith.constant 0 : i32
    %dma_wait3A_22 = tpu.memref_slice %arg6[%dma_wait3A, %dma_wait3A_21] : memref<79x128xi32, #tpu.memory_space<vmem>> -> memref<1x128xi32, #tpu.memory_space<vmem>>
    %dma_wait3A_23 = tpu.memref_squeeze %dma_wait3A_22 : memref<1x128xi32, #tpu.memory_space<vmem>> -> memref<128xi32, #tpu.memory_space<vmem>>
    %dma_wait3A_24 = arith.constant 0 : i32
    %dma_wait3A_25 = arith.constant 0 : i32
    %dma_wait3A_26 = tpu.memref_slice %arg10[%dma_wait3A_24, %dma_wait3A_25] : memref<10112x32xf32, #tpu.memory_space<vmem_shared>> -> memref<10112x32xf32, #tpu.memory_space<vmem_shared>>
    tpu.wait_indirect_dma semaphore(%arg12 : memref<!tpu.dma_semaphore, #tpu.memory_space<semaphore_mem>>) src(%dma_wait3A_26 : memref<10112x32xf32, #tpu.memory_space<vmem_shared>>) dst(%arg8 : memref<128x32xf32, #tpu.memory_space<vmem>>)
    %lt3A_27 = arith.constant 4 : i32
    %lt3A_28 = arith.cmpi slt, %add3A, %lt3A_27 : i32
    %convert_element_type3A_29 = arith.extui %lt3A_28 : i1 to i32
    %cond3A_30 = arith.constant 0 : i32
    %cond3A_31 = arith.cmpi ne, %convert_element_type3A_29, %cond3A_30 : i32
    scf.if %cond3A_31 {
      %dma_start3A_33 = arith.constant 78 : i32
      %dma_start3A_34 = arith.constant 0 : i32
      %dma_start3A_35 = tpu.memref_slice %arg6[%dma_start3A_33, %dma_start3A_34] : memref<79x128xi32, #tpu.memory_space<vmem>> -> memref<1x128xi32, #tpu.memory_space<vmem>>
      %dma_start3A_36 = tpu.memref_squeeze %dma_start3A_35 : memref<1x128xi32, #tpu.memory_space<vmem>> -> memref<128xi32, #tpu.memory_space<vmem>>
      %dma_start3A_37 = arith.constant 0 : i32
      %dma_start3A_38 = arith.constant 0 : i32
      %dma_start3A_39 = tpu.memref_slice %arg10[%dma_start3A_37, %dma_start3A_38] : memref<10112x32xf32, #tpu.memory_space<vmem_shared>> -> memref<10112x32xf32, #tpu.memory_space<vmem_shared>>
      tpu.enqueue_indirect_dma source(%dma_start3A_39 : memref<10112x32xf32, #tpu.memory_space<vmem_shared>>) target(%arg8 : memref<128x32xf32, #tpu.memory_space<vmem>>) offsets(%dma_start3A_36 : memref<128xi32, #tpu.memory_space<vmem>>) semaphore(%arg12 : memref<!tpu.dma_semaphore, #tpu.memory_space<semaphore_mem>>)
      %dma_wait3A_40 = arith.constant 78 : i32
      %dma_wait3A_41 = arith.constant 0 : i32
      %dma_wait3A_42 = tpu.memref_slice %arg6[%dma_wait3A_40, %dma_wait3A_41] : memref<79x128xi32, #tpu.memory_space<vmem>> -> memref<1x128xi32, #tpu.memory_space<vmem>>
      %dma_wait3A_43 = tpu.memref_squeeze %dma_wait3A_42 : memref<1x128xi32, #tpu.memory_space<vmem>> -> memref<128xi32, #tpu.memory_space<vmem>>
      %dma_wait3A_44 = arith.constant 0 : i32
      %dma_wait3A_45 = arith.constant 0 : i32
      %dma_wait3A_46 = tpu.memref_slice %arg10[%dma_wait3A_44, %dma_wait3A_45] : memref<10112x32xf32, #tpu.memory_space<vmem_shared>> -> memref<10112x32xf32, #tpu.memory_space<vmem_shared>>
      tpu.wait_indirect_dma semaphore(%arg12 : memref<!tpu.dma_semaphore, #tpu.memory_space<semaphore_mem>>) src(%dma_wait3A_46 : memref<10112x32xf32, #tpu.memory_space<vmem_shared>>) dst(%arg8 : memref<128x32xf32, #tpu.memory_space<vmem>>)
      %run_scoped3A_47 = arith.constant 78 : i32
      "tpu.region"() ({
        %run_scoped3A_48 = tpu.sem_alloc : memref<!tpu.dma_semaphore, #tpu.memory_space<semaphore_mem>>
        %dma_start3A_49 = arith.constant 0 : i32
        %dma_start3A_50 = tpu.memref_slice %arg7[%run_scoped3A_47, %dma_start3A_49] : memref<79x128xi32, #tpu.memory_space<vmem>> -> memref<1x128xi32, #tpu.memory_space<vmem>>
        %dma_start3A_51 = tpu.memref_squeeze %dma_start3A_50 : memref<1x128xi32, #tpu.memory_space<vmem>> -> memref<128xi32, #tpu.memory_space<vmem>>
        %dma_start3A_52 = arith.constant 0 : i32
        %dma_start3A_53 = arith.constant 0 : i32
        %dma_start3A_54 = tpu.memref_slice %arg11[%dma_start3A_52, %dma_start3A_53] : memref<10112x32xf32, #tpu.memory_space<vmem_shared>> -> memref<10112x32xf32, #tpu.memory_space<vmem_shared>>
        tpu.enqueue_indirect_dma source(%arg8 : memref<128x32xf32, #tpu.memory_space<vmem>>) target(%dma_start3A_54 : memref<10112x32xf32, #tpu.memory_space<vmem_shared>>) offsets(%dma_start3A_51 : memref<128xi32, #tpu.memory_space<vmem>>) semaphore(%run_scoped3A_48 : memref<!tpu.dma_semaphore, #tpu.memory_space<semaphore_mem>>) {add = true}
        %dma_wait3A_55 = arith.constant 0 : i32
        %dma_wait3A_56 = tpu.memref_slice %arg7[%run_scoped3A_47, %dma_wait3A_55] : memref<79x128xi32, #tpu.memory_space<vmem>> -> memref<1x128xi32, #tpu.memory_space<vmem>>
        %dma_wait3A_57 = tpu.memref_squeeze %dma_wait3A_56 : memref<1x128xi32, #tpu.memory_space<vmem>> -> memref<128xi32, #tpu.memory_space<vmem>>
        %dma_wait3A_58 = arith.constant 0 : i32
        %dma_wait3A_59 = arith.constant 0 : i32
        %dma_wait3A_60 = tpu.memref_slice %arg11[%dma_wait3A_58, %dma_wait3A_59] : memref<10112x32xf32, #tpu.memory_space<vmem_shared>> -> memref<10112x32xf32, #tpu.memory_space<vmem_shared>>
        tpu.wait_indirect_dma semaphore(%run_scoped3A_48 : memref<!tpu.dma_semaphore, #tpu.memory_space<semaphore_mem>>) src(%arg8 : memref<128x32xf32, #tpu.memory_space<vmem>>) dst(%dma_wait3A_60 : memref<10112x32xf32, #tpu.memory_space<vmem_shared>>)
        tpu.yield
      }) : () -> ()
    } else {
    }
    %barrier3A_32 = arith.constant 0 : index
    tpu.barrier barrier_id(%barrier3A_32)
    "tpu.region"() ({
      %run_scoped3A_33 = tpu.sem_alloc : memref<!tpu.dma_semaphore, #tpu.memory_space<semaphore_mem>>
      %dma_start3A_34 = arith.constant 0 : i32
      %dma_start3A_35 = arith.constant 0 : i32
      %dma_start3A_36 = tpu.memref_slice %arg5[%arg0, %dma_start3A_34, %dma_start3A_35] : memref<2x10112x32xf32, #tpu.memory_space<hbm>> -> memref<1x10112x32xf32, #tpu.memory_space<hbm>>
      %dma_start3A_37 = tpu.memref_squeeze %dma_start3A_36 : memref<1x10112x32xf32, #tpu.memory_space<hbm>> -> memref<10112x32xf32, #tpu.memory_space<hbm>>
      %dma_start3A_38 = arith.constant 0 : i32
      %dma_start3A_39 = tpu.memref_slice %dma_start3A_37[%multiple_of3A, %dma_start3A_38] : memref<10112x32xf32, #tpu.memory_space<hbm>> -> memref<632x32xf32, #tpu.memory_space<hbm>>
      %dma_start3A_40 = arith.constant 0 : i32
      %dma_start3A_41 = tpu.memref_slice %arg11[%multiple_of3A, %dma_start3A_40] : memref<10112x32xf32, #tpu.memory_space<vmem_shared>> -> memref<632x32xf32, #tpu.memory_space<vmem_shared>>
      tpu.enqueue_dma source(%dma_start3A_41 : memref<632x32xf32, #tpu.memory_space<vmem_shared>>) target(%dma_start3A_39 : memref<632x32xf32, #tpu.memory_space<hbm>>) target_semaphore(%run_scoped3A_33 : memref<!tpu.dma_semaphore, #tpu.memory_space<semaphore_mem>>)
      %dma_wait3A_42 = arith.constant 0 : i32
      %dma_wait3A_43 = arith.constant 0 : i32
      %dma_wait3A_44 = tpu.memref_slice %arg5[%arg0, %dma_wait3A_42, %dma_wait3A_43] : memref<2x10112x32xf32, #tpu.memory_space<hbm>> -> memref<1x10112x32xf32, #tpu.memory_space<hbm>>
      %dma_wait3A_45 = tpu.memref_squeeze %dma_wait3A_44 : memref<1x10112x32xf32, #tpu.memory_space<hbm>> -> memref<10112x32xf32, #tpu.memory_space<hbm>>
      %dma_wait3A_46 = arith.constant 0 : i32
      %dma_wait3A_47 = tpu.memref_slice %dma_wait3A_45[%multiple_of3A, %dma_wait3A_46] : memref<10112x32xf32, #tpu.memory_space<hbm>> -> memref<632x32xf32, #tpu.memory_space<hbm>>
      %dma_wait3A_48 = arith.constant 0 : i32
      %dma_wait3A_49 = tpu.memref_slice %arg11[%multiple_of3A, %dma_wait3A_48] : memref<10112x32xf32, #tpu.memory_space<vmem_shared>> -> memref<632x32xf32, #tpu.memory_space<vmem_shared>>
      tpu.wait_dma2 semaphore(%run_scoped3A_33 : memref<!tpu.dma_semaphore, #tpu.memory_space<semaphore_mem>>) src(%dma_wait3A_49 : memref<632x32xf32, #tpu.memory_space<vmem_shared>>) dst(%dma_wait3A_47 : memref<632x32xf32, #tpu.memory_space<hbm>>)
      tpu.yield
    }) : () -> ()
    return
  }
}

#map = affine_map<(d0, d1) -> (0, 0)>
#map1 = affine_map<(d0, d1) -> (0, 0, 0)>
module attributes {stable_mosaic.version = 14 : i64} {
  func.func @_sc_scatter_body(%arg0: i32, %arg1: i32, %arg2: memref<10112x32xf32, #tpu.memory_space<hbm>>, %arg3: memref<2x2500x128xi32, #tpu.memory_space<hbm>>, %arg4: memref<10112x32xf32, #tpu.memory_space<hbm>>, %arg5: memref<2x10112x32xf32, #tpu.memory_space<hbm>>, %arg6: memref<79x128xi32, #tpu.memory_space<vmem>>, %arg7: memref<79x128xi32, #tpu.memory_space<vmem>>, %arg8: memref<128x32xf32, #tpu.memory_space<vmem>>, %arg9: memref<128x32xf32, #tpu.memory_space<vmem>>, %arg10: memref<10112x32xf32, #tpu.memory_space<vmem_shared>>, %arg11: memref<10112x32xf32, #tpu.memory_space<vmem_shared>>, %arg12: memref<!tpu.dma_semaphore, #tpu.memory_space<semaphore_mem>>, %arg13: memref<!tpu.dma_semaphore, #tpu.memory_space<semaphore_mem>>) attributes {dimension_semantics = [#tpu.dimension_semantics<core_parallel>, #tpu.dimension_semantics<subcore_parallel>], iteration_bounds = array<i64: 2, 16>, scalar_prefetch = 0 : i64, scratch_operands = 8 : i64, tpu.core_type = #tpu.core_type<sc_vector_subcore>, window_params = [{transform_indices = #map}, {transform_indices = #map1}, {transform_indices = #map}, {transform_indices = #map1}]} {
    %mul3A = arith.constant 16 : i32
    %mul3A_0 = arith.muli %arg0, %mul3A : i32
    %add3A = arith.addi %mul3A_0, %arg1 : i32
    %mul3A_1 = arith.constant 632 : i32
    %mul3A_2 = arith.muli %arg1, %mul3A_1 : i32
    %multiple_of3A = tpu.assume_multiple %mul3A_2, 8 : i32
    "tpu.region"() ({
      %run_scoped3A_33 = tpu.sem_alloc : memref<!tpu.dma_semaphore, #tpu.memory_space<semaphore_mem>>
      %dma_start3A_34 = arith.constant 0 : i32
      %dma_start3A_35 = tpu.memref_slice %arg10[%multiple_of3A, %dma_start3A_34] : memref<10112x32xf32, #tpu.memory_space<vmem_shared>> -> memref<632x32xf32, #tpu.memory_space<vmem_shared>>
      %dma_start3A_36 = arith.constant 0 : i32
      %dma_start3A_37 = tpu.memref_slice %arg2[%multiple_of3A, %dma_start3A_36] : memref<10112x32xf32, #tpu.memory_space<hbm>> -> memref<632x32xf32, #tpu.memory_space<hbm>>
      tpu.enqueue_dma source(%dma_start3A_37 : memref<632x32xf32, #tpu.memory_space<hbm>>) target(%dma_start3A_35 : memref<632x32xf32, #tpu.memory_space<vmem_shared>>) target_semaphore(%run_scoped3A_33 : memref<!tpu.dma_semaphore, #tpu.memory_space<semaphore_mem>>)
      %dma_wait3A_38 = arith.constant 0 : i32
      %dma_wait3A_39 = tpu.memref_slice %arg10[%multiple_of3A, %dma_wait3A_38] : memref<10112x32xf32, #tpu.memory_space<vmem_shared>> -> memref<632x32xf32, #tpu.memory_space<vmem_shared>>
      %dma_wait3A_40 = arith.constant 0 : i32
      %dma_wait3A_41 = tpu.memref_slice %arg2[%multiple_of3A, %dma_wait3A_40] : memref<10112x32xf32, #tpu.memory_space<hbm>> -> memref<632x32xf32, #tpu.memory_space<hbm>>
      tpu.wait_dma2 semaphore(%run_scoped3A_33 : memref<!tpu.dma_semaphore, #tpu.memory_space<semaphore_mem>>) src(%dma_wait3A_41 : memref<632x32xf32, #tpu.memory_space<hbm>>) dst(%dma_wait3A_39 : memref<632x32xf32, #tpu.memory_space<vmem_shared>>)
      tpu.yield
    }) : () -> ()
    "tpu.region"() ({
      %run_scoped3A_33 = tpu.sem_alloc : memref<!tpu.dma_semaphore, #tpu.memory_space<semaphore_mem>>
      %dma_start3A_34 = arith.constant 0 : i32
      %dma_start3A_35 = tpu.memref_slice %arg11[%multiple_of3A, %dma_start3A_34] : memref<10112x32xf32, #tpu.memory_space<vmem_shared>> -> memref<632x32xf32, #tpu.memory_space<vmem_shared>>
      %dma_start3A_36 = arith.constant 0 : i32
      %dma_start3A_37 = tpu.memref_slice %arg4[%multiple_of3A, %dma_start3A_36] : memref<10112x32xf32, #tpu.memory_space<hbm>> -> memref<632x32xf32, #tpu.memory_space<hbm>>
      tpu.enqueue_dma source(%dma_start3A_37 : memref<632x32xf32, #tpu.memory_space<hbm>>) target(%dma_start3A_35 : memref<632x32xf32, #tpu.memory_space<vmem_shared>>) target_semaphore(%run_scoped3A_33 : memref<!tpu.dma_semaphore, #tpu.memory_space<semaphore_mem>>)
      %dma_wait3A_38 = arith.constant 0 : i32
      %dma_wait3A_39 = tpu.memref_slice %arg11[%multiple_of3A, %dma_wait3A_38] : memref<10112x32xf32, #tpu.memory_space<vmem_shared>> -> memref<632x32xf32, #tpu.memory_space<vmem_shared>>
      %dma_wait3A_40 = arith.constant 0 : i32
      %dma_wait3A_41 = tpu.memref_slice %arg4[%multiple_of3A, %dma_wait3A_40] : memref<10112x32xf32, #tpu.memory_space<hbm>> -> memref<632x32xf32, #tpu.memory_space<hbm>>
      tpu.wait_dma2 semaphore(%run_scoped3A_33 : memref<!tpu.dma_semaphore, #tpu.memory_space<semaphore_mem>>) src(%dma_wait3A_41 : memref<632x32xf32, #tpu.memory_space<hbm>>) dst(%dma_wait3A_39 : memref<632x32xf32, #tpu.memory_space<vmem_shared>>)
      tpu.yield
    }) : () -> ()
    %mul3A_3 = arith.constant 78 : i32
    %mul3A_4 = arith.muli %add3A, %mul3A_3 : i32
    %run_scoped3A = arith.constant 0 : i32
    "tpu.region"() ({
      %run_scoped3A_33 = tpu.sem_alloc : memref<!tpu.dma_semaphore, #tpu.memory_space<semaphore_mem>>
      %dma_start3A_34 = arith.constant 0 : i32
      %dma_start3A_35 = arith.constant 0 : i32
      %dma_start3A_36 = tpu.memref_slice %arg6[%dma_start3A_34, %dma_start3A_35] : memref<79x128xi32, #tpu.memory_space<vmem>> -> memref<78x128xi32, #tpu.memory_space<vmem>>
      %dma_start3A_37 = arith.constant 0 : i32
      %dma_start3A_38 = arith.constant 0 : i32
      %dma_start3A_39 = tpu.memref_slice %arg3[%run_scoped3A, %dma_start3A_37, %dma_start3A_38] : memref<2x2500x128xi32, #tpu.memory_space<hbm>> -> memref<1x2500x128xi32, #tpu.memory_space<hbm>>
      %dma_start3A_40 = tpu.memref_squeeze %dma_start3A_39 : memref<1x2500x128xi32, #tpu.memory_space<hbm>> -> memref<2500x128xi32, #tpu.memory_space<hbm>>
      %dma_start3A_41 = arith.constant 0 : i32
      %dma_start3A_42 = tpu.memref_slice %dma_start3A_40[%mul3A_4, %dma_start3A_41] : memref<2500x128xi32, #tpu.memory_space<hbm>> -> memref<78x128xi32, #tpu.memory_space<hbm>>
      %dma_start3A_43 = arith.constant 0 : i32
      %dma_start3A_44 = arith.constant 0 : i32
      %dma_start3A_45 = tpu.memref_slice %arg6[%dma_start3A_43, %dma_start3A_44] : memref<79x128xi32, #tpu.memory_space<vmem>> -> memref<78x128xi32, #tpu.memory_space<vmem>>
      %dma_start3A_46 = arith.constant 0 : i32
      %dma_start3A_47 = arith.constant 0 : i32
      %dma_start3A_48 = tpu.memref_slice %arg3[%run_scoped3A, %dma_start3A_46, %dma_start3A_47] : memref<2x2500x128xi32, #tpu.memory_space<hbm>> -> memref<1x2500x128xi32, #tpu.memory_space<hbm>>
      %dma_start3A_49 = tpu.memref_squeeze %dma_start3A_48 : memref<1x2500x128xi32, #tpu.memory_space<hbm>> -> memref<2500x128xi32, #tpu.memory_space<hbm>>
      %dma_start3A_50 = arith.constant 0 : i32
      %dma_start3A_51 = tpu.memref_slice %dma_start3A_49[%mul3A_4, %dma_start3A_50] : memref<2500x128xi32, #tpu.memory_space<hbm>> -> memref<78x128xi32, #tpu.memory_space<hbm>>
      tpu.enqueue_dma source(%dma_start3A_51 : memref<78x128xi32, #tpu.memory_space<hbm>>) target(%dma_start3A_45 : memref<78x128xi32, #tpu.memory_space<vmem>>) target_semaphore(%run_scoped3A_33 : memref<!tpu.dma_semaphore, #tpu.memory_space<semaphore_mem>>)
      %dma_wait3A_52 = arith.constant 0 : i32
      %dma_wait3A_53 = arith.constant 0 : i32
      %dma_wait3A_54 = tpu.memref_slice %arg6[%dma_wait3A_52, %dma_wait3A_53] : memref<79x128xi32, #tpu.memory_space<vmem>> -> memref<78x128xi32, #tpu.memory_space<vmem>>
      %dma_wait3A_55 = arith.constant 0 : i32
      %dma_wait3A_56 = arith.constant 0 : i32
      %dma_wait3A_57 = tpu.memref_slice %arg3[%run_scoped3A, %dma_wait3A_55, %dma_wait3A_56] : memref<2x2500x128xi32, #tpu.memory_space<hbm>> -> memref<1x2500x128xi32, #tpu.memory_space<hbm>>
      %dma_wait3A_58 = tpu.memref_squeeze %dma_wait3A_57 : memref<1x2500x128xi32, #tpu.memory_space<hbm>> -> memref<2500x128xi32, #tpu.memory_space<hbm>>
      %dma_wait3A_59 = arith.constant 0 : i32
      %dma_wait3A_60 = tpu.memref_slice %dma_wait3A_58[%mul3A_4, %dma_wait3A_59] : memref<2500x128xi32, #tpu.memory_space<hbm>> -> memref<78x128xi32, #tpu.memory_space<hbm>>
      %dma_wait3A_61 = arith.constant 0 : i32
      %dma_wait3A_62 = arith.constant 0 : i32
      %dma_wait3A_63 = tpu.memref_slice %arg6[%dma_wait3A_61, %dma_wait3A_62] : memref<79x128xi32, #tpu.memory_space<vmem>> -> memref<78x128xi32, #tpu.memory_space<vmem>>
      %dma_wait3A_64 = arith.constant 0 : i32
      %dma_wait3A_65 = arith.constant 0 : i32
      %dma_wait3A_66 = tpu.memref_slice %arg3[%run_scoped3A, %dma_wait3A_64, %dma_wait3A_65] : memref<2x2500x128xi32, #tpu.memory_space<hbm>> -> memref<1x2500x128xi32, #tpu.memory_space<hbm>>
      %dma_wait3A_67 = tpu.memref_squeeze %dma_wait3A_66 : memref<1x2500x128xi32, #tpu.memory_space<hbm>> -> memref<2500x128xi32, #tpu.memory_space<hbm>>
      %dma_wait3A_68 = arith.constant 0 : i32
      %dma_wait3A_69 = tpu.memref_slice %dma_wait3A_67[%mul3A_4, %dma_wait3A_68] : memref<2500x128xi32, #tpu.memory_space<hbm>> -> memref<78x128xi32, #tpu.memory_space<hbm>>
      tpu.wait_dma2 semaphore(%run_scoped3A_33 : memref<!tpu.dma_semaphore, #tpu.memory_space<semaphore_mem>>) src(%dma_wait3A_69 : memref<78x128xi32, #tpu.memory_space<hbm>>) dst(%dma_wait3A_63 : memref<78x128xi32, #tpu.memory_space<vmem>>)
      tpu.yield
    }) : () -> ()
    %mul3A_5 = arith.constant 78 : i32
    %mul3A_6 = arith.muli %add3A, %mul3A_5 : i32
    %run_scoped3A_7 = arith.constant 1 : i32
    "tpu.region"() ({
      %run_scoped3A_33 = tpu.sem_alloc : memref<!tpu.dma_semaphore, #tpu.memory_space<semaphore_mem>>
      %dma_start3A_34 = arith.constant 0 : i32
      %dma_start3A_35 = arith.constant 0 : i32
      %dma_start3A_36 = tpu.memref_slice %arg7[%dma_start3A_34, %dma_start3A_35] : memref<79x128xi32, #tpu.memory_space<vmem>> -> memref<78x128xi32, #tpu.memory_space<vmem>>
      %dma_start3A_37 = arith.constant 0 : i32
      %dma_start3A_38 = arith.constant 0 : i32
      %dma_start3A_39 = tpu.memref_slice %arg3[%run_scoped3A_7, %dma_start3A_37, %dma_start3A_38] : memref<2x2500x128xi32, #tpu.memory_space<hbm>> -> memref<1x2500x128xi32, #tpu.memory_space<hbm>>
      %dma_start3A_40 = tpu.memref_squeeze %dma_start3A_39 : memref<1x2500x128xi32, #tpu.memory_space<hbm>> -> memref<2500x128xi32, #tpu.memory_space<hbm>>
      %dma_start3A_41 = arith.constant 0 : i32
      %dma_start3A_42 = tpu.memref_slice %dma_start3A_40[%mul3A_6, %dma_start3A_41] : memref<2500x128xi32, #tpu.memory_space<hbm>> -> memref<78x128xi32, #tpu.memory_space<hbm>>
      %dma_start3A_43 = arith.constant 0 : i32
      %dma_start3A_44 = arith.constant 0 : i32
      %dma_start3A_45 = tpu.memref_slice %arg7[%dma_start3A_43, %dma_start3A_44] : memref<79x128xi32, #tpu.memory_space<vmem>> -> memref<78x128xi32, #tpu.memory_space<vmem>>
      %dma_start3A_46 = arith.constant 0 : i32
      %dma_start3A_47 = arith.constant 0 : i32
      %dma_start3A_48 = tpu.memref_slice %arg3[%run_scoped3A_7, %dma_start3A_46, %dma_start3A_47] : memref<2x2500x128xi32, #tpu.memory_space<hbm>> -> memref<1x2500x128xi32, #tpu.memory_space<hbm>>
      %dma_start3A_49 = tpu.memref_squeeze %dma_start3A_48 : memref<1x2500x128xi32, #tpu.memory_space<hbm>> -> memref<2500x128xi32, #tpu.memory_space<hbm>>
      %dma_start3A_50 = arith.constant 0 : i32
      %dma_start3A_51 = tpu.memref_slice %dma_start3A_49[%mul3A_6, %dma_start3A_50] : memref<2500x128xi32, #tpu.memory_space<hbm>> -> memref<78x128xi32, #tpu.memory_space<hbm>>
      tpu.enqueue_dma source(%dma_start3A_51 : memref<78x128xi32, #tpu.memory_space<hbm>>) target(%dma_start3A_45 : memref<78x128xi32, #tpu.memory_space<vmem>>) target_semaphore(%run_scoped3A_33 : memref<!tpu.dma_semaphore, #tpu.memory_space<semaphore_mem>>)
      %dma_wait3A_52 = arith.constant 0 : i32
      %dma_wait3A_53 = arith.constant 0 : i32
      %dma_wait3A_54 = tpu.memref_slice %arg7[%dma_wait3A_52, %dma_wait3A_53] : memref<79x128xi32, #tpu.memory_space<vmem>> -> memref<78x128xi32, #tpu.memory_space<vmem>>
      %dma_wait3A_55 = arith.constant 0 : i32
      %dma_wait3A_56 = arith.constant 0 : i32
      %dma_wait3A_57 = tpu.memref_slice %arg3[%run_scoped3A_7, %dma_wait3A_55, %dma_wait3A_56] : memref<2x2500x128xi32, #tpu.memory_space<hbm>> -> memref<1x2500x128xi32, #tpu.memory_space<hbm>>
      %dma_wait3A_58 = tpu.memref_squeeze %dma_wait3A_57 : memref<1x2500x128xi32, #tpu.memory_space<hbm>> -> memref<2500x128xi32, #tpu.memory_space<hbm>>
      %dma_wait3A_59 = arith.constant 0 : i32
      %dma_wait3A_60 = tpu.memref_slice %dma_wait3A_58[%mul3A_6, %dma_wait3A_59] : memref<2500x128xi32, #tpu.memory_space<hbm>> -> memref<78x128xi32, #tpu.memory_space<hbm>>
      %dma_wait3A_61 = arith.constant 0 : i32
      %dma_wait3A_62 = arith.constant 0 : i32
      %dma_wait3A_63 = tpu.memref_slice %arg7[%dma_wait3A_61, %dma_wait3A_62] : memref<79x128xi32, #tpu.memory_space<vmem>> -> memref<78x128xi32, #tpu.memory_space<vmem>>
      %dma_wait3A_64 = arith.constant 0 : i32
      %dma_wait3A_65 = arith.constant 0 : i32
      %dma_wait3A_66 = tpu.memref_slice %arg3[%run_scoped3A_7, %dma_wait3A_64, %dma_wait3A_65] : memref<2x2500x128xi32, #tpu.memory_space<hbm>> -> memref<1x2500x128xi32, #tpu.memory_space<hbm>>
      %dma_wait3A_67 = tpu.memref_squeeze %dma_wait3A_66 : memref<1x2500x128xi32, #tpu.memory_space<hbm>> -> memref<2500x128xi32, #tpu.memory_space<hbm>>
      %dma_wait3A_68 = arith.constant 0 : i32
      %dma_wait3A_69 = tpu.memref_slice %dma_wait3A_67[%mul3A_6, %dma_wait3A_68] : memref<2500x128xi32, #tpu.memory_space<hbm>> -> memref<78x128xi32, #tpu.memory_space<hbm>>
      tpu.wait_dma2 semaphore(%run_scoped3A_33 : memref<!tpu.dma_semaphore, #tpu.memory_space<semaphore_mem>>) src(%dma_wait3A_69 : memref<78x128xi32, #tpu.memory_space<hbm>>) dst(%dma_wait3A_63 : memref<78x128xi32, #tpu.memory_space<vmem>>)
      tpu.yield
    }) : () -> ()
    %lt3A = arith.constant 4 : i32
    %lt3A_8 = arith.cmpi slt, %add3A, %lt3A : i32
    %convert_element_type3A = arith.extui %lt3A_8 : i1 to i32
    %cond3A = arith.constant 0 : i32
    %cond3A_9 = arith.cmpi ne, %convert_element_type3A, %cond3A : i32
    scf.if %cond3A_9 {
      %add3A_33 = arith.constant 2496 : i32
      %add3A_34 = arith.addi %add3A_33, %add3A : i32
      %run_scoped3A_35 = arith.constant 0 : i32
      "tpu.region"() ({
        %run_scoped3A_37 = tpu.sem_alloc : memref<!tpu.dma_semaphore, #tpu.memory_space<semaphore_mem>>
        %dma_start3A_38 = arith.constant 78 : i32
        %dma_start3A_39 = arith.constant 0 : i32
        %dma_start3A_40 = tpu.memref_slice %arg6[%dma_start3A_38, %dma_start3A_39] : memref<79x128xi32, #tpu.memory_space<vmem>> -> memref<1x128xi32, #tpu.memory_space<vmem>>
        %dma_start3A_41 = arith.constant 0 : i32
        %dma_start3A_42 = arith.constant 0 : i32
        %dma_start3A_43 = tpu.memref_slice %arg3[%run_scoped3A_35, %dma_start3A_41, %dma_start3A_42] : memref<2x2500x128xi32, #tpu.memory_space<hbm>> -> memref<1x2500x128xi32, #tpu.memory_space<hbm>>
        %dma_start3A_44 = tpu.memref_squeeze %dma_start3A_43 : memref<1x2500x128xi32, #tpu.memory_space<hbm>> -> memref<2500x128xi32, #tpu.memory_space<hbm>>
        %dma_start3A_45 = arith.constant 0 : i32
        %dma_start3A_46 = tpu.memref_slice %dma_start3A_44[%add3A_34, %dma_start3A_45] : memref<2500x128xi32, #tpu.memory_space<hbm>> -> memref<1x128xi32, #tpu.memory_space<hbm>>
        %dma_start3A_47 = arith.constant 78 : i32
        %dma_start3A_48 = arith.constant 0 : i32
        %dma_start3A_49 = tpu.memref_slice %arg6[%dma_start3A_47, %dma_start3A_48] : memref<79x128xi32, #tpu.memory_space<vmem>> -> memref<1x128xi32, #tpu.memory_space<vmem>>
        %dma_start3A_50 = arith.constant 0 : i32
        %dma_start3A_51 = arith.constant 0 : i32
        %dma_start3A_52 = tpu.memref_slice %arg3[%run_scoped3A_35, %dma_start3A_50, %dma_start3A_51] : memref<2x2500x128xi32, #tpu.memory_space<hbm>> -> memref<1x2500x128xi32, #tpu.memory_space<hbm>>
        %dma_start3A_53 = tpu.memref_squeeze %dma_start3A_52 : memref<1x2500x128xi32, #tpu.memory_space<hbm>> -> memref<2500x128xi32, #tpu.memory_space<hbm>>
        %dma_start3A_54 = arith.constant 0 : i32
        %dma_start3A_55 = tpu.memref_slice %dma_start3A_53[%add3A_34, %dma_start3A_54] : memref<2500x128xi32, #tpu.memory_space<hbm>> -> memref<1x128xi32, #tpu.memory_space<hbm>>
        tpu.enqueue_dma source(%dma_start3A_55 : memref<1x128xi32, #tpu.memory_space<hbm>>) target(%dma_start3A_49 : memref<1x128xi32, #tpu.memory_space<vmem>>) target_semaphore(%run_scoped3A_37 : memref<!tpu.dma_semaphore, #tpu.memory_space<semaphore_mem>>)
        %dma_wait3A_56 = arith.constant 78 : i32
        %dma_wait3A_57 = arith.constant 0 : i32
        %dma_wait3A_58 = tpu.memref_slice %arg6[%dma_wait3A_56, %dma_wait3A_57] : memref<79x128xi32, #tpu.memory_space<vmem>> -> memref<1x128xi32, #tpu.memory_space<vmem>>
        %dma_wait3A_59 = arith.constant 0 : i32
        %dma_wait3A_60 = arith.constant 0 : i32
        %dma_wait3A_61 = tpu.memref_slice %arg3[%run_scoped3A_35, %dma_wait3A_59, %dma_wait3A_60] : memref<2x2500x128xi32, #tpu.memory_space<hbm>> -> memref<1x2500x128xi32, #tpu.memory_space<hbm>>
        %dma_wait3A_62 = tpu.memref_squeeze %dma_wait3A_61 : memref<1x2500x128xi32, #tpu.memory_space<hbm>> -> memref<2500x128xi32, #tpu.memory_space<hbm>>
        %dma_wait3A_63 = arith.constant 0 : i32
        %dma_wait3A_64 = tpu.memref_slice %dma_wait3A_62[%add3A_34, %dma_wait3A_63] : memref<2500x128xi32, #tpu.memory_space<hbm>> -> memref<1x128xi32, #tpu.memory_space<hbm>>
        %dma_wait3A_65 = arith.constant 78 : i32
        %dma_wait3A_66 = arith.constant 0 : i32
        %dma_wait3A_67 = tpu.memref_slice %arg6[%dma_wait3A_65, %dma_wait3A_66] : memref<79x128xi32, #tpu.memory_space<vmem>> -> memref<1x128xi32, #tpu.memory_space<vmem>>
        %dma_wait3A_68 = arith.constant 0 : i32
        %dma_wait3A_69 = arith.constant 0 : i32
        %dma_wait3A_70 = tpu.memref_slice %arg3[%run_scoped3A_35, %dma_wait3A_68, %dma_wait3A_69] : memref<2x2500x128xi32, #tpu.memory_space<hbm>> -> memref<1x2500x128xi32, #tpu.memory_space<hbm>>
        %dma_wait3A_71 = tpu.memref_squeeze %dma_wait3A_70 : memref<1x2500x128xi32, #tpu.memory_space<hbm>> -> memref<2500x128xi32, #tpu.memory_space<hbm>>
        %dma_wait3A_72 = arith.constant 0 : i32
        %dma_wait3A_73 = tpu.memref_slice %dma_wait3A_71[%add3A_34, %dma_wait3A_72] : memref<2500x128xi32, #tpu.memory_space<hbm>> -> memref<1x128xi32, #tpu.memory_space<hbm>>
        tpu.wait_dma2 semaphore(%run_scoped3A_37 : memref<!tpu.dma_semaphore, #tpu.memory_space<semaphore_mem>>) src(%dma_wait3A_73 : memref<1x128xi32, #tpu.memory_space<hbm>>) dst(%dma_wait3A_67 : memref<1x128xi32, #tpu.memory_space<vmem>>)
        tpu.yield
      }) : () -> ()
      %run_scoped3A_36 = arith.constant 1 : i32
      "tpu.region"() ({
        %run_scoped3A_37 = tpu.sem_alloc : memref<!tpu.dma_semaphore, #tpu.memory_space<semaphore_mem>>
        %dma_start3A_38 = arith.constant 78 : i32
        %dma_start3A_39 = arith.constant 0 : i32
        %dma_start3A_40 = tpu.memref_slice %arg7[%dma_start3A_38, %dma_start3A_39] : memref<79x128xi32, #tpu.memory_space<vmem>> -> memref<1x128xi32, #tpu.memory_space<vmem>>
        %dma_start3A_41 = arith.constant 0 : i32
        %dma_start3A_42 = arith.constant 0 : i32
        %dma_start3A_43 = tpu.memref_slice %arg3[%run_scoped3A_36, %dma_start3A_41, %dma_start3A_42] : memref<2x2500x128xi32, #tpu.memory_space<hbm>> -> memref<1x2500x128xi32, #tpu.memory_space<hbm>>
        %dma_start3A_44 = tpu.memref_squeeze %dma_start3A_43 : memref<1x2500x128xi32, #tpu.memory_space<hbm>> -> memref<2500x128xi32, #tpu.memory_space<hbm>>
        %dma_start3A_45 = arith.constant 0 : i32
        %dma_start3A_46 = tpu.memref_slice %dma_start3A_44[%add3A_34, %dma_start3A_45] : memref<2500x128xi32, #tpu.memory_space<hbm>> -> memref<1x128xi32, #tpu.memory_space<hbm>>
        %dma_start3A_47 = arith.constant 78 : i32
        %dma_start3A_48 = arith.constant 0 : i32
        %dma_start3A_49 = tpu.memref_slice %arg7[%dma_start3A_47, %dma_start3A_48] : memref<79x128xi32, #tpu.memory_space<vmem>> -> memref<1x128xi32, #tpu.memory_space<vmem>>
        %dma_start3A_50 = arith.constant 0 : i32
        %dma_start3A_51 = arith.constant 0 : i32
        %dma_start3A_52 = tpu.memref_slice %arg3[%run_scoped3A_36, %dma_start3A_50, %dma_start3A_51] : memref<2x2500x128xi32, #tpu.memory_space<hbm>> -> memref<1x2500x128xi32, #tpu.memory_space<hbm>>
        %dma_start3A_53 = tpu.memref_squeeze %dma_start3A_52 : memref<1x2500x128xi32, #tpu.memory_space<hbm>> -> memref<2500x128xi32, #tpu.memory_space<hbm>>
        %dma_start3A_54 = arith.constant 0 : i32
        %dma_start3A_55 = tpu.memref_slice %dma_start3A_53[%add3A_34, %dma_start3A_54] : memref<2500x128xi32, #tpu.memory_space<hbm>> -> memref<1x128xi32, #tpu.memory_space<hbm>>
        tpu.enqueue_dma source(%dma_start3A_55 : memref<1x128xi32, #tpu.memory_space<hbm>>) target(%dma_start3A_49 : memref<1x128xi32, #tpu.memory_space<vmem>>) target_semaphore(%run_scoped3A_37 : memref<!tpu.dma_semaphore, #tpu.memory_space<semaphore_mem>>)
        %dma_wait3A_56 = arith.constant 78 : i32
        %dma_wait3A_57 = arith.constant 0 : i32
        %dma_wait3A_58 = tpu.memref_slice %arg7[%dma_wait3A_56, %dma_wait3A_57] : memref<79x128xi32, #tpu.memory_space<vmem>> -> memref<1x128xi32, #tpu.memory_space<vmem>>
        %dma_wait3A_59 = arith.constant 0 : i32
        %dma_wait3A_60 = arith.constant 0 : i32
        %dma_wait3A_61 = tpu.memref_slice %arg3[%run_scoped3A_36, %dma_wait3A_59, %dma_wait3A_60] : memref<2x2500x128xi32, #tpu.memory_space<hbm>> -> memref<1x2500x128xi32, #tpu.memory_space<hbm>>
        %dma_wait3A_62 = tpu.memref_squeeze %dma_wait3A_61 : memref<1x2500x128xi32, #tpu.memory_space<hbm>> -> memref<2500x128xi32, #tpu.memory_space<hbm>>
        %dma_wait3A_63 = arith.constant 0 : i32
        %dma_wait3A_64 = tpu.memref_slice %dma_wait3A_62[%add3A_34, %dma_wait3A_63] : memref<2500x128xi32, #tpu.memory_space<hbm>> -> memref<1x128xi32, #tpu.memory_space<hbm>>
        %dma_wait3A_65 = arith.constant 78 : i32
        %dma_wait3A_66 = arith.constant 0 : i32
        %dma_wait3A_67 = tpu.memref_slice %arg7[%dma_wait3A_65, %dma_wait3A_66] : memref<79x128xi32, #tpu.memory_space<vmem>> -> memref<1x128xi32, #tpu.memory_space<vmem>>
        %dma_wait3A_68 = arith.constant 0 : i32
        %dma_wait3A_69 = arith.constant 0 : i32
        %dma_wait3A_70 = tpu.memref_slice %arg3[%run_scoped3A_36, %dma_wait3A_68, %dma_wait3A_69] : memref<2x2500x128xi32, #tpu.memory_space<hbm>> -> memref<1x2500x128xi32, #tpu.memory_space<hbm>>
        %dma_wait3A_71 = tpu.memref_squeeze %dma_wait3A_70 : memref<1x2500x128xi32, #tpu.memory_space<hbm>> -> memref<2500x128xi32, #tpu.memory_space<hbm>>
        %dma_wait3A_72 = arith.constant 0 : i32
        %dma_wait3A_73 = tpu.memref_slice %dma_wait3A_71[%add3A_34, %dma_wait3A_72] : memref<2500x128xi32, #tpu.memory_space<hbm>> -> memref<1x128xi32, #tpu.memory_space<hbm>>
        tpu.wait_dma2 semaphore(%run_scoped3A_37 : memref<!tpu.dma_semaphore, #tpu.memory_space<semaphore_mem>>) src(%dma_wait3A_73 : memref<1x128xi32, #tpu.memory_space<hbm>>) dst(%dma_wait3A_67 : memref<1x128xi32, #tpu.memory_space<vmem>>)
        tpu.yield
      }) : () -> ()
    } else {
    }
    %barrier3A = arith.constant 0 : index
    tpu.barrier barrier_id(%barrier3A)
    %dma_start3A = arith.constant 0 : i32
    %dma_start3A_10 = arith.constant 0 : i32
    %dma_start3A_11 = tpu.memref_slice %arg6[%dma_start3A, %dma_start3A_10] : memref<79x128xi32, #tpu.memory_space<vmem>> -> memref<1x128xi32, #tpu.memory_space<vmem>>
    %dma_start3A_12 = tpu.memref_squeeze %dma_start3A_11 : memref<1x128xi32, #tpu.memory_space<vmem>> -> memref<128xi32, #tpu.memory_space<vmem>>
    %dma_start3A_13 = arith.constant 0 : i32
    %dma_start3A_14 = arith.constant 0 : i32
    %dma_start3A_15 = tpu.memref_slice %arg10[%dma_start3A_13, %dma_start3A_14] : memref<10112x32xf32, #tpu.memory_space<vmem_shared>> -> memref<10112x32xf32, #tpu.memory_space<vmem_shared>>
    tpu.enqueue_indirect_dma source(%dma_start3A_15 : memref<10112x32xf32, #tpu.memory_space<vmem_shared>>) target(%arg8 : memref<128x32xf32, #tpu.memory_space<vmem>>) offsets(%dma_start3A_12 : memref<128xi32, #tpu.memory_space<vmem>>) semaphore(%arg12 : memref<!tpu.dma_semaphore, #tpu.memory_space<semaphore_mem>>)
    %scan3A = arith.constant 0 : i32
    %scan3A_16 = arith.constant 0 : i32
    %scan3A_17 = arith.constant 39 : i32
    %scan3A_18 = arith.addi %scan3A_16, %scan3A_17 : i32
    %scan3A_19 = arith.constant 1 : i32
    scf.for %scan3A_33 = %scan3A_16 to %scan3A_18 step %scan3A_19  : i32 {
      %mul3A_34 = arith.constant 2 : i32
      %mul3A_35 = arith.muli %mul3A_34, %scan3A_33 : i32
      %mul3A_36 = arith.constant 2 : i32
      %mul3A_37 = arith.muli %mul3A_36, %scan3A_33 : i32
      %add3A_38 = arith.constant 1 : i32
      %add3A_39 = arith.addi %mul3A_37, %add3A_38 : i32
      %mul3A_40 = arith.constant 2 : i32
      %mul3A_41 = arith.muli %mul3A_40, %scan3A_33 : i32
      %add3A_42 = arith.constant 2 : i32
      %add3A_43 = arith.addi %mul3A_41, %add3A_42 : i32
      %min3A = arith.constant 77 : i32
      %min3A_44 = arith.minsi %add3A_43, %min3A : i32
      %dma_start3A_45 = arith.constant 0 : i32
      %dma_start3A_46 = tpu.memref_slice %arg6[%add3A_39, %dma_start3A_45] : memref<79x128xi32, #tpu.memory_space<vmem>> -> memref<1x128xi32, #tpu.memory_space<vmem>>
      %dma_start3A_47 = tpu.memref_squeeze %dma_start3A_46 : memref<1x128xi32, #tpu.memory_space<vmem>> -> memref<128xi32, #tpu.memory_space<vmem>>
      %dma_start3A_48 = arith.constant 0 : i32
      %dma_start3A_49 = arith.constant 0 : i32
      %dma_start3A_50 = tpu.memref_slice %arg10[%dma_start3A_48, %dma_start3A_49] : memref<10112x32xf32, #tpu.memory_space<vmem_shared>> -> memref<10112x32xf32, #tpu.memory_space<vmem_shared>>
      tpu.enqueue_indirect_dma source(%dma_start3A_50 : memref<10112x32xf32, #tpu.memory_space<vmem_shared>>) target(%arg9 : memref<128x32xf32, #tpu.memory_space<vmem>>) offsets(%dma_start3A_47 : memref<128xi32, #tpu.memory_space<vmem>>) semaphore(%arg13 : memref<!tpu.dma_semaphore, #tpu.memory_space<semaphore_mem>>)
      %dma_wait3A_51 = arith.constant 0 : i32
      %dma_wait3A_52 = tpu.memref_slice %arg6[%mul3A_35, %dma_wait3A_51] : memref<79x128xi32, #tpu.memory_space<vmem>> -> memref<1x128xi32, #tpu.memory_space<vmem>>
      %dma_wait3A_53 = tpu.memref_squeeze %dma_wait3A_52 : memref<1x128xi32, #tpu.memory_space<vmem>> -> memref<128xi32, #tpu.memory_space<vmem>>
      %dma_wait3A_54 = arith.constant 0 : i32
      %dma_wait3A_55 = arith.constant 0 : i32
      %dma_wait3A_56 = tpu.memref_slice %arg10[%dma_wait3A_54, %dma_wait3A_55] : memref<10112x32xf32, #tpu.memory_space<vmem_shared>> -> memref<10112x32xf32, #tpu.memory_space<vmem_shared>>
      tpu.wait_indirect_dma semaphore(%arg12 : memref<!tpu.dma_semaphore, #tpu.memory_space<semaphore_mem>>) src(%dma_wait3A_56 : memref<10112x32xf32, #tpu.memory_space<vmem_shared>>) dst(%arg8 : memref<128x32xf32, #tpu.memory_space<vmem>>)
      "tpu.region"() ({
        %run_scoped3A_69 = tpu.sem_alloc : memref<!tpu.dma_semaphore, #tpu.memory_space<semaphore_mem>>
        %dma_start3A_70 = arith.constant 0 : i32
        %dma_start3A_71 = tpu.memref_slice %arg7[%mul3A_35, %dma_start3A_70] : memref<79x128xi32, #tpu.memory_space<vmem>> -> memref<1x128xi32, #tpu.memory_space<vmem>>
        %dma_start3A_72 = tpu.memref_squeeze %dma_start3A_71 : memref<1x128xi32, #tpu.memory_space<vmem>> -> memref<128xi32, #tpu.memory_space<vmem>>
        %dma_start3A_73 = arith.constant 0 : i32
        %dma_start3A_74 = arith.constant 0 : i32
        %dma_start3A_75 = tpu.memref_slice %arg11[%dma_start3A_73, %dma_start3A_74] : memref<10112x32xf32, #tpu.memory_space<vmem_shared>> -> memref<10112x32xf32, #tpu.memory_space<vmem_shared>>
        tpu.enqueue_indirect_dma source(%arg8 : memref<128x32xf32, #tpu.memory_space<vmem>>) target(%dma_start3A_75 : memref<10112x32xf32, #tpu.memory_space<vmem_shared>>) offsets(%dma_start3A_72 : memref<128xi32, #tpu.memory_space<vmem>>) semaphore(%run_scoped3A_69 : memref<!tpu.dma_semaphore, #tpu.memory_space<semaphore_mem>>) {add = true}
        %dma_wait3A_76 = arith.constant 0 : i32
        %dma_wait3A_77 = tpu.memref_slice %arg7[%mul3A_35, %dma_wait3A_76] : memref<79x128xi32, #tpu.memory_space<vmem>> -> memref<1x128xi32, #tpu.memory_space<vmem>>
        %dma_wait3A_78 = tpu.memref_squeeze %dma_wait3A_77 : memref<1x128xi32, #tpu.memory_space<vmem>> -> memref<128xi32, #tpu.memory_space<vmem>>
        %dma_wait3A_79 = arith.constant 0 : i32
        %dma_wait3A_80 = arith.constant 0 : i32
        %dma_wait3A_81 = tpu.memref_slice %arg11[%dma_wait3A_79, %dma_wait3A_80] : memref<10112x32xf32, #tpu.memory_space<vmem_shared>> -> memref<10112x32xf32, #tpu.memory_space<vmem_shared>>
        tpu.wait_indirect_dma semaphore(%run_scoped3A_69 : memref<!tpu.dma_semaphore, #tpu.memory_space<semaphore_mem>>) src(%arg8 : memref<128x32xf32, #tpu.memory_space<vmem>>) dst(%dma_wait3A_81 : memref<10112x32xf32, #tpu.memory_space<vmem_shared>>)
        tpu.yield
      }) : () -> ()
      %dma_start3A_57 = arith.constant 0 : i32
      %dma_start3A_58 = tpu.memref_slice %arg6[%min3A_44, %dma_start3A_57] : memref<79x128xi32, #tpu.memory_space<vmem>> -> memref<1x128xi32, #tpu.memory_space<vmem>>
      %dma_start3A_59 = tpu.memref_squeeze %dma_start3A_58 : memref<1x128xi32, #tpu.memory_space<vmem>> -> memref<128xi32, #tpu.memory_space<vmem>>
      %dma_start3A_60 = arith.constant 0 : i32
      %dma_start3A_61 = arith.constant 0 : i32
      %dma_start3A_62 = tpu.memref_slice %arg10[%dma_start3A_60, %dma_start3A_61] : memref<10112x32xf32, #tpu.memory_space<vmem_shared>> -> memref<10112x32xf32, #tpu.memory_space<vmem_shared>>
      tpu.enqueue_indirect_dma source(%dma_start3A_62 : memref<10112x32xf32, #tpu.memory_space<vmem_shared>>) target(%arg8 : memref<128x32xf32, #tpu.memory_space<vmem>>) offsets(%dma_start3A_59 : memref<128xi32, #tpu.memory_space<vmem>>) semaphore(%arg12 : memref<!tpu.dma_semaphore, #tpu.memory_space<semaphore_mem>>)
      %dma_wait3A_63 = arith.constant 0 : i32
      %dma_wait3A_64 = tpu.memref_slice %arg6[%add3A_39, %dma_wait3A_63] : memref<79x128xi32, #tpu.memory_space<vmem>> -> memref<1x128xi32, #tpu.memory_space<vmem>>
      %dma_wait3A_65 = tpu.memref_squeeze %dma_wait3A_64 : memref<1x128xi32, #tpu.memory_space<vmem>> -> memref<128xi32, #tpu.memory_space<vmem>>
      %dma_wait3A_66 = arith.constant 0 : i32
      %dma_wait3A_67 = arith.constant 0 : i32
      %dma_wait3A_68 = tpu.memref_slice %arg10[%dma_wait3A_66, %dma_wait3A_67] : memref<10112x32xf32, #tpu.memory_space<vmem_shared>> -> memref<10112x32xf32, #tpu.memory_space<vmem_shared>>
      tpu.wait_indirect_dma semaphore(%arg13 : memref<!tpu.dma_semaphore, #tpu.memory_space<semaphore_mem>>) src(%dma_wait3A_68 : memref<10112x32xf32, #tpu.memory_space<vmem_shared>>) dst(%arg9 : memref<128x32xf32, #tpu.memory_space<vmem>>)
      "tpu.region"() ({
        %run_scoped3A_69 = tpu.sem_alloc : memref<!tpu.dma_semaphore, #tpu.memory_space<semaphore_mem>>
        %dma_start3A_70 = arith.constant 0 : i32
        %dma_start3A_71 = tpu.memref_slice %arg7[%add3A_39, %dma_start3A_70] : memref<79x128xi32, #tpu.memory_space<vmem>> -> memref<1x128xi32, #tpu.memory_space<vmem>>
        %dma_start3A_72 = tpu.memref_squeeze %dma_start3A_71 : memref<1x128xi32, #tpu.memory_space<vmem>> -> memref<128xi32, #tpu.memory_space<vmem>>
        %dma_start3A_73 = arith.constant 0 : i32
        %dma_start3A_74 = arith.constant 0 : i32
        %dma_start3A_75 = tpu.memref_slice %arg11[%dma_start3A_73, %dma_start3A_74] : memref<10112x32xf32, #tpu.memory_space<vmem_shared>> -> memref<10112x32xf32, #tpu.memory_space<vmem_shared>>
        tpu.enqueue_indirect_dma source(%arg9 : memref<128x32xf32, #tpu.memory_space<vmem>>) target(%dma_start3A_75 : memref<10112x32xf32, #tpu.memory_space<vmem_shared>>) offsets(%dma_start3A_72 : memref<128xi32, #tpu.memory_space<vmem>>) semaphore(%run_scoped3A_69 : memref<!tpu.dma_semaphore, #tpu.memory_space<semaphore_mem>>) {add = true}
        %dma_wait3A_76 = arith.constant 0 : i32
        %dma_wait3A_77 = tpu.memref_slice %arg7[%add3A_39, %dma_wait3A_76] : memref<79x128xi32, #tpu.memory_space<vmem>> -> memref<1x128xi32, #tpu.memory_space<vmem>>
        %dma_wait3A_78 = tpu.memref_squeeze %dma_wait3A_77 : memref<1x128xi32, #tpu.memory_space<vmem>> -> memref<128xi32, #tpu.memory_space<vmem>>
        %dma_wait3A_79 = arith.constant 0 : i32
        %dma_wait3A_80 = arith.constant 0 : i32
        %dma_wait3A_81 = tpu.memref_slice %arg11[%dma_wait3A_79, %dma_wait3A_80] : memref<10112x32xf32, #tpu.memory_space<vmem_shared>> -> memref<10112x32xf32, #tpu.memory_space<vmem_shared>>
        tpu.wait_indirect_dma semaphore(%run_scoped3A_69 : memref<!tpu.dma_semaphore, #tpu.memory_space<semaphore_mem>>) src(%arg9 : memref<128x32xf32, #tpu.memory_space<vmem>>) dst(%dma_wait3A_81 : memref<10112x32xf32, #tpu.memory_space<vmem_shared>>)
        tpu.yield
      }) : () -> ()
    }
    %scan3A_20 = arith.constant 39 : i32
    %dma_wait3A = arith.constant 77 : i32
    %dma_wait3A_21 = arith.constant 0 : i32
    %dma_wait3A_22 = tpu.memref_slice %arg6[%dma_wait3A, %dma_wait3A_21] : memref<79x128xi32, #tpu.memory_space<vmem>> -> memref<1x128xi32, #tpu.memory_space<vmem>>
    %dma_wait3A_23 = tpu.memref_squeeze %dma_wait3A_22 : memref<1x128xi32, #tpu.memory_space<vmem>> -> memref<128xi32, #tpu.memory_space<vmem>>
    %dma_wait3A_24 = arith.constant 0 : i32
    %dma_wait3A_25 = arith.constant 0 : i32
    %dma_wait3A_26 = tpu.memref_slice %arg10[%dma_wait3A_24, %dma_wait3A_25] : memref<10112x32xf32, #tpu.memory_space<vmem_shared>> -> memref<10112x32xf32, #tpu.memory_space<vmem_shared>>
    tpu.wait_indirect_dma semaphore(%arg12 : memref<!tpu.dma_semaphore, #tpu.memory_space<semaphore_mem>>) src(%dma_wait3A_26 : memref<10112x32xf32, #tpu.memory_space<vmem_shared>>) dst(%arg8 : memref<128x32xf32, #tpu.memory_space<vmem>>)
    %lt3A_27 = arith.constant 4 : i32
    %lt3A_28 = arith.cmpi slt, %add3A, %lt3A_27 : i32
    %convert_element_type3A_29 = arith.extui %lt3A_28 : i1 to i32
    %cond3A_30 = arith.constant 0 : i32
    %cond3A_31 = arith.cmpi ne, %convert_element_type3A_29, %cond3A_30 : i32
    scf.if %cond3A_31 {
      %dma_start3A_33 = arith.constant 78 : i32
      %dma_start3A_34 = arith.constant 0 : i32
      %dma_start3A_35 = tpu.memref_slice %arg6[%dma_start3A_33, %dma_start3A_34] : memref<79x128xi32, #tpu.memory_space<vmem>> -> memref<1x128xi32, #tpu.memory_space<vmem>>
      %dma_start3A_36 = tpu.memref_squeeze %dma_start3A_35 : memref<1x128xi32, #tpu.memory_space<vmem>> -> memref<128xi32, #tpu.memory_space<vmem>>
      %dma_start3A_37 = arith.constant 0 : i32
      %dma_start3A_38 = arith.constant 0 : i32
      %dma_start3A_39 = tpu.memref_slice %arg10[%dma_start3A_37, %dma_start3A_38] : memref<10112x32xf32, #tpu.memory_space<vmem_shared>> -> memref<10112x32xf32, #tpu.memory_space<vmem_shared>>
      tpu.enqueue_indirect_dma source(%dma_start3A_39 : memref<10112x32xf32, #tpu.memory_space<vmem_shared>>) target(%arg8 : memref<128x32xf32, #tpu.memory_space<vmem>>) offsets(%dma_start3A_36 : memref<128xi32, #tpu.memory_space<vmem>>) semaphore(%arg12 : memref<!tpu.dma_semaphore, #tpu.memory_space<semaphore_mem>>)
      %dma_wait3A_40 = arith.constant 78 : i32
      %dma_wait3A_41 = arith.constant 0 : i32
      %dma_wait3A_42 = tpu.memref_slice %arg6[%dma_wait3A_40, %dma_wait3A_41] : memref<79x128xi32, #tpu.memory_space<vmem>> -> memref<1x128xi32, #tpu.memory_space<vmem>>
      %dma_wait3A_43 = tpu.memref_squeeze %dma_wait3A_42 : memref<1x128xi32, #tpu.memory_space<vmem>> -> memref<128xi32, #tpu.memory_space<vmem>>
      %dma_wait3A_44 = arith.constant 0 : i32
      %dma_wait3A_45 = arith.constant 0 : i32
      %dma_wait3A_46 = tpu.memref_slice %arg10[%dma_wait3A_44, %dma_wait3A_45] : memref<10112x32xf32, #tpu.memory_space<vmem_shared>> -> memref<10112x32xf32, #tpu.memory_space<vmem_shared>>
      tpu.wait_indirect_dma semaphore(%arg12 : memref<!tpu.dma_semaphore, #tpu.memory_space<semaphore_mem>>) src(%dma_wait3A_46 : memref<10112x32xf32, #tpu.memory_space<vmem_shared>>) dst(%arg8 : memref<128x32xf32, #tpu.memory_space<vmem>>)
      %run_scoped3A_47 = arith.constant 78 : i32
      "tpu.region"() ({
        %run_scoped3A_48 = tpu.sem_alloc : memref<!tpu.dma_semaphore, #tpu.memory_space<semaphore_mem>>
        %dma_start3A_49 = arith.constant 0 : i32
        %dma_start3A_50 = tpu.memref_slice %arg7[%run_scoped3A_47, %dma_start3A_49] : memref<79x128xi32, #tpu.memory_space<vmem>> -> memref<1x128xi32, #tpu.memory_space<vmem>>
        %dma_start3A_51 = tpu.memref_squeeze %dma_start3A_50 : memref<1x128xi32, #tpu.memory_space<vmem>> -> memref<128xi32, #tpu.memory_space<vmem>>
        %dma_start3A_52 = arith.constant 0 : i32
        %dma_start3A_53 = arith.constant 0 : i32
        %dma_start3A_54 = tpu.memref_slice %arg11[%dma_start3A_52, %dma_start3A_53] : memref<10112x32xf32, #tpu.memory_space<vmem_shared>> -> memref<10112x32xf32, #tpu.memory_space<vmem_shared>>
        tpu.enqueue_indirect_dma source(%arg8 : memref<128x32xf32, #tpu.memory_space<vmem>>) target(%dma_start3A_54 : memref<10112x32xf32, #tpu.memory_space<vmem_shared>>) offsets(%dma_start3A_51 : memref<128xi32, #tpu.memory_space<vmem>>) semaphore(%run_scoped3A_48 : memref<!tpu.dma_semaphore, #tpu.memory_space<semaphore_mem>>) {add = true}
        %dma_wait3A_55 = arith.constant 0 : i32
        %dma_wait3A_56 = tpu.memref_slice %arg7[%run_scoped3A_47, %dma_wait3A_55] : memref<79x128xi32, #tpu.memory_space<vmem>> -> memref<1x128xi32, #tpu.memory_space<vmem>>
        %dma_wait3A_57 = tpu.memref_squeeze %dma_wait3A_56 : memref<1x128xi32, #tpu.memory_space<vmem>> -> memref<128xi32, #tpu.memory_space<vmem>>
        %dma_wait3A_58 = arith.constant 0 : i32
        %dma_wait3A_59 = arith.constant 0 : i32
        %dma_wait3A_60 = tpu.memref_slice %arg11[%dma_wait3A_58, %dma_wait3A_59] : memref<10112x32xf32, #tpu.memory_space<vmem_shared>> -> memref<10112x32xf32, #tpu.memory_space<vmem_shared>>
        tpu.wait_indirect_dma semaphore(%run_scoped3A_48 : memref<!tpu.dma_semaphore, #tpu.memory_space<semaphore_mem>>) src(%arg8 : memref<128x32xf32, #tpu.memory_space<vmem>>) dst(%dma_wait3A_60 : memref<10112x32xf32, #tpu.memory_space<vmem_shared>>)
        tpu.yield
      }) : () -> ()
    } else {
    }
    %barrier3A_32 = arith.constant 0 : index
    tpu.barrier barrier_id(%barrier3A_32)
    "tpu.region"() ({
      %run_scoped3A_33 = tpu.sem_alloc : memref<!tpu.dma_semaphore, #tpu.memory_space<semaphore_mem>>
      %dma_start3A_34 = arith.constant 0 : i32
      %dma_start3A_35 = arith.constant 0 : i32
      %dma_start3A_36 = tpu.memref_slice %arg5[%arg0, %dma_start3A_34, %dma_start3A_35] : memref<2x10112x32xf32, #tpu.memory_space<hbm>> -> memref<1x10112x32xf32, #tpu.memory_space<hbm>>
      %dma_start3A_37 = tpu.memref_squeeze %dma_start3A_36 : memref<1x10112x32xf32, #tpu.memory_space<hbm>> -> memref<10112x32xf32, #tpu.memory_space<hbm>>
      %dma_start3A_38 = arith.constant 0 : i32
      %dma_start3A_39 = tpu.memref_slice %dma_start3A_37[%multiple_of3A, %dma_start3A_38] : memref<10112x32xf32, #tpu.memory_space<hbm>> -> memref<632x32xf32, #tpu.memory_space<hbm>>
      %dma_start3A_40 = arith.constant 0 : i32
      %dma_start3A_41 = tpu.memref_slice %arg11[%multiple_of3A, %dma_start3A_40] : memref<10112x32xf32, #tpu.memory_space<vmem_shared>> -> memref<632x32xf32, #tpu.memory_space<vmem_shared>>
      tpu.enqueue_dma source(%dma_start3A_41 : memref<632x32xf32, #tpu.memory_space<vmem_shared>>) target(%dma_start3A_39 : memref<632x32xf32, #tpu.memory_space<hbm>>) target_semaphore(%run_scoped3A_33 : memref<!tpu.dma_semaphore, #tpu.memory_space<semaphore_mem>>)
      %dma_wait3A_42 = arith.constant 0 : i32
      %dma_wait3A_43 = arith.constant 0 : i32
      %dma_wait3A_44 = tpu.memref_slice %arg5[%arg0, %dma_wait3A_42, %dma_wait3A_43] : memref<2x10112x32xf32, #tpu.memory_space<hbm>> -> memref<1x10112x32xf32, #tpu.memory_space<hbm>>
      %dma_wait3A_45 = tpu.memref_squeeze %dma_wait3A_44 : memref<1x10112x32xf32, #tpu.memory_space<hbm>> -> memref<10112x32xf32, #tpu.memory_space<hbm>>
      %dma_wait3A_46 = arith.constant 0 : i32
      %dma_wait3A_47 = tpu.memref_slice %dma_wait3A_45[%multiple_of3A, %dma_wait3A_46] : memref<10112x32xf32, #tpu.memory_space<hbm>> -> memref<632x32xf32, #tpu.memory_space<hbm>>
      %dma_wait3A_48 = arith.constant 0 : i32
      %dma_wait3A_49 = tpu.memref_slice %arg11[%multiple_of3A, %dma_wait3A_48] : memref<10112x32xf32, #tpu.memory_space<vmem_shared>> -> memref<632x32xf32, #tpu.memory_space<vmem_shared>>
      tpu.wait_dma2 semaphore(%run_scoped3A_33 : memref<!tpu.dma_semaphore, #tpu.memory_space<semaphore_mem>>) src(%dma_wait3A_49 : memref<632x32xf32, #tpu.memory_space<vmem_shared>>) dst(%dma_wait3A_47 : memref<632x32xf32, #tpu.memory_space<hbm>>)
      tpu.yield
    }) : () -> ()
    return
  }
}

module attributes {stable_mosaic.version = 14 : i64} {
  func.func @_tc_pre_body(%arg0: memref<2500x512xf32, #tpu.memory_space<vmem>>, %arg1: memref<256x512xf32, #tpu.memory_space<vmem>>, %arg2: memref<2528x128xf32, #tpu.memory_space<vmem>>, %arg3: memref<2528x128xf32, #tpu.memory_space<vmem>>) attributes {dimension_semantics = [], scalar_prefetch = 0 : i64, scratch_operands = 0 : i64, tpu.core_type = #tpu.core_type<tc>} {
    %get3A = arith.constant 0 : index
    %get3A_0 = arith.constant 0 : index
    %get3A_1 = vector.load %arg0[%get3A, %get3A_0] : memref<2500x512xf32, #tpu.memory_space<vmem>>, vector<2500x512xf32>
    %get3A_2 = arith.constant 0 : index
    %get3A_3 = arith.constant 0 : index
    %get3A_4 = vector.load %arg1[%get3A_2, %get3A_3] : memref<256x512xf32, #tpu.memory_space<vmem>>, vector<256x512xf32>
    %dot_general3A = arith.constant dense<0.000000e+00> : vector<2500x256xf32>
    %dot_general3A_5 = tpu.matmul %get3A_1, %get3A_4, %dot_general3A {dimension_numbers = #tpu.dot_dimension_numbers<[1], [1], [0], [0], [0, 0, 1, 0], [], []>, precision = #tpu.contract_precision<fp32>, transpose_lhs_hint = false} : vector<2500x512xf32>, vector<256x512xf32>, vector<2500x256xf32> -> vector<2500x256xf32>
    %slice3A = vector.extract_strided_slice %dot_general3A_5 {offsets = [0, 0], sizes = [2500, 128], strides = [1, 1]} : vector<2500x256xf32> to vector<2500x128xf32>
    %swap3A = arith.constant 0 : index
    %swap3A_6 = arith.constant 0 : index
    %swap3A_7 = vector.load %arg2[%swap3A, %swap3A_6] : memref<2528x128xf32, #tpu.memory_space<vmem>>, vector<2500x128xf32>
    tpu.vector_store %arg2[%swap3A, %swap3A_6], %slice3A {strides = array<i32>} : memref<2528x128xf32, #tpu.memory_space<vmem>>, vector<2500x128xf32>,
    %slice3A_8 = vector.extract_strided_slice %dot_general3A_5 {offsets = [0, 128], sizes = [2500, 128], strides = [1, 1]} : vector<2500x256xf32> to vector<2500x128xf32>
    %swap3A_9 = arith.constant 0 : index
    %swap3A_10 = arith.constant 0 : index
    %swap3A_11 = vector.load %arg3[%swap3A_9, %swap3A_10] : memref<2528x128xf32, #tpu.memory_space<vmem>>, vector<2500x128xf32>
    tpu.vector_store %arg3[%swap3A_9, %swap3A_10], %slice3A_8 {strides = array<i32>} : memref<2528x128xf32, #tpu.memory_space<vmem>>, vector<2500x128xf32>,
    return
  }
}

module attributes {stable_mosaic.version = 14 : i64} {
  func.func @_tc_mid_body(%arg0: memref<2x2528x128xf32, #tpu.memory_space<vmem>>, %arg1: memref<2528x128xf32, #tpu.memory_space<vmem>>, %arg2: memref<1x128xf32, #tpu.memory_space<vmem>>, %arg3: memref<1x128xf32, #tpu.memory_space<vmem>>, %arg4: memref<1x128xf32, #tpu.memory_space<vmem>>, %arg5: memref<128x128xf32, #tpu.memory_space<vmem>>, %arg6: memref<128x128xf32, #tpu.memory_space<vmem>>, %arg7: memref<2528x128xf32, #tpu.memory_space<vmem>>, %arg8: memref<2528x128xf32, #tpu.memory_space<vmem>>, %arg9: memref<2528x128xf32, #tpu.memory_space<vmem>>) attributes {dimension_semantics = [], scalar_prefetch = 0 : i64, scratch_operands = 0 : i64, tpu.core_type = #tpu.core_type<tc>} {
    %get3A = arith.constant 0 : index
    %get3A_0 = arith.constant 0 : index
    %get3A_1 = arith.constant 0 : index
    %get3A_2 = vector.load %arg0[%get3A, %get3A_0, %get3A_1] : memref<2x2528x128xf32, #tpu.memory_space<vmem>>, vector<1x2528x128xf32>
    %get3A_3 = vector.shape_cast %get3A_2 : vector<1x2528x128xf32> to vector<2528x128xf32>
    %get3A_4 = arith.constant 1 : index
    %get3A_5 = arith.constant 0 : index
    %get3A_6 = arith.constant 0 : index
    %get3A_7 = vector.load %arg0[%get3A_4, %get3A_5, %get3A_6] : memref<2x2528x128xf32, #tpu.memory_space<vmem>>, vector<1x2528x128xf32>
    %get3A_8 = vector.shape_cast %get3A_7 : vector<1x2528x128xf32> to vector<2528x128xf32>
    %add3A = arith.addf %get3A_3, %get3A_8 : vector<2528x128xf32>
    %get3A_9 = arith.constant 0 : index
    %get3A_10 = arith.constant 0 : index
    %get3A_11 = vector.load %arg1[%get3A_9, %get3A_10] : memref<2528x128xf32, #tpu.memory_space<vmem>>, vector<2528x128xf32>
    %add3A_12 = arith.addf %add3A, %get3A_11 : vector<2528x128xf32>
    %get3A_13 = arith.constant 0 : index
    %get3A_14 = arith.constant 0 : index
    %get3A_15 = vector.load %arg2[%get3A_13, %get3A_14] : memref<1x128xf32, #tpu.memory_space<vmem>>, vector<1x128xf32>
    %add3A_16 = vector.broadcast %get3A_15 : vector<1x128xf32> to vector<2528x128xf32>
    %add3A_17 = arith.addf %add3A_12, %add3A_16 : vector<2528x128xf32>
    %max3A = arith.constant 0.000000e+00 : f32
    %max3A_18 = vector.broadcast %max3A : f32 to vector<2528x128xf32>
    %max3A_19 = arith.maximumf %add3A_17, %max3A_18 : vector<2528x128xf32>
    %slice3A = vector.extract_strided_slice %max3A_19 {offsets = [0, 0], sizes = [2500, 128], strides = [1, 1]} : vector<2528x128xf32> to vector<2500x128xf32>
    %reduce_sum3A = arith.constant dense<0.000000e+00> : vector<128xf32>
    %reduce_sum3A_20 = vector.multi_reduction <add>, %slice3A, %reduce_sum3A [0] : vector<2500x128xf32> to vector<128xf32>
    %broadcast_in_dim3A = vector.shape_cast %reduce_sum3A_20 : vector<128xf32> to vector<1x128xf32>
    %slice3A_21 = vector.extract_strided_slice %broadcast_in_dim3A {offsets = [0, 96], sizes = [1, 32], strides = [1, 1]} : vector<1x128xf32> to vector<1x32xf32>
    %slice3A_22 = vector.extract_strided_slice %broadcast_in_dim3A {offsets = [0, 0], sizes = [1, 96], strides = [1, 1]} : vector<1x128xf32> to vector<1x96xf32>
    %concatenate3A = tpu.concatenate %slice3A_21, %slice3A_22 in 1 : vector<1x32xf32>, vector<1x96xf32> -> vector<1x128xf32>
    %add3A_23 = arith.addf %broadcast_in_dim3A, %concatenate3A : vector<1x128xf32>
    %slice3A_24 = vector.extract_strided_slice %broadcast_in_dim3A {offsets = [0, 64], sizes = [1, 64], strides = [1, 1]} : vector<1x128xf32> to vector<1x64xf32>
    %slice3A_25 = vector.extract_strided_slice %broadcast_in_dim3A {offsets = [0, 0], sizes = [1, 64], strides = [1, 1]} : vector<1x128xf32> to vector<1x64xf32>
    %concatenate3A_26 = tpu.concatenate %slice3A_24, %slice3A_25 in 1 : vector<1x64xf32>, vector<1x64xf32> -> vector<1x128xf32>
    %add3A_27 = arith.addf %add3A_23, %concatenate3A_26 : vector<1x128xf32>
    %slice3A_28 = vector.extract_strided_slice %broadcast_in_dim3A {offsets = [0, 32], sizes = [1, 96], strides = [1, 1]} : vector<1x128xf32> to vector<1x96xf32>
    %slice3A_29 = vector.extract_strided_slice %broadcast_in_dim3A {offsets = [0, 0], sizes = [1, 32], strides = [1, 1]} : vector<1x128xf32> to vector<1x32xf32>
    %concatenate3A_30 = tpu.concatenate %slice3A_28, %slice3A_29 in 1 : vector<1x96xf32>, vector<1x32xf32> -> vector<1x128xf32>
    %add3A_31 = arith.addf %add3A_27, %concatenate3A_30 : vector<1x128xf32>
    %mul3A = arith.constant 9.99999974E-5 : f32
    %mul3A_32 = vector.broadcast %mul3A : f32 to vector<1x128xf32>
    %mul3A_33 = arith.mulf %add3A_31, %mul3A_32 : vector<1x128xf32>
    %mul3A_34 = arith.mulf %slice3A, %slice3A : vector<2500x128xf32>
    %reduce_sum3A_35 = arith.constant dense<0.000000e+00> : vector<128xf32>
    %reduce_sum3A_36 = vector.multi_reduction <add>, %mul3A_34, %reduce_sum3A_35 [0] : vector<2500x128xf32> to vector<128xf32>
    %broadcast_in_dim3A_37 = vector.shape_cast %reduce_sum3A_36 : vector<128xf32> to vector<1x128xf32>
    %slice3A_38 = vector.extract_strided_slice %broadcast_in_dim3A_37 {offsets = [0, 96], sizes = [1, 32], strides = [1, 1]} : vector<1x128xf32> to vector<1x32xf32>
    %slice3A_39 = vector.extract_strided_slice %broadcast_in_dim3A_37 {offsets = [0, 0], sizes = [1, 96], strides = [1, 1]} : vector<1x128xf32> to vector<1x96xf32>
    %concatenate3A_40 = tpu.concatenate %slice3A_38, %slice3A_39 in 1 : vector<1x32xf32>, vector<1x96xf32> -> vector<1x128xf32>
    %add3A_41 = arith.addf %broadcast_in_dim3A_37, %concatenate3A_40 : vector<1x128xf32>
    %slice3A_42 = vector.extract_strided_slice %broadcast_in_dim3A_37 {offsets = [0, 64], sizes = [1, 64], strides = [1, 1]} : vector<1x128xf32> to vector<1x64xf32>
    %slice3A_43 = vector.extract_strided_slice %broadcast_in_dim3A_37 {offsets = [0, 0], sizes = [1, 64], strides = [1, 1]} : vector<1x128xf32> to vector<1x64xf32>
    %concatenate3A_44 = tpu.concatenate %slice3A_42, %slice3A_43 in 1 : vector<1x64xf32>, vector<1x64xf32> -> vector<1x128xf32>
    %add3A_45 = arith.addf %add3A_41, %concatenate3A_44 : vector<1x128xf32>
    %slice3A_46 = vector.extract_strided_slice %broadcast_in_dim3A_37 {offsets = [0, 32], sizes = [1, 96], strides = [1, 1]} : vector<1x128xf32> to vector<1x96xf32>
    %slice3A_47 = vector.extract_strided_slice %broadcast_in_dim3A_37 {offsets = [0, 0], sizes = [1, 32], strides = [1, 1]} : vector<1x128xf32> to vector<1x32xf32>
    %concatenate3A_48 = tpu.concatenate %slice3A_46, %slice3A_47 in 1 : vector<1x96xf32>, vector<1x32xf32> -> vector<1x128xf32>
    %add3A_49 = arith.addf %add3A_45, %concatenate3A_48 : vector<1x128xf32>
    %mul3A_50 = arith.constant 9.99999974E-5 : f32
    %mul3A_51 = vector.broadcast %mul3A_50 : f32 to vector<1x128xf32>
    %mul3A_52 = arith.mulf %add3A_49, %mul3A_51 : vector<1x128xf32>
    %mul3A_53 = arith.mulf %mul3A_33, %mul3A_33 : vector<1x128xf32>
    %sub3A = arith.subf %mul3A_52, %mul3A_53 : vector<1x128xf32>
    %sub3A_54 = vector.broadcast %mul3A_33 : vector<1x128xf32> to vector<2528x128xf32>
    %sub3A_55 = arith.subf %max3A_19, %sub3A_54 : vector<2528x128xf32>
    %add3A_56 = arith.constant 9.99999974E-6 : f32
    %add3A_57 = vector.broadcast %add3A_56 : f32 to vector<1x128xf32>
    %add3A_58 = arith.addf %sub3A, %add3A_57 : vector<1x128xf32>
    %rsqrt3A = math.rsqrt %add3A_58 : vector<1x128xf32>
    %mul3A_59 = vector.broadcast %rsqrt3A : vector<1x128xf32> to vector<2528x128xf32>
    %mul3A_60 = arith.mulf %sub3A_55, %mul3A_59 : vector<2528x128xf32>
    %get3A_61 = arith.constant 0 : index
    %get3A_62 = arith.constant 0 : index
    %get3A_63 = vector.load %arg3[%get3A_61, %get3A_62] : memref<1x128xf32, #tpu.memory_space<vmem>>, vector<1x128xf32>
    %mul3A_64 = vector.broadcast %get3A_63 : vector<1x128xf32> to vector<2528x128xf32>
    %mul3A_65 = arith.mulf %mul3A_60, %mul3A_64 : vector<2528x128xf32>
    %get3A_66 = arith.constant 0 : index
    %get3A_67 = arith.constant 0 : index
    %get3A_68 = vector.load %arg4[%get3A_66, %get3A_67] : memref<1x128xf32, #tpu.memory_space<vmem>>, vector<1x128xf32>
    %add3A_69 = vector.broadcast %get3A_68 : vector<1x128xf32> to vector<2528x128xf32>
    %add3A_70 = arith.addf %mul3A_65, %add3A_69 : vector<2528x128xf32>
    %swap3A = arith.constant 0 : index
    %swap3A_71 = arith.constant 0 : index
    %swap3A_72 = vector.load %arg7[%swap3A, %swap3A_71] : memref<2528x128xf32, #tpu.memory_space<vmem>>, vector<2528x128xf32>
    tpu.vector_store %arg7[%swap3A, %swap3A_71], %add3A_70 {strides = array<i32>} : memref<2528x128xf32, #tpu.memory_space<vmem>>, vector<2528x128xf32>,
    %get3A_73 = arith.constant 0 : index
    %get3A_74 = arith.constant 0 : index
    %get3A_75 = vector.load %arg5[%get3A_73, %get3A_74] : memref<128x128xf32, #tpu.memory_space<vmem>>, vector<128x128xf32>
    %dot_general3A = arith.constant dense<0.000000e+00> : vector<2528x128xf32>
    %dot_general3A_76 = tpu.matmul %add3A_70, %get3A_75, %dot_general3A {dimension_numbers = #tpu.dot_dimension_numbers<[1], [1], [0], [0], [0, 0, 1, 0], [], []>, precision = #tpu.contract_precision<fp32>, transpose_lhs_hint = false} : vector<2528x128xf32>, vector<128x128xf32>, vector<2528x128xf32> -> vector<2528x128xf32>
    %swap3A_77 = arith.constant 0 : index
    %swap3A_78 = arith.constant 0 : index
    %swap3A_79 = vector.load %arg8[%swap3A_77, %swap3A_78] : memref<2528x128xf32, #tpu.memory_space<vmem>>, vector<2528x128xf32>
    tpu.vector_store %arg8[%swap3A_77, %swap3A_78], %dot_general3A_76 {strides = array<i32>} : memref<2528x128xf32, #tpu.memory_space<vmem>>, vector<2528x128xf32>,
    %get3A_80 = arith.constant 0 : index
    %get3A_81 = arith.constant 0 : index
    %get3A_82 = vector.load %arg6[%get3A_80, %get3A_81] : memref<128x128xf32, #tpu.memory_space<vmem>>, vector<128x128xf32>
    %dot_general3A_83 = arith.constant dense<0.000000e+00> : vector<2528x128xf32>
    %dot_general3A_84 = tpu.matmul %add3A_70, %get3A_82, %dot_general3A_83 {dimension_numbers = #tpu.dot_dimension_numbers<[1], [1], [0], [0], [0, 0, 1, 0], [], []>, precision = #tpu.contract_precision<fp32>, transpose_lhs_hint = false} : vector<2528x128xf32>, vector<128x128xf32>, vector<2528x128xf32> -> vector<2528x128xf32>
    %swap3A_85 = arith.constant 0 : index
    %swap3A_86 = arith.constant 0 : index
    %swap3A_87 = vector.load %arg9[%swap3A_85, %swap3A_86] : memref<2528x128xf32, #tpu.memory_space<vmem>>, vector<2528x128xf32>
    tpu.vector_store %arg9[%swap3A_85, %swap3A_86], %dot_general3A_84 {strides = array<i32>} : memref<2528x128xf32, #tpu.memory_space<vmem>>, vector<2528x128xf32>,
    return
  }
}

module attributes {stable_mosaic.version = 14 : i64} {
  func.func @_tc_post_body(%arg0: memref<2x2528x128xf32, #tpu.memory_space<vmem>>, %arg1: memref<2528x128xf32, #tpu.memory_space<vmem>>, %arg2: memref<1x128xf32, #tpu.memory_space<vmem>>, %arg3: memref<2528x128xf32, #tpu.memory_space<vmem>>, %arg4: memref<2528x128xf32, #tpu.memory_space<vmem>>, %arg5: memref<128x128xf32, #tpu.memory_space<vmem>>, %arg6: memref<128x128xf32, #tpu.memory_space<vmem>>, %arg7: memref<128x128xf32, #tpu.memory_space<vmem>>, %arg8: memref<1x128xf32, #tpu.memory_space<vmem>>, %arg9: memref<2528x128xf32, #tpu.memory_space<vmem>>) attributes {dimension_semantics = [], scalar_prefetch = 0 : i64, scratch_operands = 0 : i64, tpu.core_type = #tpu.core_type<tc>} {
    %get3A = arith.constant 0 : index
    %get3A_0 = arith.constant 0 : index
    %get3A_1 = arith.constant 0 : index
    %get3A_2 = vector.load %arg0[%get3A, %get3A_0, %get3A_1] : memref<2x2528x128xf32, #tpu.memory_space<vmem>>, vector<1x2528x128xf32>
    %get3A_3 = vector.shape_cast %get3A_2 : vector<1x2528x128xf32> to vector<2528x128xf32>
    %get3A_4 = arith.constant 1 : index
    %get3A_5 = arith.constant 0 : index
    %get3A_6 = arith.constant 0 : index
    %get3A_7 = vector.load %arg0[%get3A_4, %get3A_5, %get3A_6] : memref<2x2528x128xf32, #tpu.memory_space<vmem>>, vector<1x2528x128xf32>
    %get3A_8 = vector.shape_cast %get3A_7 : vector<1x2528x128xf32> to vector<2528x128xf32>
    %add3A = arith.addf %get3A_3, %get3A_8 : vector<2528x128xf32>
    %get3A_9 = arith.constant 0 : index
    %get3A_10 = arith.constant 0 : index
    %get3A_11 = vector.load %arg1[%get3A_9, %get3A_10] : memref<2528x128xf32, #tpu.memory_space<vmem>>, vector<2528x128xf32>
    %add3A_12 = arith.addf %add3A, %get3A_11 : vector<2528x128xf32>
    %get3A_13 = arith.constant 0 : index
    %get3A_14 = arith.constant 0 : index
    %get3A_15 = vector.load %arg2[%get3A_13, %get3A_14] : memref<1x128xf32, #tpu.memory_space<vmem>>, vector<1x128xf32>
    %add3A_16 = vector.broadcast %get3A_15 : vector<1x128xf32> to vector<2528x128xf32>
    %add3A_17 = arith.addf %add3A_12, %add3A_16 : vector<2528x128xf32>
    %max3A = arith.constant 0.000000e+00 : f32
    %max3A_18 = vector.broadcast %max3A : f32 to vector<2528x128xf32>
    %max3A_19 = arith.maximumf %add3A_17, %max3A_18 : vector<2528x128xf32>
    %get3A_20 = arith.constant 0 : index
    %get3A_21 = arith.constant 0 : index
    %get3A_22 = vector.load %arg3[%get3A_20, %get3A_21] : memref<2528x128xf32, #tpu.memory_space<vmem>>, vector<2528x128xf32>
    %get3A_23 = arith.constant 0 : index
    %get3A_24 = arith.constant 0 : index
    %get3A_25 = vector.load %arg5[%get3A_23, %get3A_24] : memref<128x128xf32, #tpu.memory_space<vmem>>, vector<128x128xf32>
    %dot_general3A = arith.constant dense<0.000000e+00> : vector<2528x128xf32>
    %dot_general3A_26 = tpu.matmul %get3A_22, %get3A_25, %dot_general3A {dimension_numbers = #tpu.dot_dimension_numbers<[1], [1], [0], [0], [0, 0, 1, 0], [], []>, precision = #tpu.contract_precision<fp32>, transpose_lhs_hint = false} : vector<2528x128xf32>, vector<128x128xf32>, vector<2528x128xf32> -> vector<2528x128xf32>
    %get3A_27 = arith.constant 0 : index
    %get3A_28 = arith.constant 0 : index
    %get3A_29 = vector.load %arg4[%get3A_27, %get3A_28] : memref<2528x128xf32, #tpu.memory_space<vmem>>, vector<2528x128xf32>
    %get3A_30 = arith.constant 0 : index
    %get3A_31 = arith.constant 0 : index
    %get3A_32 = vector.load %arg6[%get3A_30, %get3A_31] : memref<128x128xf32, #tpu.memory_space<vmem>>, vector<128x128xf32>
    %dot_general3A_33 = arith.constant dense<0.000000e+00> : vector<2528x128xf32>
    %dot_general3A_34 = tpu.matmul %get3A_29, %get3A_32, %dot_general3A_33 {dimension_numbers = #tpu.dot_dimension_numbers<[1], [1], [0], [0], [0, 0, 1, 0], [], []>, precision = #tpu.contract_precision<fp32>, transpose_lhs_hint = false} : vector<2528x128xf32>, vector<128x128xf32>, vector<2528x128xf32> -> vector<2528x128xf32>
    %add3A_35 = arith.addf %dot_general3A_26, %dot_general3A_34 : vector<2528x128xf32>
    %get3A_36 = arith.constant 0 : index
    %get3A_37 = arith.constant 0 : index
    %get3A_38 = vector.load %arg7[%get3A_36, %get3A_37] : memref<128x128xf32, #tpu.memory_space<vmem>>, vector<128x128xf32>
    %dot_general3A_39 = arith.constant dense<0.000000e+00> : vector<2528x128xf32>
    %dot_general3A_40 = tpu.matmul %max3A_19, %get3A_38, %dot_general3A_39 {dimension_numbers = #tpu.dot_dimension_numbers<[1], [1], [0], [0], [0, 0, 1, 0], [], []>, precision = #tpu.contract_precision<fp32>, transpose_lhs_hint = false} : vector<2528x128xf32>, vector<128x128xf32>, vector<2528x128xf32> -> vector<2528x128xf32>
    %add3A_41 = arith.addf %add3A_35, %dot_general3A_40 : vector<2528x128xf32>
    %get3A_42 = arith.constant 0 : index
    %get3A_43 = arith.constant 0 : index
    %get3A_44 = vector.load %arg8[%get3A_42, %get3A_43] : memref<1x128xf32, #tpu.memory_space<vmem>>, vector<1x128xf32>
    %add3A_45 = vector.broadcast %get3A_44 : vector<1x128xf32> to vector<2528x128xf32>
    %add3A_46 = arith.addf %add3A_41, %add3A_45 : vector<2528x128xf32>
    %swap3A = arith.constant 0 : index
    %swap3A_47 = arith.constant 0 : index
    %swap3A_48 = vector.load %arg9[%swap3A, %swap3A_47] : memref<2528x128xf32, #tpu.memory_space<vmem>>, vector<2528x128xf32>
    tpu.vector_store %arg9[%swap3A, %swap3A_47], %add3A_46 {strides = array<i32>} : memref<2528x128xf32, #tpu.memory_space<vmem>>, vector<2528x128xf32>,
    return
  }
}

</mosaic_0001>

<sc_bundles>
// kernel: kernel.12.cloned.1.call-start
scs
__scs_entry_jumppad:
0x0: {  	(pc) =	sbr.rel $0x88, $3  }
0x1: {  	(tag) =	ssettag $0x0;
	lr =	simm.s32 $0x1  }
0x2: {  	[smem:$0x3F90] =	sst lr;
	_ =	strace $0xD0000000  }
0x3: {  	_ = 	snop  }
0x4: {  	_ = 	snop  }
0x5: {  	_ = 	snop  }
0x6: {  	_ = 	snop  }
0x7: {  	_ = 	snop  }
__scs_overlays_trampoline_lowered:
0x8: {  	[smem:$0x3F9F] =	sst s0  }
0x9: {  	[smem:$0x3FA0] =	sst s1  }
0xa: {  	[smem:$0x3FA1] =	sst s2  }
0xb: {  	[smem:$0x3FA2] =	sst s3  }
0xc: {  	[smem:$0x3FA3] =	sst s4  }
0xd: {  	[smem:$0x3FA4] =	sst s5  }
0xe: {  	[smem:$0x3FA5] =	sst s6  }
0xf: {  	[smem:$0x3FA6] =	sst s7  }
0x10: {  	[smem:$0x3FA7] =	sst s8  }
0x11: {  	[smem:$0x3FA8] =	sst s9;
	s0 =	simm.s32 @!p0 $0x0  }
0x12: {  	s1 =	sld [smem:$0x3F8E];
	s0 =	simm.s32 @p0 $0x1  }
0x13: {  	[smem:$0x3FA9] =	sst s0;
	s0 =	simm.s32 @!p1 $0x0  }
0x14: {  	s2 =	sld [smem:$0x3F8D];
	s0 =	simm.s32 @p1 $0x1  }
0x15: {  	[smem:$0x3FAA] =	sst s0;
	s0 =	simm.s32 @!p2 $0x0  }
0x16: {  	s3 =	sld [smem:$0x3FDB];
	s0 =	simm.s32 @p2 $0x1  }
0x17: {  	s4 =	simm.s32 $0x1BF5;
	[smem:$0x3FAC] =	sst s0  }
0x18: {  	s0 =	sld [smem:$0x3F8F];
	_ =	swait.ge [sflag:s4], $0x0  }
0x19: {  	s7 =	sld [smem:$0x3F90]  }
0x1a: {  	s8 =	sadd.s32 $0xFFFFE003, lr  }
0x1b: {  	s9 =	sadd.s32 $0xFFFFFEF7, lr;
	s5 =	simm.s32 $0xFFFFFFFF;
	p2 =	slt.u32 s8, $0xFFFFF086  }
0x1c: {  	p1 =	slt.u32 s9, $0xF7A;
	s5 =	simm.s32 @!p2 $0x0  }
0x1d: {  	s5 =	simm.s32 @p1 $0x1;
	p0 =	seq.s32 s7, s2  }
0x1e: {  	s7 =	smul.u32 @!p0 $0xF7A, s2;
	p2 =	seq.s32 @!p0 s5, $0x0  }
0x1f: {  	s9 =	smul.u32 $0xF7A, s1;
	s8 =	simm.s32 @!p0 $0x1BF5;
	p2 =	por !p2, p0  }
0x20: {  	[sflag:s8] =	ssyncset.s32 @!p0 $0xFFFFF086;
	s6 =	sadd.s32 @!p0 s3, s7;
	s7 =	simm.s32 @!p0 $0x108  }
0x21: {  	s3 =	sadd.s32 s3, s9;
	s6 =	sadd.s32 @!p0 $0x88, s6;
	s7 =	simm.s32 @p2 $0x1082  }
0x22: {  	[simem:s7], [sflag:s8] =	dma.local @!p0 [hbm:s6], $0xF7A  }
0x23: {  	s9 =	sor.u32 $0xD0000000, s2;
	s6 =	simm.s32 $0x108;
	_ =	swait.ge @!p0 [sflag:s8], $0x0  }
0x24: {  	s3 =	sadd.s32 $0x88, s3;
	s6 =	simm.s32 @!p1 $0x1082;
	[sflag:s4] =	ssyncset.s32 $0xFFFFF086  }
0x25: {  	[simem:s6], [sflag:s4] =	dma.local [hbm:s3], $0xF7A  }
0x26: {  	[smem:$0x3F90] =	sst s1;
	(tag) =	ssettag s2;
	_ =	strace s9  }
0x27: {  	s1 =	sld [smem:$0x3FA0]  }
0x28: {  	s2 =	sld [smem:$0x3FA1]  }
0x29: {  	s4 =	sld [smem:$0x3FA3]  }
0x2a: {  	p0 =	seq.s32 s5, $0x0;
	s5 =	sld [smem:$0x3FA4]  }
0x2b: {  	s6 =	sld [smem:$0x3FA5]  }
0x2c: {  	s7 =	sld [smem:$0x3FA6]  }
0x2d: {  	s3 =	simm.s32 $0x108;
	s8 =	sld [smem:$0x3FA7]  }
0x2e: {  	s3 =	simm.s32 @!p0 $0x1082;
	s9 =	sld [smem:$0x3FA8]  }
0x2f: {  	lr =	sadd.s32 s0, s3;
	s0 =	sld [smem:$0x3F9F]  }
0x30: {  	s3 =	sld [smem:$0x3FA2]  }
0x31: {  	[smem:$0x3FAB] =	sst s10  }
0x32: {  	s10 =	sld [smem:$0x3FA9];
	_ =	sdelay $0x3  }
0x33: {  	p0 =	seq.s32 s10, $0x1;
	s10 =	sld [smem:$0x3FAB];
	_ =	sdelay $0x3  }
0x34: {  	[smem:$0x3FAB] =	sst s10  }
0x35: {  	s10 =	sld [smem:$0x3FAA];
	_ =	sdelay $0x3  }
0x36: {  	p1 =	seq.s32 s10, $0x1;
	s10 =	sld [smem:$0x3FAB];
	_ =	sdelay $0x3  }
0x37: {  	[smem:$0x3FAB] =	sst s10  }
0x38: {  	s10 =	sld [smem:$0x3FAC]  }
0x39: {  	_ = 	snop;
	(pc) =	sbr.ind lr, $3  }
0x3a: {  	_ = 	snop  }
0x3b: {  	_ = 	snop  }
0x3c: {  	p2 =	seq.s32 s10, $0x1;
	s10 =	sld [smem:$0x3FAB]  }
0x3d: {  	_ =	shalt  }
0x3e: {  	_ =	shalt  }
0x3f: {  	_ =	shalt  }
0x40: {  	_ =	shalt  }
0x41: {  	_ =	shalt  }
0x42: {  	_ =	shalt  }
0x43: {  	_ =	shalt  }
0x44: {  	_ =	shalt  }
0x45: {  	_ =	shalt  }
0x46: {  	_ =	shalt  }
0x47: {  	_ =	shalt  }
0x48: {  	_ =	shalt  }
0x49: {  	_ =	shalt  }
0x4a: {  	_ =	shalt  }
0x4b: {  	_ =	shalt  }
0x4c: {  	_ =	shalt  }
0x4d: {  	_ =	shalt  }
0x4e: {  	_ =	shalt  }
0x4f: {  	_ =	shalt  }
0x50: {  	_ =	shalt  }
0x51: {  	_ =	shalt  }
0x52: {  	_ =	shalt  }
0x53: {  	_ =	shalt  }
0x54: {  	_ =	shalt  }
0x55: {  	_ =	shalt  }
0x56: {  	_ =	shalt  }
0x57: {  	_ =	shalt  }
0x58: {  	_ =	shalt  }
0x59: {  	_ =	shalt  }
0x5a: {  	_ =	shalt  }
0x5b: {  	_ =	shalt  }
0x5c: {  	_ =	shalt  }
0x5d: {  	_ =	shalt  }
0x5e: {  	_ =	shalt  }
0x5f: {  	_ =	shalt  }
0x60: {  	_ =	shalt  }
0x61: {  	_ =	shalt  }
0x62: {  	_ =	shalt  }
0x63: {  	_ =	shalt  }
0x64: {  	_ =	shalt  }
0x65: {  	_ =	shalt  }
0x66: {  	_ =	shalt  }
0x67: {  	_ =	shalt  }
0x68: {  	_ =	shalt  }
0x69: {  	_ =	shalt  }
0x6a: {  	_ =	shalt  }
0x6b: {  	_ =	shalt  }
0x6c: {  	_ =	shalt  }
0x6d: {  	_ =	shalt  }
0x6e: {  	_ =	shalt  }
0x6f: {  	_ =	shalt  }
0x70: {  	_ =	shalt  }
0x71: {  	_ =	shalt  }
0x72: {  	_ =	shalt  }
0x73: {  	_ =	shalt  }
0x74: {  	_ =	shalt  }
0x75: {  	_ =	shalt  }
0x76: {  	_ =	shalt  }
0x77: {  	_ =	shalt  }
0x78: {  	_ =	shalt  }
0x79: {  	_ =	shalt  }
0x7a: {  	_ =	shalt  }
0x7b: {  	_ =	shalt  }
0x7c: {  	_ =	shalt  }
0x7d: {  	_ =	shalt  }
0x7e: {  	_ =	shalt  }
0x7f: {  	_ =	shalt  }
0x80: {  	_ =	shalt  }
0x81: {  	_ =	shalt  }
0x82: {  	_ =	shalt  }
0x83: {  	_ =	shalt  }
0x84: {  	_ =	shalt  }
0x85: {  	_ =	shalt  }
0x86: {  	_ =	shalt  }
0x87: {  	_ =	shalt  }
.Lfunc_end0:
.L_simem_size_0:
called_computation.1_lowered:
.L_overlay_start_0:
0x88: {  	s2 =	sld [smem:$0x3FD9]  }
0x89: {  	s3 =	sld [smem:$0x3FFE];
	_ =	sdelay $0x1  }
0x8a: {  	s1 =	srdreg.scid  }
0x8b: {  	s0 =	sand.u32 $0x1, s1  }
0x8c: {  	s16 =	sshll.u32 s0, $0xA;
	s2 =	sadd.s32 s3, s2  }
0x8d: {  	s2 =	sadd.s32 s2, s16  }
0x8e: {  	[smem:$0x3FB7] =	sst s2  }
0x8f: {  	_ = 	snop  }
0x90: {  	(tm) =	ssettm $0x1  }
0x91: {  	s17 =	sld [smem:$0x3FFB];
	_ =	sdelay $0x3  }
0x92: {  	_ =	strace s17  }
0x93: {  	s2 =	sld [smem:$0x3FFC];
	_ =	sdelay $0x3  }
0x94: {  	_ =	strace s2  }
0x95: {  	s2 =	sld [smem:$0x3FFD];
	_ =	sdelay $0x3  }
0x96: {  	_ =	strace s2  }
0x97: {  	_ =	strace $0x8FFFFFFF  }
0x98: {  	s18 =	sld [smem:$0x3FDB];
	_ =	sdelay $0x1  }
0x99: {  	s19 =	simm.s32 $_scs_section_size  }
0x9a: {  	s4 =	simm.s32 $_size__tile_overlayer_lowered;
	s5 =	simm.s32 $_tile_overlayer_lowered  }
0x9b: {  	s22 =	simm.s32 $0x1BFF;
	s21 =	sshll.u32 s5, $0x1;
	s2 =	sadd.s32 s19, s18  }
0x9c: {  	s6 =	simm.s32 $0x0;
	s20 =	sshll.u32 s4, $0x1;
	s4 =	sadd.s32 s21, s2  }
0x9d: {  	[timem:s6], [sflag:s22] =	dma.local [hbm:s4], s20  }
0x9e: {  	_ =	swait.ge [sflag:s22], s20  }
0x9f: {  	s3 =	ssub.s32 $0x0, s20;
	[sflag:s22] =	ssyncset.done $0x0  }
0xa0: {  	[sflag:s22] =	ssyncadd.s32 s3;
	_ =	sdelay $0x1  }
0xa1: {  	s23 =	simm.s32 $0x1B8B  }
0xa2: {  	_ =	swait.ge [sflag:s23], $0x1  }
0xa3: {  	[sflag:s23] =	ssyncset.done $0x0  }
0xa4: {  	s25 =	simm.s32 $0x1B8E;
	s24 =	sld [smem:$0x3FFE];
	[sflag:s23] =	ssyncadd.s32 $0xFFFFFFFF  }
0xa5: {  	s26 =	simm.s32 $execute0_lowered;
	[smem:$0x3FD2] =	sst s25  }
0xa6: {  	s4 =	sshll.u32 s26, $0x1;
	_ =	strace $0x80000049;
	[dreg:$0x1] =	wrdreg $0xFFFFFFFF  }
0xa7: {  	s28 =	simm.s32 $_size_execute0_lowered;
	s2 =	sadd.s32 s2, s4;
	[dreg:$0x0] =	wrdreg $0x0  }
0xa8: {  	s4 =	sshll.u32 s28, $0x1;
	[dreg:$0x2] =	wrdreg s2  }
0xa9: {  	[dreg:$0x3] =	wrdreg s4  }
0xaa: {  	[dreg:$0x4] =	wrdreg $0xC0  }
0xab: {  	_ =	task [dreg:s6], $0x5FFFF  }
0xac: {  	[dreg:$0x1] =	wrdreg $0xFFFFFFFF  }
0xad: {  	[dreg:$0x0] =	wrdreg $0x60  }
0xae: {  	[dreg:$0x2] =	wrdreg s24  }
0xaf: {  	[dreg:$0x3] =	wrdreg $0x6F000  }
0xb0: {  	[dreg:$0x4] =	wrdreg $0xBE000  }
0xb1: {  	[dreg:$0x5] =	wrdreg $0x9  }
0xb2: {  	_ =	task.clear_ibuf [dreg:s6], $0x6FFFF;
	_ =	strace $0x90000049  }
0xb3: {  	s29 =	simm.s32 $0x9;
	_ =	strace $0x8000004B  }
0xb4: {  	_ =	swait.ge [sflag:s29], $0x1  }
0xb5: {  	[sflag:s29] =	ssyncadd.s32 $0xFFFFFFFF  }
0xb6: {  	_ =	strace $0x9000004B  }
0xb7: {  	_ =	sfence  }
0xb8: {  	s30 =	sld [smem:$0x0];
	_ =	sdelay $0x2  }
0xb9: {  	s31 =	sshll.u32 s1, $0xD;
	s1 =	sshrl.u32 s1, $0x2  }
0xba: {  	s3 =	sand.u32 $0x4000, s31;
	s1 =	sadd.s32 s1, s30  }
0xbb: {  	s0 =	sor.u32 s3, s0;
	s1 =	sshll.u32 s1, $0x11  }
0xbc: {  	s0 =	sor.u32 s1, s0  }
0xbd: {  	s0 =	sadd.s32 $0x8F2B, s0  }
0xbe: {  	[sflag:s0] =	ssyncadd.remote.s32 $0x1  }
0xbf: {  	_ =	sfence.sel $0xFFFF  }
0xc0: {  	[dreg:$0x0] =	wrdreg $0xFFFFFFFF;
	(pc) =	sbr.abs _section_cstart, $3  }
0xc1: {  	[dreg:$0x1] =	wrdreg $0xFFFFFFFF  }
0xc2: {  	_ =	task.clear_ibuf [dreg:s6], $0x2FFFF;
	_ =	strace $0x9FFFFFFF  }
0xc3: {  	(tm) =	ssettm $0x7FFFFFFF  }
tec
execute0_lowered:
.L_overlay_start_1:
0x0: {  	(tag) =	ssettag $0x1  }
0x1: {  	s9 =	rddreg [dreg:$0x0]  }
0x2: {  	s2 =	rddreg [dreg:$0x1]  }
0x3: {  	s3 =	rddreg [dreg:$0x2]  }
0x4: {  	s1 =	stileid.u32;
	s4 =	simm.s32 $0x0;
	s5 =	srdreg.scid  }
0x5: {  	s19 =	simm.s32 $0x5F00;
	s20 =	simm.s32 $0x1;
	s21 =	simm.s32 $0x2  }
0x6: {  	s22 =	simm.s32 $0x2680;
	s23 =	simm.s32 $0x4D80;
	s26 =	simm.s32 $0x0  }
0x7: {  	s7 =	smul.u32 $0x4F00, s1;
	[smem:$0x7FF] =	sst s4;
	s5 =	sand.u32 $0x1, s5  }
0x8: {  	s10 =	sadd.s32 $0x4200, s9;
	s31 =	sshll.u32 s1, $0x6;
	s17 =	sshll.u32 s1, $0x4  }
0x9: {  	s18 =	sadd.s32 $0xDE40, s9;
	_ =	strace $0x8000004A;
	s6 =	smul.u32 $0x9E00, s5  }
0xa: {  	s11 =	ssub.s32 $0x2, s5;
	s5 =	sshll.u32 s5, $0x4;
	s17 =	sor.u32 $0x9C00, s17  }
0xb: {  	s24 =	sshrl.u32 s7, $0x3;
	s30 =	sshrl.u32 s11, $0x1;
	s13 =	sor.u32 s1, s5  }
0xc: {  	s14 =	sadd.s32 s7, s2;
	s16 =	sadd.s32 s7, s3;
	s8 =	sadd.s32 s24, s9  }
0xd: {  	s12 =	sadd.s32 s6, s9;
	s11 =	ssub.s32 s11, s30;
	s15 =	smul.u32 $0x4E0, s13  }
0xe: {  	s6 =	sor.u32 $0x1C03, s31;
	s9 =	sadd.s32 s10, s17;
	p0 =	sgt.u32 s13, $0x3  }
0xf: {  	s13 =	sshrl.u32 s16, $0x3;
	s5 =	sadd.s32 $0x17C00, s8;
	s7 =	sadd.s32 $0x21A00, s8  }
0x10: {  	s25 =	sadd.s32 $0x2B800, s12;
	s12 =	simm.s32 $0x3;
	s16 =	sadd.s32 @!p0 s17, s18  }
0x11: {  	s17 =	simm.s32 $0x80;
	s8 =	sadd.s32 s10, s15;
	s10 =	smax.u32 s11, $0x1  }
0x12: {  	s11 =	sshrl.u32 s14, $0x3;
	s14 =	sadd.s32 s15, s18;
	s15 =	simm.s32 $0x2780  }
0x13: {  	s18 =	simm.s32 $0x4F00;
	s24 =	sadd.s32 s24, s25;
	s25 =	simm.s32 $0x4E00  }
.LBB2_1:
0x14: {  	[spmem:s11], [sflag:s6] =	dma.local [hbm:s5], $0x9E0  }
0x15: {  	_ =	swait.ge [sflag:s12], $0x9E0  }
0x16: {  	[sflag:s12] =	ssyncset.done $0x0  }
0x17: {  	[sflag:s12] =	ssyncadd.s32 $0xFFFFF620  }
0x18: {  	[spmem:s13], [sflag:s6] =	dma.local [hbm:s7], $0x9E0  }
0x19: {  	_ =	swait.ge [sflag:s12], $0x9E0  }
0x1a: {  	[sflag:s12] =	ssyncset.done $0x0  }
0x1b: {  	[sflag:s12] =	ssyncadd.s32 $0xFFFFF620  }
0x1c: {  	[tilespmem:s4], [sflag:$0x3] =	stream.linear.gather [hbm4b:s8+s4], $0x2700, $0x38;
	[tilespmem:$0x10D00] =	vst v63  }
0x1d: {  	_ =	swait.ge [sflag:s12], $0x2700  }
0x1e: {  	[sflag:s12] =	ssyncset.done $0x0  }
0x1f: {  	[sflag:s12] =	ssyncadd.s32 $0xFFFFD900  }
0x20: {  	[tilespmem:s15], [sflag:$0x3] =	stream.linear.gather [hbm4b:s14+s4], $0x2700, $0x38;
	[tilespmem:$0x10D00] =	vst v63  }
0x21: {  	_ =	swait.ge [sflag:s12], $0x2700  }
0x22: {  	[sflag:s12] =	ssyncset.done $0x0  }
0x23: {  	s28 =	simm.s32 @!p0 $0x0;
	s29 =	simm.s32 @!p0 $0x2700;
	[sflag:s12] =	ssyncadd.s32 $0xFFFFD900  }
0x24: {  	[tilespmem:s29], [sflag:$0x3] =	stream.linear.gather @!p0 [hbm4b:s9+s28], $0x80, $0x38;
	[tilespmem:$0x10D00] =	vst v63  }
0x25: {  	s29 =	simm.s32 @!p0 $0x3  }
0x26: {  	_ =	swait.ge @!p0 [sflag:s29], $0x80  }
0x27: {  	[sflag:s29] =	ssyncset.done @!p0 $0x0  }
0x28: {  	s30 =	simm.s32 @!p0 $0x4E80;
	[sflag:s29] =	ssyncadd.s32 @!p0 $0xFFFFFF80  }
0x29: {  	[tilespmem:s30], [sflag:$0x3] =	stream.linear.gather @!p0 [hbm4b:s16+s28], $0x80, $0x38;
	[tilespmem:$0x10D00] =	vst v63  }
0x2a: {  	_ =	swait.ge @!p0 [sflag:s29], $0x80  }
0x2b: {  	[sflag:s29] =	ssyncset.done @!p0 $0x0  }
0x2c: {  	[sflag:s29] =	ssyncadd.s32 @!p0 $0xFFFFFF80  }
0x2d: {  	[bflag:$0x0] =	sbarrier.arrive $0xFFFF  }
0x2e: {  	[tilespmem:s18], [sflag:$0x1] =	stream.indirect.gather [spmem:s2], $0x20, s4, s17, $0xb8;
	[tilespmem:$0x10D00] =	vst v63  }
0x2f: {  	s28 =	simm.s32 $0x80  }
0x30: {  	[tilespmem:s19], [sflag:$0x2] =	stream.indirect.gather [spmem:s2], $0x20, s28, s17, $0xb8;
	[tilespmem:$0x10D00] =	vst v63  }
0x31: {  	_ =	swait.ge [sflag:s20], $0x1000  }
0x32: {  	[sflag:s20] =	ssyncset.done $0x0  }
0x33: {  	s28 =	simm.s32 $0x2780;
	[sflag:s20] =	ssyncadd.s32 $0xFFFFF000  }
0x34: {  	[spmem:s3] =	stream.indirect.scatter.add.f32 [tilespmem:s18], [sflag:$0x3], $0x20, s28, s17, $0xb8;
	[tilespmem:$0x10D00] =	vst v63  }
0x35: {  	_ =	swait.ge [sflag:s12], $0x1000  }
0x36: {  	[sflag:s12] =	ssyncset.done $0x0  }
0x37: {  	s28 =	simm.s32 $0x100;
	[sflag:s12] =	ssyncadd.s32 $0xFFFFF000  }
0x38: {  	[tilespmem:s18], [sflag:$0x1] =	stream.indirect.gather [spmem:s2], $0x20, s28, s17, $0xb8;
	[tilespmem:$0x10D00] =	vst v63  }
0x39: {  	_ =	swait.ge [sflag:s21], $0x1000  }
0x3a: {  	[sflag:s21] =	ssyncset.done $0x0  }
0x3b: {  	s28 =	simm.s32 $0x2800;
	[sflag:s21] =	ssyncadd.s32 $0xFFFFF000  }
0x3c: {  	[spmem:s3] =	stream.indirect.scatter.add.f32 [tilespmem:s19], [sflag:$0x3], $0x20, s28, s17, $0xb8;
	[tilespmem:$0x10D00] =	vst v63  }
0x3d: {  	_ =	swait.ge [sflag:s12], $0x1000  }
0x3e: {  	s29 =	simm.s32 $0x800;
	s28 =	simm.s32 $0x100;
	[sflag:s12] =	ssyncset.done $0x0  }
.LBB2_2:
0x3f: {  	s30 =	sadd.s32 $0x80, s28  }
0x40: {  	[sflag:s12] =	ssyncadd.s32 $0xFFFFF000;
	s31 =	smov.u32 s29;
	s0 =	sadd.s32 $0x400, s29  }
0x41: {  	[tilespmem:s19], [sflag:$0x2] =	stream.indirect.gather [spmem:s2], $0x20, s30, s17, $0xb8;
	[tilespmem:$0x10D00] =	vst v63  }
0x42: {  	p1 =	sne.s32 s29, $0x9400;
	_ =	swait.ge [sflag:s20], $0x1000  }
0x43: {  	[sflag:s20] =	ssyncset.done $0x0  }
0x44: {  	s29 =	sadd.s32 $0x2780, s28;
	[sflag:s20] =	ssyncadd.s32 $0xFFFFF000  }
0x45: {  	[spmem:s3] =	stream.indirect.scatter.add.f32 [tilespmem:s18], [sflag:$0x3], $0x20, s29, s17, $0xb8;
	[tilespmem:$0x10D00] =	vst v63  }
0x46: {  	_ =	swait.ge [sflag:s12], $0x1000  }
0x47: {  	[sflag:s12] =	ssyncset.done $0x0  }
0x48: {  	s29 =	sadd.s32 $0x100, s28;
	[sflag:s12] =	ssyncadd.s32 $0xFFFFF000  }
0x49: {  	[tilespmem:s18], [sflag:$0x1] =	stream.indirect.gather [spmem:s2], $0x20, s29, s17, $0xb8;
	[tilespmem:$0x10D00] =	vst v63  }
0x4a: {  	_ =	swait.ge [sflag:s21], $0x1000  }
.Ltmp0:
0x4b: {  	[sflag:s21] =	ssyncset.done $0x0;
	(pc) =	sbr.rel @p1 .LBB2_2-.Ltmp0, $4  }
0x4c: {  	s28 =	sadd.s32 $0x2800, s28;
	[sflag:s21] =	ssyncadd.s32 $0xFFFFF000  }
0x4d: {  	[spmem:s3] =	stream.indirect.scatter.add.f32 [tilespmem:s19], [sflag:$0x3], $0x20, s28, s17, $0xb8;
	[tilespmem:$0x10D00] =	vst v63  }
0x4e: {  	_ =	swait.ge [sflag:s12], $0x1000  }
0x4f: {  	s29 =	smov.u32 s0;
	s28 =	sshra.s32 s31, $0x2;
	[sflag:s12] =	ssyncset.done $0x0  }
0x50: {  	s0 =	sadd.s32 $0x80, s28;
	[sflag:s12] =	ssyncadd.s32 $0xFFFFF000  }
0x51: {  	[tilespmem:s19], [sflag:$0x2] =	stream.indirect.gather [spmem:s2], $0x20, s0, s17, $0xb8;
	[tilespmem:$0x10D00] =	vst v63  }
0x52: {  	_ =	swait.ge [sflag:s20], $0x1000  }
0x53: {  	[sflag:s20] =	ssyncset.done $0x0  }
0x54: {  	s29 =	sadd.s32 $0x2780, s28;
	[sflag:s20] =	ssyncadd.s32 $0xFFFFF000  }
0x55: {  	[spmem:s3] =	stream.indirect.scatter.add.f32 [tilespmem:s18], [sflag:$0x3], $0x20, s29, s17, $0xb8;
	[tilespmem:$0x10D00] =	vst v63  }
0x56: {  	_ =	swait.ge [sflag:s12], $0x1000  }
0x57: {  	[sflag:s12] =	ssyncset.done $0x0  }
0x58: {  	s30 =	sadd.s32 $0x100, s28;
	[sflag:s12] =	ssyncadd.s32 $0xFFFFF000  }
0x59: {  	[tilespmem:s18], [sflag:$0x1] =	stream.indirect.gather [spmem:s2], $0x20, s30, s17, $0xb8;
	[tilespmem:$0x10D00] =	vst v63  }
0x5a: {  	_ =	swait.ge [sflag:s21], $0x1000  }
0x5b: {  	[sflag:s21] =	ssyncset.done $0x0  }
0x5c: {  	s31 =	sadd.s32 $0x2800, s28;
	[sflag:s21] =	ssyncadd.s32 $0xFFFFF000  }
0x5d: {  	[spmem:s3] =	stream.indirect.scatter.add.f32 [tilespmem:s19], [sflag:$0x3], $0x20, s31, s17, $0xb8;
	[tilespmem:$0x10D00] =	vst v63  }
0x5e: {  	_ =	swait.ge [sflag:s12], $0x1000  }
0x5f: {  	[sflag:s12] =	ssyncset.done $0x0  }
0x60: {  	[sflag:s12] =	ssyncadd.s32 $0xFFFFF000  }
0x61: {  	[tilespmem:s19], [sflag:$0x2] =	stream.indirect.gather [spmem:s2], $0x20, s22, s17, $0xb8;
	[tilespmem:$0x10D00] =	vst v63  }
0x62: {  	_ =	swait.ge [sflag:s20], $0x1000  }
0x63: {  	[sflag:s20] =	ssyncset.done $0x0  }
0x64: {  	[sflag:s20] =	ssyncadd.s32 $0xFFFFF000  }
0x65: {  	[spmem:s3] =	stream.indirect.scatter.add.f32 [tilespmem:s18], [sflag:$0x3], $0x20, s23, s17, $0xb8;
	[tilespmem:$0x10D00] =	vst v63  }
0x66: {  	_ =	swait.ge [sflag:s12], $0x1000  }
0x67: {  	[sflag:s12] =	ssyncset.done $0x0  }
0x68: {  	[sflag:s12] =	ssyncadd.s32 $0xFFFFF000  }
0x69: {  	[tilespmem:s18], [sflag:$0x1] =	stream.indirect.gather [spmem:s2], $0x20, s22, s17, $0xb8;
	[tilespmem:$0x10D00] =	vst v63  }
0x6a: {  	_ =	swait.ge [sflag:s21], $0x1000  }
0x6b: {  	[sflag:s21] =	ssyncset.done $0x0  }
0x6c: {  	[sflag:s21] =	ssyncadd.s32 $0xFFFFF000  }
0x6d: {  	[spmem:s3] =	stream.indirect.scatter.add.f32 [tilespmem:s19], [sflag:$0x3], $0x20, s25, s17, $0xb8;
	[tilespmem:$0x10D00] =	vst v63  }
0x6e: {  	_ =	swait.ge [sflag:s12], $0x1000  }
0x6f: {  	[sflag:s12] =	ssyncset.done $0x0  }
0x70: {  	[sflag:s12] =	ssyncadd.s32 $0xFFFFF000  }
0x71: {  	_ =	swait.ge [sflag:s20], $0x1000  }
0x72: {  	s28 =	simm.s32 @!p0 $0x2700;
	[sflag:s20] =	ssyncset.done $0x0  }
0x73: {  	s0 =	simm.s32 @!p0 $0x80;
	s29 =	simm.s32 @!p0 $0x4F00;
	[sflag:s20] =	ssyncadd.s32 $0xFFFFF000  }
0x74: {  	[tilespmem:s29], [sflag:$0x1] =	stream.indirect.gather @!p0 [spmem:s2], $0x20, s28, s0, $0xb8;
	[tilespmem:$0x10D00] =	vst v63  }
0x75: {  	s28 =	simm.s32 @!p0 $0x1  }
0x76: {  	_ =	swait.ge @!p0 [sflag:s28], $0x1000  }
0x77: {  	[sflag:s28] =	ssyncset.done @!p0 $0x0  }
0x78: {  	[sflag:s28] =	ssyncadd.s32 @!p0 $0xFFFFF000;
	s28 =	simm.s32 @!p0 $0x4E80  }
0x79: {  	[spmem:s3] =	stream.indirect.scatter.add.f32 @!p0 [tilespmem:s29], [sflag:$0x3], $0x20, s28, s0, $0xb8;
	[tilespmem:$0x10D00] =	vst v63  }
0x7a: {  	s0 =	simm.s32 @!p0 $0x3  }
0x7b: {  	_ =	swait.ge @!p0 [sflag:s0], $0x1000  }
0x7c: {  	s26 =	sadd.s32 $0x1, s26;
	[sflag:s0] =	ssyncset.done @!p0 $0x0  }
0x7d: {  	p1 =	sne.s32 s26, s10;
	[sflag:s0] =	ssyncadd.s32 @!p0 $0xFFFFF000  }
.Ltmp1:
0x7e: {  	[bflag:$0x0] =	sbarrier.arrive $0xFFFF;
	(pc) =	sbr.rel @p1 .LBB2_1-.Ltmp1, $4  }
0x7f: {  	[hbm:s24], [sflag:s6] =	dma.local [spmem:s13], $0x9E0  }
0x80: {  	_ =	swait.ge [sflag:s12], $0x9E0  }
0x81: {  	[sflag:s12] =	ssyncset.done $0x0  }
0x82: {  	[sflag:s12] =	ssyncadd.s32 $0xFFFFF620  }
0x83: {  	_ =	sfence.sel $0x180000  }
0x84: {  	[bflag:$0x0] =	sbarrier.arrive $0xFFFF  }
0x85: {  	_ =	strace $0x9000004A  }
0x86: {  	[bflag:$0x2] =	sbarrier.arrive $0xFFFF  }
0x87: {  	p0 =	sne.s32 s1, $0x0;
	s0 =	rddreg [dreg:$0x3]  }
0x88: {  	s0 =	sadd.s32 @!p0 $0x100000, s0  }
0x89: {  	[sflag:s0] =	ssyncadd.tile.s32 @!p0 $0x1;
	_ =	shalt  }
.Lfunc_end2:
_tile_overlayer_lowered:
.L_overlay_start_2:
0x8a: {  	(tag) =	ssettag $0x2  }
0x8b: {  	s0 =	rddreg [dreg:$0x0];
	s2 =	stileid.u32  }
0x8c: {  	s1 =	rddreg [dreg:$0x1];
	p0 =	sne.s32 s2, $0x0  }
0x8d: {  	s3 =	rddreg [dreg:$0x2];
	[bflag:$0x3] =	sbarrier.arrive $0xFFFF;
	s2 =	simm.s32 @!p0 $0x1C03  }
0x8e: {  	[timem:s3], [sflag:s2] =	dma.local @!p0 [hbm:s0], s1  }
0x8f: {  	s0 =	simm.s32 @!p0 $0x3  }
0x90: {  	_ =	swait.ge @!p0 [sflag:s0], s1  }
0x91: {  	s1 =	ssub.s32 @!p0 $0x0, s1;
	[sflag:s0] =	ssyncset.done @!p0 $0x0  }
0x92: {  	[sflag:s0] =	ssyncadd.s32 @!p0 s1  }
0x93: {  	[bflag:$0x3] =	sbarrier.arrive $0xFFFF  }
0x94: {  	_ =	shalt  }

// kernel: kernel.15.cloned.1.call-start
scs
__scs_entry_jumppad:
0x0: {  	(pc) =	sbr.rel $0x88, $3  }
0x1: {  	(tag) =	ssettag $0x0;
	lr =	simm.s32 $0x1  }
0x2: {  	[smem:$0x3F90] =	sst lr;
	_ =	strace $0xD0000000  }
0x3: {  	_ = 	snop  }
0x4: {  	_ = 	snop  }
0x5: {  	_ = 	snop  }
0x6: {  	_ = 	snop  }
0x7: {  	_ = 	snop  }
__scs_overlays_trampoline_lowered:
0x8: {  	[smem:$0x3F9F] =	sst s0  }
0x9: {  	[smem:$0x3FA0] =	sst s1  }
0xa: {  	[smem:$0x3FA1] =	sst s2  }
0xb: {  	[smem:$0x3FA2] =	sst s3  }
0xc: {  	[smem:$0x3FA3] =	sst s4  }
0xd: {  	[smem:$0x3FA4] =	sst s5  }
0xe: {  	[smem:$0x3FA5] =	sst s6  }
0xf: {  	[smem:$0x3FA6] =	sst s7  }
0x10: {  	[smem:$0x3FA7] =	sst s8  }
0x11: {  	[smem:$0x3FA8] =	sst s9;
	s0 =	simm.s32 @!p0 $0x0  }
0x12: {  	s1 =	sld [smem:$0x3F8E];
	s0 =	simm.s32 @p0 $0x1  }
0x13: {  	[smem:$0x3FA9] =	sst s0;
	s0 =	simm.s32 @!p1 $0x0  }
0x14: {  	s2 =	sld [smem:$0x3F8D];
	s0 =	simm.s32 @p1 $0x1  }
0x15: {  	[smem:$0x3FAA] =	sst s0;
	s0 =	simm.s32 @!p2 $0x0  }
0x16: {  	s3 =	sld [smem:$0x3FDB];
	s0 =	simm.s32 @p2 $0x1  }
0x17: {  	s4 =	simm.s32 $0x1BF5;
	[smem:$0x3FAC] =	sst s0  }
0x18: {  	s0 =	sld [smem:$0x3F8F];
	_ =	swait.ge [sflag:s4], $0x0  }
0x19: {  	s7 =	sld [smem:$0x3F90]  }
0x1a: {  	s8 =	sadd.s32 $0xFFFFE003, lr  }
0x1b: {  	s9 =	sadd.s32 $0xFFFFFEF7, lr;
	s5 =	simm.s32 $0xFFFFFFFF;
	p2 =	slt.u32 s8, $0xFFFFF086  }
0x1c: {  	p1 =	slt.u32 s9, $0xF7A;
	s5 =	simm.s32 @!p2 $0x0  }
0x1d: {  	s5 =	simm.s32 @p1 $0x1;
	p0 =	seq.s32 s7, s2  }
0x1e: {  	s7 =	smul.u32 @!p0 $0xF7A, s2;
	p2 =	seq.s32 @!p0 s5, $0x0  }
0x1f: {  	s9 =	smul.u32 $0xF7A, s1;
	s8 =	simm.s32 @!p0 $0x1BF5;
	p2 =	por !p2, p0  }
0x20: {  	[sflag:s8] =	ssyncset.s32 @!p0 $0xFFFFF086;
	s6 =	sadd.s32 @!p0 s3, s7;
	s7 =	simm.s32 @!p0 $0x108  }
0x21: {  	s3 =	sadd.s32 s3, s9;
	s6 =	sadd.s32 @!p0 $0x88, s6;
	s7 =	simm.s32 @p2 $0x1082  }
0x22: {  	[simem:s7], [sflag:s8] =	dma.local @!p0 [hbm:s6], $0xF7A  }
0x23: {  	s9 =	sor.u32 $0xD0000000, s2;
	s6 =	simm.s32 $0x108;
	_ =	swait.ge @!p0 [sflag:s8], $0x0  }
0x24: {  	s3 =	sadd.s32 $0x88, s3;
	s6 =	simm.s32 @!p1 $0x1082;
	[sflag:s4] =	ssyncset.s32 $0xFFFFF086  }
0x25: {  	[simem:s6], [sflag:s4] =	dma.local [hbm:s3], $0xF7A  }
0x26: {  	[smem:$0x3F90] =	sst s1;
	(tag) =	ssettag s2;
	_ =	strace s9  }
0x27: {  	s1 =	sld [smem:$0x3FA0]  }
0x28: {  	s2 =	sld [smem:$0x3FA1]  }
0x29: {  	s4 =	sld [smem:$0x3FA3]  }
0x2a: {  	p0 =	seq.s32 s5, $0x0;
	s5 =	sld [smem:$0x3FA4]  }
0x2b: {  	s6 =	sld [smem:$0x3FA5]  }
0x2c: {  	s7 =	sld [smem:$0x3FA6]  }
0x2d: {  	s3 =	simm.s32 $0x108;
	s8 =	sld [smem:$0x3FA7]  }
0x2e: {  	s3 =	simm.s32 @!p0 $0x1082;
	s9 =	sld [smem:$0x3FA8]  }
0x2f: {  	lr =	sadd.s32 s0, s3;
	s0 =	sld [smem:$0x3F9F]  }
0x30: {  	s3 =	sld [smem:$0x3FA2]  }
0x31: {  	[smem:$0x3FAB] =	sst s10  }
0x32: {  	s10 =	sld [smem:$0x3FA9];
	_ =	sdelay $0x3  }
0x33: {  	p0 =	seq.s32 s10, $0x1;
	s10 =	sld [smem:$0x3FAB];
	_ =	sdelay $0x3  }
0x34: {  	[smem:$0x3FAB] =	sst s10  }
0x35: {  	s10 =	sld [smem:$0x3FAA];
	_ =	sdelay $0x3  }
0x36: {  	p1 =	seq.s32 s10, $0x1;
	s10 =	sld [smem:$0x3FAB];
	_ =	sdelay $0x3  }
0x37: {  	[smem:$0x3FAB] =	sst s10  }
0x38: {  	s10 =	sld [smem:$0x3FAC]  }
0x39: {  	_ = 	snop;
	(pc) =	sbr.ind lr, $3  }
0x3a: {  	_ = 	snop  }
0x3b: {  	_ = 	snop  }
0x3c: {  	p2 =	seq.s32 s10, $0x1;
	s10 =	sld [smem:$0x3FAB]  }
0x3d: {  	_ =	shalt  }
0x3e: {  	_ =	shalt  }
0x3f: {  	_ =	shalt  }
0x40: {  	_ =	shalt  }
0x41: {  	_ =	shalt  }
0x42: {  	_ =	shalt  }
0x43: {  	_ =	shalt  }
0x44: {  	_ =	shalt  }
0x45: {  	_ =	shalt  }
0x46: {  	_ =	shalt  }
0x47: {  	_ =	shalt  }
0x48: {  	_ =	shalt  }
0x49: {  	_ =	shalt  }
0x4a: {  	_ =	shalt  }
0x4b: {  	_ =	shalt  }
0x4c: {  	_ =	shalt  }
0x4d: {  	_ =	shalt  }
0x4e: {  	_ =	shalt  }
0x4f: {  	_ =	shalt  }
0x50: {  	_ =	shalt  }
0x51: {  	_ =	shalt  }
0x52: {  	_ =	shalt  }
0x53: {  	_ =	shalt  }
0x54: {  	_ =	shalt  }
0x55: {  	_ =	shalt  }
0x56: {  	_ =	shalt  }
0x57: {  	_ =	shalt  }
0x58: {  	_ =	shalt  }
0x59: {  	_ =	shalt  }
0x5a: {  	_ =	shalt  }
0x5b: {  	_ =	shalt  }
0x5c: {  	_ =	shalt  }
0x5d: {  	_ =	shalt  }
0x5e: {  	_ =	shalt  }
0x5f: {  	_ =	shalt  }
0x60: {  	_ =	shalt  }
0x61: {  	_ =	shalt  }
0x62: {  	_ =	shalt  }
0x63: {  	_ =	shalt  }
0x64: {  	_ =	shalt  }
0x65: {  	_ =	shalt  }
0x66: {  	_ =	shalt  }
0x67: {  	_ =	shalt  }
0x68: {  	_ =	shalt  }
0x69: {  	_ =	shalt  }
0x6a: {  	_ =	shalt  }
0x6b: {  	_ =	shalt  }
0x6c: {  	_ =	shalt  }
0x6d: {  	_ =	shalt  }
0x6e: {  	_ =	shalt  }
0x6f: {  	_ =	shalt  }
0x70: {  	_ =	shalt  }
0x71: {  	_ =	shalt  }
0x72: {  	_ =	shalt  }
0x73: {  	_ =	shalt  }
0x74: {  	_ =	shalt  }
0x75: {  	_ =	shalt  }
0x76: {  	_ =	shalt  }
0x77: {  	_ =	shalt  }
0x78: {  	_ =	shalt  }
0x79: {  	_ =	shalt  }
0x7a: {  	_ =	shalt  }
0x7b: {  	_ =	shalt  }
0x7c: {  	_ =	shalt  }
0x7d: {  	_ =	shalt  }
0x7e: {  	_ =	shalt  }
0x7f: {  	_ =	shalt  }
0x80: {  	_ =	shalt  }
0x81: {  	_ =	shalt  }
0x82: {  	_ =	shalt  }
0x83: {  	_ =	shalt  }
0x84: {  	_ =	shalt  }
0x85: {  	_ =	shalt  }
0x86: {  	_ =	shalt  }
0x87: {  	_ =	shalt  }
.Lfunc_end0:
.L_simem_size_0:
called_computation.2_lowered:
.L_overlay_start_0:
0x88: {  	s2 =	sld [smem:$0x3FD9]  }
0x89: {  	s3 =	sld [smem:$0x3FFE];
	_ =	sdelay $0x1  }
0x8a: {  	s1 =	srdreg.scid  }
0x8b: {  	s0 =	sand.u32 $0x1, s1  }
0x8c: {  	s16 =	sshll.u32 s0, $0xA;
	s2 =	sadd.s32 s3, s2  }
0x8d: {  	s2 =	sadd.s32 s2, s16  }
0x8e: {  	[smem:$0x3FB7] =	sst s2  }
0x8f: {  	_ = 	snop  }
0x90: {  	(tm) =	ssettm $0x1  }
0x91: {  	s17 =	sld [smem:$0x3FFB];
	_ =	sdelay $0x3  }
0x92: {  	_ =	strace s17  }
0x93: {  	s2 =	sld [smem:$0x3FFC];
	_ =	sdelay $0x3  }
0x94: {  	_ =	strace s2  }
0x95: {  	s2 =	sld [smem:$0x3FFD];
	_ =	sdelay $0x3  }
0x96: {  	_ =	strace s2  }
0x97: {  	_ =	strace $0x8FFFFFFF  }
0x98: {  	s18 =	sld [smem:$0x3FDB];
	_ =	sdelay $0x1  }
0x99: {  	s19 =	simm.s32 $_scs_section_size  }
0x9a: {  	s4 =	simm.s32 $_size__tile_overlayer_lowered;
	s5 =	simm.s32 $_tile_overlayer_lowered  }
0x9b: {  	s22 =	simm.s32 $0x1BFF;
	s21 =	sshll.u32 s5, $0x1;
	s2 =	sadd.s32 s19, s18  }
0x9c: {  	s6 =	simm.s32 $0x0;
	s20 =	sshll.u32 s4, $0x1;
	s4 =	sadd.s32 s21, s2  }
0x9d: {  	[timem:s6], [sflag:s22] =	dma.local [hbm:s4], s20  }
0x9e: {  	_ =	swait.ge [sflag:s22], s20  }
0x9f: {  	s3 =	ssub.s32 $0x0, s20;
	[sflag:s22] =	ssyncset.done $0x0  }
0xa0: {  	[sflag:s22] =	ssyncadd.s32 s3;
	_ =	sdelay $0x1  }
0xa1: {  	s23 =	simm.s32 $0x1B8B  }
0xa2: {  	_ =	swait.ge [sflag:s23], $0x1  }
0xa3: {  	[sflag:s23] =	ssyncset.done $0x0  }
0xa4: {  	s25 =	simm.s32 $0x1B8E;
	s24 =	sld [smem:$0x3FFE];
	[sflag:s23] =	ssyncadd.s32 $0xFFFFFFFF  }
0xa5: {  	s26 =	simm.s32 $execute0_lowered;
	[smem:$0x3FD2] =	sst s25  }
0xa6: {  	s4 =	sshll.u32 s26, $0x1;
	_ =	strace $0x8000004C;
	[dreg:$0x1] =	wrdreg $0xFFFFFFFF  }
0xa7: {  	s28 =	simm.s32 $_size_execute0_lowered;
	s2 =	sadd.s32 s2, s4;
	[dreg:$0x0] =	wrdreg $0x0  }
0xa8: {  	s4 =	sshll.u32 s28, $0x1;
	[dreg:$0x2] =	wrdreg s2  }
0xa9: {  	[dreg:$0x3] =	wrdreg s4  }
0xaa: {  	[dreg:$0x4] =	wrdreg $0xC0  }
0xab: {  	_ =	task [dreg:s6], $0x5FFFF  }
0xac: {  	[dreg:$0x1] =	wrdreg $0xFFFFFFFF  }
0xad: {  	[dreg:$0x0] =	wrdreg $0x60  }
0xae: {  	[dreg:$0x2] =	wrdreg s24  }
0xaf: {  	[dreg:$0x3] =	wrdreg $0x6F000  }
0xb0: {  	[dreg:$0x4] =	wrdreg $0xBE000  }
0xb1: {  	[dreg:$0x5] =	wrdreg $0x9  }
0xb2: {  	_ =	task.clear_ibuf [dreg:s6], $0x6FFFF;
	_ =	strace $0x9000004C  }
0xb3: {  	s29 =	simm.s32 $0x9;
	_ =	strace $0x8000004E  }
0xb4: {  	_ =	swait.ge [sflag:s29], $0x1  }
0xb5: {  	[sflag:s29] =	ssyncadd.s32 $0xFFFFFFFF  }
0xb6: {  	_ =	strace $0x9000004E  }
0xb7: {  	_ =	sfence  }
0xb8: {  	s30 =	sld [smem:$0x0];
	_ =	sdelay $0x2  }
0xb9: {  	s31 =	sshll.u32 s1, $0xD;
	s1 =	sshrl.u32 s1, $0x2  }
0xba: {  	s3 =	sand.u32 $0x4000, s31;
	s1 =	sadd.s32 s1, s30  }
0xbb: {  	s0 =	sor.u32 s3, s0;
	s1 =	sshll.u32 s1, $0x11  }
0xbc: {  	s0 =	sor.u32 s1, s0  }
0xbd: {  	s0 =	sadd.s32 $0x8F2B, s0  }
0xbe: {  	[sflag:s0] =	ssyncadd.remote.s32 $0x1  }
0xbf: {  	_ =	sfence.sel $0xFFFF  }
0xc0: {  	[dreg:$0x0] =	wrdreg $0xFFFFFFFF;
	(pc) =	sbr.abs _section_cstart, $3  }
0xc1: {  	[dreg:$0x1] =	wrdreg $0xFFFFFFFF  }
0xc2: {  	_ =	task.clear_ibuf [dreg:s6], $0x2FFFF;
	_ =	strace $0x9FFFFFFF  }
0xc3: {  	(tm) =	ssettm $0x7FFFFFFF  }
tec
execute0_lowered:
.L_overlay_start_1:
0x0: {  	(tag) =	ssettag $0x1  }
0x1: {  	s9 =	rddreg [dreg:$0x0]  }
0x2: {  	s2 =	rddreg [dreg:$0x1]  }
0x3: {  	s3 =	rddreg [dreg:$0x2]  }
0x4: {  	s1 =	stileid.u32;
	s4 =	simm.s32 $0x0;
	s5 =	srdreg.scid  }
0x5: {  	s19 =	simm.s32 $0x5F00;
	s20 =	simm.s32 $0x1;
	s21 =	simm.s32 $0x2  }
0x6: {  	s22 =	simm.s32 $0x2680;
	s23 =	simm.s32 $0x4D80;
	s26 =	simm.s32 $0x0  }
0x7: {  	s7 =	smul.u32 $0x4F00, s1;
	[smem:$0x7FF] =	sst s4;
	s5 =	sand.u32 $0x1, s5  }
0x8: {  	s10 =	sadd.s32 $0x4200, s9;
	s31 =	sshll.u32 s1, $0x6;
	s17 =	sshll.u32 s1, $0x4  }
0x9: {  	s18 =	sadd.s32 $0xDE40, s9;
	_ =	strace $0x8000004D;
	s6 =	smul.u32 $0x9E00, s5  }
0xa: {  	s11 =	ssub.s32 $0x2, s5;
	s5 =	sshll.u32 s5, $0x4;
	s17 =	sor.u32 $0x9C00, s17  }
0xb: {  	s24 =	sshrl.u32 s7, $0x3;
	s30 =	sshrl.u32 s11, $0x1;
	s13 =	sor.u32 s1, s5  }
0xc: {  	s14 =	sadd.s32 s7, s2;
	s16 =	sadd.s32 s7, s3;
	s8 =	sadd.s32 s24, s9  }
0xd: {  	s12 =	sadd.s32 s6, s9;
	s11 =	ssub.s32 s11, s30;
	s15 =	smul.u32 $0x4E0, s13  }
0xe: {  	s6 =	sor.u32 $0x1C03, s31;
	s9 =	sadd.s32 s10, s17;
	p0 =	sgt.u32 s13, $0x3  }
0xf: {  	s13 =	sshrl.u32 s16, $0x3;
	s5 =	sadd.s32 $0x17C00, s8;
	s7 =	sadd.s32 $0x21A00, s8  }
0x10: {  	s25 =	sadd.s32 $0x2B800, s12;
	s12 =	simm.s32 $0x3;
	s16 =	sadd.s32 @!p0 s17, s18  }
0x11: {  	s17 =	simm.s32 $0x80;
	s8 =	sadd.s32 s10, s15;
	s10 =	smax.u32 s11, $0x1  }
0x12: {  	s11 =	sshrl.u32 s14, $0x3;
	s14 =	sadd.s32 s15, s18;
	s15 =	simm.s32 $0x2780  }
0x13: {  	s18 =	simm.s32 $0x4F00;
	s24 =	sadd.s32 s24, s25;
	s25 =	simm.s32 $0x4E00  }
.LBB2_1:
0x14: {  	[spmem:s11], [sflag:s6] =	dma.local [hbm:s5], $0x9E0  }
0x15: {  	_ =	swait.ge [sflag:s12], $0x9E0  }
0x16: {  	[sflag:s12] =	ssyncset.done $0x0  }
0x17: {  	[sflag:s12] =	ssyncadd.s32 $0xFFFFF620  }
0x18: {  	[spmem:s13], [sflag:s6] =	dma.local [hbm:s7], $0x9E0  }
0x19: {  	_ =	swait.ge [sflag:s12], $0x9E0  }
0x1a: {  	[sflag:s12] =	ssyncset.done $0x0  }
0x1b: {  	[sflag:s12] =	ssyncadd.s32 $0xFFFFF620  }
0x1c: {  	[tilespmem:s4], [sflag:$0x3] =	stream.linear.gather [hbm4b:s8+s4], $0x2700, $0x38;
	[tilespmem:$0x10D00] =	vst v63  }
0x1d: {  	_ =	swait.ge [sflag:s12], $0x2700  }
0x1e: {  	[sflag:s12] =	ssyncset.done $0x0  }
0x1f: {  	[sflag:s12] =	ssyncadd.s32 $0xFFFFD900  }
0x20: {  	[tilespmem:s15], [sflag:$0x3] =	stream.linear.gather [hbm4b:s14+s4], $0x2700, $0x38;
	[tilespmem:$0x10D00] =	vst v63  }
0x21: {  	_ =	swait.ge [sflag:s12], $0x2700  }
0x22: {  	[sflag:s12] =	ssyncset.done $0x0  }
0x23: {  	s28 =	simm.s32 @!p0 $0x0;
	s29 =	simm.s32 @!p0 $0x2700;
	[sflag:s12] =	ssyncadd.s32 $0xFFFFD900  }
0x24: {  	[tilespmem:s29], [sflag:$0x3] =	stream.linear.gather @!p0 [hbm4b:s9+s28], $0x80, $0x38;
	[tilespmem:$0x10D00] =	vst v63  }
0x25: {  	s29 =	simm.s32 @!p0 $0x3  }
0x26: {  	_ =	swait.ge @!p0 [sflag:s29], $0x80  }
0x27: {  	[sflag:s29] =	ssyncset.done @!p0 $0x0  }
0x28: {  	s30 =	simm.s32 @!p0 $0x4E80;
	[sflag:s29] =	ssyncadd.s32 @!p0 $0xFFFFFF80  }
0x29: {  	[tilespmem:s30], [sflag:$0x3] =	stream.linear.gather @!p0 [hbm4b:s16+s28], $0x80, $0x38;
	[tilespmem:$0x10D00] =	vst v63  }
0x2a: {  	_ =	swait.ge @!p0 [sflag:s29], $0x80  }
0x2b: {  	[sflag:s29] =	ssyncset.done @!p0 $0x0  }
0x2c: {  	[sflag:s29] =	ssyncadd.s32 @!p0 $0xFFFFFF80  }
0x2d: {  	[bflag:$0x0] =	sbarrier.arrive $0xFFFF  }
0x2e: {  	[tilespmem:s18], [sflag:$0x1] =	stream.indirect.gather [spmem:s2], $0x20, s4, s17, $0xb8;
	[tilespmem:$0x10D00] =	vst v63  }
0x2f: {  	s28 =	simm.s32 $0x80  }
0x30: {  	[tilespmem:s19], [sflag:$0x2] =	stream.indirect.gather [spmem:s2], $0x20, s28, s17, $0xb8;
	[tilespmem:$0x10D00] =	vst v63  }
0x31: {  	_ =	swait.ge [sflag:s20], $0x1000  }
0x32: {  	[sflag:s20] =	ssyncset.done $0x0  }
0x33: {  	s28 =	simm.s32 $0x2780;
	[sflag:s20] =	ssyncadd.s32 $0xFFFFF000  }
0x34: {  	[spmem:s3] =	stream.indirect.scatter.add.f32 [tilespmem:s18], [sflag:$0x3], $0x20, s28, s17, $0xb8;
	[tilespmem:$0x10D00] =	vst v63  }
0x35: {  	_ =	swait.ge [sflag:s12], $0x1000  }
0x36: {  	[sflag:s12] =	ssyncset.done $0x0  }
0x37: {  	s28 =	simm.s32 $0x100;
	[sflag:s12] =	ssyncadd.s32 $0xFFFFF000  }
0x38: {  	[tilespmem:s18], [sflag:$0x1] =	stream.indirect.gather [spmem:s2], $0x20, s28, s17, $0xb8;
	[tilespmem:$0x10D00] =	vst v63  }
0x39: {  	_ =	swait.ge [sflag:s21], $0x1000  }
0x3a: {  	[sflag:s21] =	ssyncset.done $0x0  }
0x3b: {  	s28 =	simm.s32 $0x2800;
	[sflag:s21] =	ssyncadd.s32 $0xFFFFF000  }
0x3c: {  	[spmem:s3] =	stream.indirect.scatter.add.f32 [tilespmem:s19], [sflag:$0x3], $0x20, s28, s17, $0xb8;
	[tilespmem:$0x10D00] =	vst v63  }
0x3d: {  	_ =	swait.ge [sflag:s12], $0x1000  }
0x3e: {  	s29 =	simm.s32 $0x800;
	s28 =	simm.s32 $0x100;
	[sflag:s12] =	ssyncset.done $0x0  }
.LBB2_2:
0x3f: {  	s30 =	sadd.s32 $0x80, s28  }
0x40: {  	[sflag:s12] =	ssyncadd.s32 $0xFFFFF000;
	s31 =	smov.u32 s29;
	s0 =	sadd.s32 $0x400, s29  }
0x41: {  	[tilespmem:s19], [sflag:$0x2] =	stream.indirect.gather [spmem:s2], $0x20, s30, s17, $0xb8;
	[tilespmem:$0x10D00] =	vst v63  }
0x42: {  	p1 =	sne.s32 s29, $0x9400;
	_ =	swait.ge [sflag:s20], $0x1000  }
0x43: {  	[sflag:s20] =	ssyncset.done $0x0  }
0x44: {  	s29 =	sadd.s32 $0x2780, s28;
	[sflag:s20] =	ssyncadd.s32 $0xFFFFF000  }
0x45: {  	[spmem:s3] =	stream.indirect.scatter.add.f32 [tilespmem:s18], [sflag:$0x3], $0x20, s29, s17, $0xb8;
	[tilespmem:$0x10D00] =	vst v63  }
0x46: {  	_ =	swait.ge [sflag:s12], $0x1000  }
0x47: {  	[sflag:s12] =	ssyncset.done $0x0  }
0x48: {  	s29 =	sadd.s32 $0x100, s28;
	[sflag:s12] =	ssyncadd.s32 $0xFFFFF000  }
0x49: {  	[tilespmem:s18], [sflag:$0x1] =	stream.indirect.gather [spmem:s2], $0x20, s29, s17, $0xb8;
	[tilespmem:$0x10D00] =	vst v63  }
0x4a: {  	_ =	swait.ge [sflag:s21], $0x1000  }
.Ltmp0:
0x4b: {  	[sflag:s21] =	ssyncset.done $0x0;
	(pc) =	sbr.rel @p1 .LBB2_2-.Ltmp0, $4  }
0x4c: {  	s28 =	sadd.s32 $0x2800, s28;
	[sflag:s21] =	ssyncadd.s32 $0xFFFFF000  }
0x4d: {  	[spmem:s3] =	stream.indirect.scatter.add.f32 [tilespmem:s19], [sflag:$0x3], $0x20, s28, s17, $0xb8;
	[tilespmem:$0x10D00] =	vst v63  }
0x4e: {  	_ =	swait.ge [sflag:s12], $0x1000  }
0x4f: {  	s29 =	smov.u32 s0;
	s28 =	sshra.s32 s31, $0x2;
	[sflag:s12] =	ssyncset.done $0x0  }
0x50: {  	s0 =	sadd.s32 $0x80, s28;
	[sflag:s12] =	ssyncadd.s32 $0xFFFFF000  }
0x51: {  	[tilespmem:s19], [sflag:$0x2] =	stream.indirect.gather [spmem:s2], $0x20, s0, s17, $0xb8;
	[tilespmem:$0x10D00] =	vst v63  }
0x52: {  	_ =	swait.ge [sflag:s20], $0x1000  }
0x53: {  	[sflag:s20] =	ssyncset.done $0x0  }
0x54: {  	s29 =	sadd.s32 $0x2780, s28;
	[sflag:s20] =	ssyncadd.s32 $0xFFFFF000  }
0x55: {  	[spmem:s3] =	stream.indirect.scatter.add.f32 [tilespmem:s18], [sflag:$0x3], $0x20, s29, s17, $0xb8;
	[tilespmem:$0x10D00] =	vst v63  }
0x56: {  	_ =	swait.ge [sflag:s12], $0x1000  }
0x57: {  	[sflag:s12] =	ssyncset.done $0x0  }
0x58: {  	s30 =	sadd.s32 $0x100, s28;
	[sflag:s12] =	ssyncadd.s32 $0xFFFFF000  }
0x59: {  	[tilespmem:s18], [sflag:$0x1] =	stream.indirect.gather [spmem:s2], $0x20, s30, s17, $0xb8;
	[tilespmem:$0x10D00] =	vst v63  }
0x5a: {  	_ =	swait.ge [sflag:s21], $0x1000  }
0x5b: {  	[sflag:s21] =	ssyncset.done $0x0  }
0x5c: {  	s31 =	sadd.s32 $0x2800, s28;
	[sflag:s21] =	ssyncadd.s32 $0xFFFFF000  }
0x5d: {  	[spmem:s3] =	stream.indirect.scatter.add.f32 [tilespmem:s19], [sflag:$0x3], $0x20, s31, s17, $0xb8;
	[tilespmem:$0x10D00] =	vst v63  }
0x5e: {  	_ =	swait.ge [sflag:s12], $0x1000  }
0x5f: {  	[sflag:s12] =	ssyncset.done $0x0  }
0x60: {  	[sflag:s12] =	ssyncadd.s32 $0xFFFFF000  }
0x61: {  	[tilespmem:s19], [sflag:$0x2] =	stream.indirect.gather [spmem:s2], $0x20, s22, s17, $0xb8;
	[tilespmem:$0x10D00] =	vst v63  }
0x62: {  	_ =	swait.ge [sflag:s20], $0x1000  }
0x63: {  	[sflag:s20] =	ssyncset.done $0x0  }
0x64: {  	[sflag:s20] =	ssyncadd.s32 $0xFFFFF000  }
0x65: {  	[spmem:s3] =	stream.indirect.scatter.add.f32 [tilespmem:s18], [sflag:$0x3], $0x20, s23, s17, $0xb8;
	[tilespmem:$0x10D00] =	vst v63  }
0x66: {  	_ =	swait.ge [sflag:s12], $0x1000  }
0x67: {  	[sflag:s12] =	ssyncset.done $0x0  }
0x68: {  	[sflag:s12] =	ssyncadd.s32 $0xFFFFF000  }
0x69: {  	[tilespmem:s18], [sflag:$0x1] =	stream.indirect.gather [spmem:s2], $0x20, s22, s17, $0xb8;
	[tilespmem:$0x10D00] =	vst v63  }
0x6a: {  	_ =	swait.ge [sflag:s21], $0x1000  }
0x6b: {  	[sflag:s21] =	ssyncset.done $0x0  }
0x6c: {  	[sflag:s21] =	ssyncadd.s32 $0xFFFFF000  }
0x6d: {  	[spmem:s3] =	stream.indirect.scatter.add.f32 [tilespmem:s19], [sflag:$0x3], $0x20, s25, s17, $0xb8;
	[tilespmem:$0x10D00] =	vst v63  }
0x6e: {  	_ =	swait.ge [sflag:s12], $0x1000  }
0x6f: {  	[sflag:s12] =	ssyncset.done $0x0  }
0x70: {  	[sflag:s12] =	ssyncadd.s32 $0xFFFFF000  }
0x71: {  	_ =	swait.ge [sflag:s20], $0x1000  }
0x72: {  	s28 =	simm.s32 @!p0 $0x2700;
	[sflag:s20] =	ssyncset.done $0x0  }
0x73: {  	s0 =	simm.s32 @!p0 $0x80;
	s29 =	simm.s32 @!p0 $0x4F00;
	[sflag:s20] =	ssyncadd.s32 $0xFFFFF000  }
0x74: {  	[tilespmem:s29], [sflag:$0x1] =	stream.indirect.gather @!p0 [spmem:s2], $0x20, s28, s0, $0xb8;
	[tilespmem:$0x10D00] =	vst v63  }
0x75: {  	s28 =	simm.s32 @!p0 $0x1  }
0x76: {  	_ =	swait.ge @!p0 [sflag:s28], $0x1000  }
0x77: {  	[sflag:s28] =	ssyncset.done @!p0 $0x0  }
0x78: {  	[sflag:s28] =	ssyncadd.s32 @!p0 $0xFFFFF000;
	s28 =	simm.s32 @!p0 $0x4E80  }
0x79: {  	[spmem:s3] =	stream.indirect.scatter.add.f32 @!p0 [tilespmem:s29], [sflag:$0x3], $0x20, s28, s0, $0xb8;
	[tilespmem:$0x10D00] =	vst v63  }
0x7a: {  	s0 =	simm.s32 @!p0 $0x3  }
0x7b: {  	_ =	swait.ge @!p0 [sflag:s0], $0x1000  }
0x7c: {  	s26 =	sadd.s32 $0x1, s26;
	[sflag:s0] =	ssyncset.done @!p0 $0x0  }
0x7d: {  	p1 =	sne.s32 s26, s10;
	[sflag:s0] =	ssyncadd.s32 @!p0 $0xFFFFF000  }
.Ltmp1:
0x7e: {  	[bflag:$0x0] =	sbarrier.arrive $0xFFFF;
	(pc) =	sbr.rel @p1 .LBB2_1-.Ltmp1, $4  }
0x7f: {  	[hbm:s24], [sflag:s6] =	dma.local [spmem:s13], $0x9E0  }
0x80: {  	_ =	swait.ge [sflag:s12], $0x9E0  }
0x81: {  	[sflag:s12] =	ssyncset.done $0x0  }
0x82: {  	[sflag:s12] =	ssyncadd.s32 $0xFFFFF620  }
0x83: {  	_ =	sfence.sel $0x180000  }
0x84: {  	[bflag:$0x0] =	sbarrier.arrive $0xFFFF  }
0x85: {  	_ =	strace $0x9000004D  }
0x86: {  	[bflag:$0x2] =	sbarrier.arrive $0xFFFF  }
0x87: {  	p0 =	sne.s32 s1, $0x0;
	s0 =	rddreg [dreg:$0x3]  }
0x88: {  	s0 =	sadd.s32 @!p0 $0x100000, s0  }
0x89: {  	[sflag:s0] =	ssyncadd.tile.s32 @!p0 $0x1;
	_ =	shalt  }
.Lfunc_end2:
_tile_overlayer_lowered:
.L_overlay_start_2:
0x8a: {  	(tag) =	ssettag $0x2  }
0x8b: {  	s0 =	rddreg [dreg:$0x0];
	s2 =	stileid.u32  }
0x8c: {  	s1 =	rddreg [dreg:$0x1];
	p0 =	sne.s32 s2, $0x0  }
0x8d: {  	s3 =	rddreg [dreg:$0x2];
	[bflag:$0x3] =	sbarrier.arrive $0xFFFF;
	s2 =	simm.s32 @!p0 $0x1C03  }
0x8e: {  	[timem:s3], [sflag:s2] =	dma.local @!p0 [hbm:s0], s1  }
0x8f: {  	s0 =	simm.s32 @!p0 $0x3  }
0x90: {  	_ =	swait.ge @!p0 [sflag:s0], s1  }
0x91: {  	s1 =	ssub.s32 @!p0 $0x0, s1;
	[sflag:s0] =	ssyncset.done @!p0 $0x0  }
0x92: {  	[sflag:s0] =	ssyncadd.s32 @!p0 s1  }
0x93: {  	[bflag:$0x3] =	sbarrier.arrive $0xFFFF  }
0x94: {  	_ =	shalt  }

// kernel: kernel.9.cloned.1.call-start
scs
__scs_entry_jumppad:
0x0: {  	(pc) =	sbr.rel $0x88, $3  }
0x1: {  	(tag) =	ssettag $0x0;
	lr =	simm.s32 $0x1  }
0x2: {  	[smem:$0x3F90] =	sst lr;
	_ =	strace $0xD0000000  }
0x3: {  	_ = 	snop  }
0x4: {  	_ = 	snop  }
0x5: {  	_ = 	snop  }
0x6: {  	_ = 	snop  }
0x7: {  	_ = 	snop  }
__scs_overlays_trampoline_lowered:
0x8: {  	[smem:$0x3F9F] =	sst s0  }
0x9: {  	[smem:$0x3FA0] =	sst s1  }
0xa: {  	[smem:$0x3FA1] =	sst s2  }
0xb: {  	[smem:$0x3FA2] =	sst s3  }
0xc: {  	[smem:$0x3FA3] =	sst s4  }
0xd: {  	[smem:$0x3FA4] =	sst s5  }
0xe: {  	[smem:$0x3FA5] =	sst s6  }
0xf: {  	[smem:$0x3FA6] =	sst s7  }
0x10: {  	[smem:$0x3FA7] =	sst s8  }
0x11: {  	[smem:$0x3FA8] =	sst s9;
	s0 =	simm.s32 @!p0 $0x0  }
0x12: {  	s1 =	sld [smem:$0x3F8E];
	s0 =	simm.s32 @p0 $0x1  }
0x13: {  	[smem:$0x3FA9] =	sst s0;
	s0 =	simm.s32 @!p1 $0x0  }
0x14: {  	s2 =	sld [smem:$0x3F8D];
	s0 =	simm.s32 @p1 $0x1  }
0x15: {  	[smem:$0x3FAA] =	sst s0;
	s0 =	simm.s32 @!p2 $0x0  }
0x16: {  	s3 =	sld [smem:$0x3FDB];
	s0 =	simm.s32 @p2 $0x1  }
0x17: {  	s4 =	simm.s32 $0x1BF5;
	[smem:$0x3FAC] =	sst s0  }
0x18: {  	s0 =	sld [smem:$0x3F8F];
	_ =	swait.ge [sflag:s4], $0x0  }
0x19: {  	s7 =	sld [smem:$0x3F90]  }
0x1a: {  	s8 =	sadd.s32 $0xFFFFE003, lr  }
0x1b: {  	s9 =	sadd.s32 $0xFFFFFEF7, lr;
	s5 =	simm.s32 $0xFFFFFFFF;
	p2 =	slt.u32 s8, $0xFFFFF086  }
0x1c: {  	p1 =	slt.u32 s9, $0xF7A;
	s5 =	simm.s32 @!p2 $0x0  }
0x1d: {  	s5 =	simm.s32 @p1 $0x1;
	p0 =	seq.s32 s7, s2  }
0x1e: {  	s7 =	smul.u32 @!p0 $0xF7A, s2;
	p2 =	seq.s32 @!p0 s5, $0x0  }
0x1f: {  	s9 =	smul.u32 $0xF7A, s1;
	s8 =	simm.s32 @!p0 $0x1BF5;
	p2 =	por !p2, p0  }
0x20: {  	[sflag:s8] =	ssyncset.s32 @!p0 $0xFFFFF086;
	s6 =	sadd.s32 @!p0 s3, s7;
	s7 =	simm.s32 @!p0 $0x108  }
0x21: {  	s3 =	sadd.s32 s3, s9;
	s6 =	sadd.s32 @!p0 $0x88, s6;
	s7 =	simm.s32 @p2 $0x1082  }
0x22: {  	[simem:s7], [sflag:s8] =	dma.local @!p0 [hbm:s6], $0xF7A  }
0x23: {  	s9 =	sor.u32 $0xD0000000, s2;
	s6 =	simm.s32 $0x108;
	_ =	swait.ge @!p0 [sflag:s8], $0x0  }
0x24: {  	s3 =	sadd.s32 $0x88, s3;
	s6 =	simm.s32 @!p1 $0x1082;
	[sflag:s4] =	ssyncset.s32 $0xFFFFF086  }
0x25: {  	[simem:s6], [sflag:s4] =	dma.local [hbm:s3], $0xF7A  }
0x26: {  	[smem:$0x3F90] =	sst s1;
	(tag) =	ssettag s2;
	_ =	strace s9  }
0x27: {  	s1 =	sld [smem:$0x3FA0]  }
0x28: {  	s2 =	sld [smem:$0x3FA1]  }
0x29: {  	s4 =	sld [smem:$0x3FA3]  }
0x2a: {  	p0 =	seq.s32 s5, $0x0;
	s5 =	sld [smem:$0x3FA4]  }
0x2b: {  	s6 =	sld [smem:$0x3FA5]  }
0x2c: {  	s7 =	sld [smem:$0x3FA6]  }
0x2d: {  	s3 =	simm.s32 $0x108;
	s8 =	sld [smem:$0x3FA7]  }
0x2e: {  	s3 =	simm.s32 @!p0 $0x1082;
	s9 =	sld [smem:$0x3FA8]  }
0x2f: {  	lr =	sadd.s32 s0, s3;
	s0 =	sld [smem:$0x3F9F]  }
0x30: {  	s3 =	sld [smem:$0x3FA2]  }
0x31: {  	[smem:$0x3FAB] =	sst s10  }
0x32: {  	s10 =	sld [smem:$0x3FA9];
	_ =	sdelay $0x3  }
0x33: {  	p0 =	seq.s32 s10, $0x1;
	s10 =	sld [smem:$0x3FAB];
	_ =	sdelay $0x3  }
0x34: {  	[smem:$0x3FAB] =	sst s10  }
0x35: {  	s10 =	sld [smem:$0x3FAA];
	_ =	sdelay $0x3  }
0x36: {  	p1 =	seq.s32 s10, $0x1;
	s10 =	sld [smem:$0x3FAB];
	_ =	sdelay $0x3  }
0x37: {  	[smem:$0x3FAB] =	sst s10  }
0x38: {  	s10 =	sld [smem:$0x3FAC]  }
0x39: {  	_ = 	snop;
	(pc) =	sbr.ind lr, $3  }
0x3a: {  	_ = 	snop  }
0x3b: {  	_ = 	snop  }
0x3c: {  	p2 =	seq.s32 s10, $0x1;
	s10 =	sld [smem:$0x3FAB]  }
0x3d: {  	_ =	shalt  }
0x3e: {  	_ =	shalt  }
0x3f: {  	_ =	shalt  }
0x40: {  	_ =	shalt  }
0x41: {  	_ =	shalt  }
0x42: {  	_ =	shalt  }
0x43: {  	_ =	shalt  }
0x44: {  	_ =	shalt  }
0x45: {  	_ =	shalt  }
0x46: {  	_ =	shalt  }
0x47: {  	_ =	shalt  }
0x48: {  	_ =	shalt  }
0x49: {  	_ =	shalt  }
0x4a: {  	_ =	shalt  }
0x4b: {  	_ =	shalt  }
0x4c: {  	_ =	shalt  }
0x4d: {  	_ =	shalt  }
0x4e: {  	_ =	shalt  }
0x4f: {  	_ =	shalt  }
0x50: {  	_ =	shalt  }
0x51: {  	_ =	shalt  }
0x52: {  	_ =	shalt  }
0x53: {  	_ =	shalt  }
0x54: {  	_ =	shalt  }
0x55: {  	_ =	shalt  }
0x56: {  	_ =	shalt  }
0x57: {  	_ =	shalt  }
0x58: {  	_ =	shalt  }
0x59: {  	_ =	shalt  }
0x5a: {  	_ =	shalt  }
0x5b: {  	_ =	shalt  }
0x5c: {  	_ =	shalt  }
0x5d: {  	_ =	shalt  }
0x5e: {  	_ =	shalt  }
0x5f: {  	_ =	shalt  }
0x60: {  	_ =	shalt  }
0x61: {  	_ =	shalt  }
0x62: {  	_ =	shalt  }
0x63: {  	_ =	shalt  }
0x64: {  	_ =	shalt  }
0x65: {  	_ =	shalt  }
0x66: {  	_ =	shalt  }
0x67: {  	_ =	shalt  }
0x68: {  	_ =	shalt  }
0x69: {  	_ =	shalt  }
0x6a: {  	_ =	shalt  }
0x6b: {  	_ =	shalt  }
0x6c: {  	_ =	shalt  }
0x6d: {  	_ =	shalt  }
0x6e: {  	_ =	shalt  }
0x6f: {  	_ =	shalt  }
0x70: {  	_ =	shalt  }
0x71: {  	_ =	shalt  }
0x72: {  	_ =	shalt  }
0x73: {  	_ =	shalt  }
0x74: {  	_ =	shalt  }
0x75: {  	_ =	shalt  }
0x76: {  	_ =	shalt  }
0x77: {  	_ =	shalt  }
0x78: {  	_ =	shalt  }
0x79: {  	_ =	shalt  }
0x7a: {  	_ =	shalt  }
0x7b: {  	_ =	shalt  }
0x7c: {  	_ =	shalt  }
0x7d: {  	_ =	shalt  }
0x7e: {  	_ =	shalt  }
0x7f: {  	_ =	shalt  }
0x80: {  	_ =	shalt  }
0x81: {  	_ =	shalt  }
0x82: {  	_ =	shalt  }
0x83: {  	_ =	shalt  }
0x84: {  	_ =	shalt  }
0x85: {  	_ =	shalt  }
0x86: {  	_ =	shalt  }
0x87: {  	_ =	shalt  }
.Lfunc_end0:
.L_simem_size_0:
called_computation_lowered:
.L_overlay_start_0:
0x88: {  	s2 =	sld [smem:$0x3FD9]  }
0x89: {  	s3 =	sld [smem:$0x3FFE];
	_ =	sdelay $0x1  }
0x8a: {  	s1 =	srdreg.scid  }
0x8b: {  	s0 =	sand.u32 $0x1, s1  }
0x8c: {  	s16 =	sshll.u32 s0, $0xA;
	s2 =	sadd.s32 s3, s2  }
0x8d: {  	s2 =	sadd.s32 s2, s16  }
0x8e: {  	[smem:$0x3FB7] =	sst s2  }
0x8f: {  	_ = 	snop  }
0x90: {  	(tm) =	ssettm $0x1  }
0x91: {  	s17 =	sld [smem:$0x3FFB];
	_ =	sdelay $0x3  }
0x92: {  	_ =	strace s17  }
0x93: {  	s2 =	sld [smem:$0x3FFC];
	_ =	sdelay $0x3  }
0x94: {  	_ =	strace s2  }
0x95: {  	s2 =	sld [smem:$0x3FFD];
	_ =	sdelay $0x3  }
0x96: {  	_ =	strace s2  }
0x97: {  	_ =	strace $0x8FFFFFFF  }
0x98: {  	s18 =	sld [smem:$0x3FDB];
	_ =	sdelay $0x1  }
0x99: {  	s19 =	simm.s32 $_scs_section_size  }
0x9a: {  	s4 =	simm.s32 $_size__tile_overlayer_lowered;
	s5 =	simm.s32 $_tile_overlayer_lowered  }
0x9b: {  	s22 =	simm.s32 $0x1BFF;
	s21 =	sshll.u32 s5, $0x1;
	s2 =	sadd.s32 s19, s18  }
0x9c: {  	s6 =	simm.s32 $0x0;
	s20 =	sshll.u32 s4, $0x1;
	s4 =	sadd.s32 s21, s2  }
0x9d: {  	[timem:s6], [sflag:s22] =	dma.local [hbm:s4], s20  }
0x9e: {  	_ =	swait.ge [sflag:s22], s20  }
0x9f: {  	s3 =	ssub.s32 $0x0, s20;
	[sflag:s22] =	ssyncset.done $0x0  }
0xa0: {  	[sflag:s22] =	ssyncadd.s32 s3;
	_ =	sdelay $0x1  }
0xa1: {  	s23 =	simm.s32 $0x1B8B  }
0xa2: {  	_ =	swait.ge [sflag:s23], $0x1  }
0xa3: {  	[sflag:s23] =	ssyncset.done $0x0  }
0xa4: {  	s25 =	simm.s32 $0x1B8E;
	s24 =	sld [smem:$0x3FFE];
	[sflag:s23] =	ssyncadd.s32 $0xFFFFFFFF  }
0xa5: {  	s26 =	simm.s32 $execute0_lowered;
	[smem:$0x3FD2] =	sst s25  }
0xa6: {  	s4 =	sshll.u32 s26, $0x1;
	_ =	strace $0x80000046;
	[dreg:$0x1] =	wrdreg $0xFFFFFFFF  }
0xa7: {  	s28 =	simm.s32 $_size_execute0_lowered;
	s2 =	sadd.s32 s2, s4;
	[dreg:$0x0] =	wrdreg $0x0  }
0xa8: {  	s4 =	sshll.u32 s28, $0x1;
	[dreg:$0x2] =	wrdreg s2  }
0xa9: {  	[dreg:$0x3] =	wrdreg s4  }
0xaa: {  	[dreg:$0x4] =	wrdreg $0xC0  }
0xab: {  	_ =	task [dreg:s6], $0x5FFFF  }
0xac: {  	[dreg:$0x1] =	wrdreg $0xFFFFFFFF  }
0xad: {  	[dreg:$0x0] =	wrdreg $0x60  }
0xae: {  	[dreg:$0x2] =	wrdreg s24  }
0xaf: {  	[dreg:$0x3] =	wrdreg $0x6F000  }
0xb0: {  	[dreg:$0x4] =	wrdreg $0xBE000  }
0xb1: {  	[dreg:$0x5] =	wrdreg $0x9  }
0xb2: {  	_ =	task.clear_ibuf [dreg:s6], $0x6FFFF;
	_ =	strace $0x90000046  }
0xb3: {  	s29 =	simm.s32 $0x9;
	_ =	strace $0x80000048  }
0xb4: {  	_ =	swait.ge [sflag:s29], $0x1  }
0xb5: {  	[sflag:s29] =	ssyncadd.s32 $0xFFFFFFFF  }
0xb6: {  	_ =	strace $0x90000048  }
0xb7: {  	_ =	sfence  }
0xb8: {  	s30 =	sld [smem:$0x0];
	_ =	sdelay $0x2  }
0xb9: {  	s31 =	sshll.u32 s1, $0xD;
	s1 =	sshrl.u32 s1, $0x2  }
0xba: {  	s3 =	sand.u32 $0x4000, s31;
	s1 =	sadd.s32 s1, s30  }
0xbb: {  	s0 =	sor.u32 s3, s0;
	s1 =	sshll.u32 s1, $0x11  }
0xbc: {  	s0 =	sor.u32 s1, s0  }
0xbd: {  	s0 =	sadd.s32 $0x8F2B, s0  }
0xbe: {  	[sflag:s0] =	ssyncadd.remote.s32 $0x1  }
0xbf: {  	_ =	sfence.sel $0xFFFF  }
0xc0: {  	[dreg:$0x0] =	wrdreg $0xFFFFFFFF;
	(pc) =	sbr.abs _section_cstart, $3  }
0xc1: {  	[dreg:$0x1] =	wrdreg $0xFFFFFFFF  }
0xc2: {  	_ =	task.clear_ibuf [dreg:s6], $0x2FFFF;
	_ =	strace $0x9FFFFFFF  }
0xc3: {  	(tm) =	ssettm $0x7FFFFFFF  }
tec
execute0_lowered:
.L_overlay_start_1:
0x0: {  	(tag) =	ssettag $0x1  }
0x1: {  	s9 =	rddreg [dreg:$0x0]  }
0x2: {  	s2 =	rddreg [dreg:$0x1]  }
0x3: {  	s3 =	rddreg [dreg:$0x2]  }
0x4: {  	s1 =	stileid.u32;
	s4 =	simm.s32 $0x0;
	s5 =	srdreg.scid  }
0x5: {  	s19 =	simm.s32 $0x5F00;
	s20 =	simm.s32 $0x1;
	s21 =	simm.s32 $0x2  }
0x6: {  	s22 =	simm.s32 $0x2680;
	s23 =	simm.s32 $0x4D80;
	s26 =	simm.s32 $0x0  }
0x7: {  	s7 =	smul.u32 $0x4F00, s1;
	[smem:$0x7FF] =	sst s4;
	s5 =	sand.u32 $0x1, s5  }
0x8: {  	s10 =	sadd.s32 $0x4200, s9;
	s31 =	sshll.u32 s1, $0x6;
	s17 =	sshll.u32 s1, $0x4  }
0x9: {  	s18 =	sadd.s32 $0xDE40, s9;
	_ =	strace $0x80000047;
	s6 =	smul.u32 $0x9E00, s5  }
0xa: {  	s11 =	ssub.s32 $0x2, s5;
	s5 =	sshll.u32 s5, $0x4;
	s17 =	sor.u32 $0x9C00, s17  }
0xb: {  	s24 =	sshrl.u32 s7, $0x3;
	s30 =	sshrl.u32 s11, $0x1;
	s13 =	sor.u32 s1, s5  }
0xc: {  	s14 =	sadd.s32 s7, s2;
	s16 =	sadd.s32 s7, s3;
	s8 =	sadd.s32 s24, s9  }
0xd: {  	s12 =	sadd.s32 s6, s9;
	s11 =	ssub.s32 s11, s30;
	s15 =	smul.u32 $0x4E0, s13  }
0xe: {  	s6 =	sor.u32 $0x1C03, s31;
	s9 =	sadd.s32 s10, s17;
	p0 =	sgt.u32 s13, $0x3  }
0xf: {  	s13 =	sshrl.u32 s16, $0x3;
	s5 =	sadd.s32 $0x17C00, s8;
	s7 =	sadd.s32 $0x21A00, s8  }
0x10: {  	s25 =	sadd.s32 $0x2B800, s12;
	s12 =	simm.s32 $0x3;
	s16 =	sadd.s32 @!p0 s17, s18  }
0x11: {  	s17 =	simm.s32 $0x80;
	s8 =	sadd.s32 s10, s15;
	s10 =	smax.u32 s11, $0x1  }
0x12: {  	s11 =	sshrl.u32 s14, $0x3;
	s14 =	sadd.s32 s15, s18;
	s15 =	simm.s32 $0x2780  }
0x13: {  	s18 =	simm.s32 $0x4F00;
	s24 =	sadd.s32 s24, s25;
	s25 =	simm.s32 $0x4E00  }
.LBB2_1:
0x14: {  	[spmem:s11], [sflag:s6] =	dma.local [hbm:s5], $0x9E0  }
0x15: {  	_ =	swait.ge [sflag:s12], $0x9E0  }
0x16: {  	[sflag:s12] =	ssyncset.done $0x0  }
0x17: {  	[sflag:s12] =	ssyncadd.s32 $0xFFFFF620  }
0x18: {  	[spmem:s13], [sflag:s6] =	dma.local [hbm:s7], $0x9E0  }
0x19: {  	_ =	swait.ge [sflag:s12], $0x9E0  }
0x1a: {  	[sflag:s12] =	ssyncset.done $0x0  }
0x1b: {  	[sflag:s12] =	ssyncadd.s32 $0xFFFFF620  }
0x1c: {  	[tilespmem:s4], [sflag:$0x3] =	stream.linear.gather [hbm4b:s8+s4], $0x2700, $0x38;
	[tilespmem:$0x10D00] =	vst v63  }
0x1d: {  	_ =	swait.ge [sflag:s12], $0x2700  }
0x1e: {  	[sflag:s12] =	ssyncset.done $0x0  }
0x1f: {  	[sflag:s12] =	ssyncadd.s32 $0xFFFFD900  }
0x20: {  	[tilespmem:s15], [sflag:$0x3] =	stream.linear.gather [hbm4b:s14+s4], $0x2700, $0x38;
	[tilespmem:$0x10D00] =	vst v63  }
0x21: {  	_ =	swait.ge [sflag:s12], $0x2700  }
0x22: {  	[sflag:s12] =	ssyncset.done $0x0  }
0x23: {  	s28 =	simm.s32 @!p0 $0x0;
	s29 =	simm.s32 @!p0 $0x2700;
	[sflag:s12] =	ssyncadd.s32 $0xFFFFD900  }
0x24: {  	[tilespmem:s29], [sflag:$0x3] =	stream.linear.gather @!p0 [hbm4b:s9+s28], $0x80, $0x38;
	[tilespmem:$0x10D00] =	vst v63  }
0x25: {  	s29 =	simm.s32 @!p0 $0x3  }
0x26: {  	_ =	swait.ge @!p0 [sflag:s29], $0x80  }
0x27: {  	[sflag:s29] =	ssyncset.done @!p0 $0x0  }
0x28: {  	s30 =	simm.s32 @!p0 $0x4E80;
	[sflag:s29] =	ssyncadd.s32 @!p0 $0xFFFFFF80  }
0x29: {  	[tilespmem:s30], [sflag:$0x3] =	stream.linear.gather @!p0 [hbm4b:s16+s28], $0x80, $0x38;
	[tilespmem:$0x10D00] =	vst v63  }
0x2a: {  	_ =	swait.ge @!p0 [sflag:s29], $0x80  }
0x2b: {  	[sflag:s29] =	ssyncset.done @!p0 $0x0  }
0x2c: {  	[sflag:s29] =	ssyncadd.s32 @!p0 $0xFFFFFF80  }
0x2d: {  	[bflag:$0x0] =	sbarrier.arrive $0xFFFF  }
0x2e: {  	[tilespmem:s18], [sflag:$0x1] =	stream.indirect.gather [spmem:s2], $0x20, s4, s17, $0xb8;
	[tilespmem:$0x10D00] =	vst v63  }
0x2f: {  	s28 =	simm.s32 $0x80  }
0x30: {  	[tilespmem:s19], [sflag:$0x2] =	stream.indirect.gather [spmem:s2], $0x20, s28, s17, $0xb8;
	[tilespmem:$0x10D00] =	vst v63  }
0x31: {  	_ =	swait.ge [sflag:s20], $0x1000  }
0x32: {  	[sflag:s20] =	ssyncset.done $0x0  }
0x33: {  	s28 =	simm.s32 $0x2780;
	[sflag:s20] =	ssyncadd.s32 $0xFFFFF000  }
0x34: {  	[spmem:s3] =	stream.indirect.scatter.add.f32 [tilespmem:s18], [sflag:$0x3], $0x20, s28, s17, $0xb8;
	[tilespmem:$0x10D00] =	vst v63  }
0x35: {  	_ =	swait.ge [sflag:s12], $0x1000  }
0x36: {  	[sflag:s12] =	ssyncset.done $0x0  }
0x37: {  	s28 =	simm.s32 $0x100;
	[sflag:s12] =	ssyncadd.s32 $0xFFFFF000  }
0x38: {  	[tilespmem:s18], [sflag:$0x1] =	stream.indirect.gather [spmem:s2], $0x20, s28, s17, $0xb8;
	[tilespmem:$0x10D00] =	vst v63  }
0x39: {  	_ =	swait.ge [sflag:s21], $0x1000  }
0x3a: {  	[sflag:s21] =	ssyncset.done $0x0  }
0x3b: {  	s28 =	simm.s32 $0x2800;
	[sflag:s21] =	ssyncadd.s32 $0xFFFFF000  }
0x3c: {  	[spmem:s3] =	stream.indirect.scatter.add.f32 [tilespmem:s19], [sflag:$0x3], $0x20, s28, s17, $0xb8;
	[tilespmem:$0x10D00] =	vst v63  }
0x3d: {  	_ =	swait.ge [sflag:s12], $0x1000  }
0x3e: {  	s29 =	simm.s32 $0x800;
	s28 =	simm.s32 $0x100;
	[sflag:s12] =	ssyncset.done $0x0  }
.LBB2_2:
0x3f: {  	s30 =	sadd.s32 $0x80, s28  }
0x40: {  	[sflag:s12] =	ssyncadd.s32 $0xFFFFF000;
	s31 =	smov.u32 s29;
	s0 =	sadd.s32 $0x400, s29  }
0x41: {  	[tilespmem:s19], [sflag:$0x2] =	stream.indirect.gather [spmem:s2], $0x20, s30, s17, $0xb8;
	[tilespmem:$0x10D00] =	vst v63  }
0x42: {  	p1 =	sne.s32 s29, $0x9400;
	_ =	swait.ge [sflag:s20], $0x1000  }
0x43: {  	[sflag:s20] =	ssyncset.done $0x0  }
0x44: {  	s29 =	sadd.s32 $0x2780, s28;
	[sflag:s20] =	ssyncadd.s32 $0xFFFFF000  }
0x45: {  	[spmem:s3] =	stream.indirect.scatter.add.f32 [tilespmem:s18], [sflag:$0x3], $0x20, s29, s17, $0xb8;
	[tilespmem:$0x10D00] =	vst v63  }
0x46: {  	_ =	swait.ge [sflag:s12], $0x1000  }
0x47: {  	[sflag:s12] =	ssyncset.done $0x0  }
0x48: {  	s29 =	sadd.s32 $0x100, s28;
	[sflag:s12] =	ssyncadd.s32 $0xFFFFF000  }
0x49: {  	[tilespmem:s18], [sflag:$0x1] =	stream.indirect.gather [spmem:s2], $0x20, s29, s17, $0xb8;
	[tilespmem:$0x10D00] =	vst v63  }
0x4a: {  	_ =	swait.ge [sflag:s21], $0x1000  }
.Ltmp0:
0x4b: {  	[sflag:s21] =	ssyncset.done $0x0;
	(pc) =	sbr.rel @p1 .LBB2_2-.Ltmp0, $4  }
0x4c: {  	s28 =	sadd.s32 $0x2800, s28;
	[sflag:s21] =	ssyncadd.s32 $0xFFFFF000  }
0x4d: {  	[spmem:s3] =	stream.indirect.scatter.add.f32 [tilespmem:s19], [sflag:$0x3], $0x20, s28, s17, $0xb8;
	[tilespmem:$0x10D00] =	vst v63  }
0x4e: {  	_ =	swait.ge [sflag:s12], $0x1000  }
0x4f: {  	s29 =	smov.u32 s0;
	s28 =	sshra.s32 s31, $0x2;
	[sflag:s12] =	ssyncset.done $0x0  }
0x50: {  	s0 =	sadd.s32 $0x80, s28;
	[sflag:s12] =	ssyncadd.s32 $0xFFFFF000  }
0x51: {  	[tilespmem:s19], [sflag:$0x2] =	stream.indirect.gather [spmem:s2], $0x20, s0, s17, $0xb8;
	[tilespmem:$0x10D00] =	vst v63  }
0x52: {  	_ =	swait.ge [sflag:s20], $0x1000  }
0x53: {  	[sflag:s20] =	ssyncset.done $0x0  }
0x54: {  	s29 =	sadd.s32 $0x2780, s28;
	[sflag:s20] =	ssyncadd.s32 $0xFFFFF000  }
0x55: {  	[spmem:s3] =	stream.indirect.scatter.add.f32 [tilespmem:s18], [sflag:$0x3], $0x20, s29, s17, $0xb8;
	[tilespmem:$0x10D00] =	vst v63  }
0x56: {  	_ =	swait.ge [sflag:s12], $0x1000  }
0x57: {  	[sflag:s12] =	ssyncset.done $0x0  }
0x58: {  	s30 =	sadd.s32 $0x100, s28;
	[sflag:s12] =	ssyncadd.s32 $0xFFFFF000  }
0x59: {  	[tilespmem:s18], [sflag:$0x1] =	stream.indirect.gather [spmem:s2], $0x20, s30, s17, $0xb8;
	[tilespmem:$0x10D00] =	vst v63  }
0x5a: {  	_ =	swait.ge [sflag:s21], $0x1000  }
0x5b: {  	[sflag:s21] =	ssyncset.done $0x0  }
0x5c: {  	s31 =	sadd.s32 $0x2800, s28;
	[sflag:s21] =	ssyncadd.s32 $0xFFFFF000  }
0x5d: {  	[spmem:s3] =	stream.indirect.scatter.add.f32 [tilespmem:s19], [sflag:$0x3], $0x20, s31, s17, $0xb8;
	[tilespmem:$0x10D00] =	vst v63  }
0x5e: {  	_ =	swait.ge [sflag:s12], $0x1000  }
0x5f: {  	[sflag:s12] =	ssyncset.done $0x0  }
0x60: {  	[sflag:s12] =	ssyncadd.s32 $0xFFFFF000  }
0x61: {  	[tilespmem:s19], [sflag:$0x2] =	stream.indirect.gather [spmem:s2], $0x20, s22, s17, $0xb8;
	[tilespmem:$0x10D00] =	vst v63  }
0x62: {  	_ =	swait.ge [sflag:s20], $0x1000  }
0x63: {  	[sflag:s20] =	ssyncset.done $0x0  }
0x64: {  	[sflag:s20] =	ssyncadd.s32 $0xFFFFF000  }
0x65: {  	[spmem:s3] =	stream.indirect.scatter.add.f32 [tilespmem:s18], [sflag:$0x3], $0x20, s23, s17, $0xb8;
	[tilespmem:$0x10D00] =	vst v63  }
0x66: {  	_ =	swait.ge [sflag:s12], $0x1000  }
0x67: {  	[sflag:s12] =	ssyncset.done $0x0  }
0x68: {  	[sflag:s12] =	ssyncadd.s32 $0xFFFFF000  }
0x69: {  	[tilespmem:s18], [sflag:$0x1] =	stream.indirect.gather [spmem:s2], $0x20, s22, s17, $0xb8;
	[tilespmem:$0x10D00] =	vst v63  }
0x6a: {  	_ =	swait.ge [sflag:s21], $0x1000  }
0x6b: {  	[sflag:s21] =	ssyncset.done $0x0  }
0x6c: {  	[sflag:s21] =	ssyncadd.s32 $0xFFFFF000  }
0x6d: {  	[spmem:s3] =	stream.indirect.scatter.add.f32 [tilespmem:s19], [sflag:$0x3], $0x20, s25, s17, $0xb8;
	[tilespmem:$0x10D00] =	vst v63  }
0x6e: {  	_ =	swait.ge [sflag:s12], $0x1000  }
0x6f: {  	[sflag:s12] =	ssyncset.done $0x0  }
0x70: {  	[sflag:s12] =	ssyncadd.s32 $0xFFFFF000  }
0x71: {  	_ =	swait.ge [sflag:s20], $0x1000  }
0x72: {  	s28 =	simm.s32 @!p0 $0x2700;
	[sflag:s20] =	ssyncset.done $0x0  }
0x73: {  	s0 =	simm.s32 @!p0 $0x80;
	s29 =	simm.s32 @!p0 $0x4F00;
	[sflag:s20] =	ssyncadd.s32 $0xFFFFF000  }
0x74: {  	[tilespmem:s29], [sflag:$0x1] =	stream.indirect.gather @!p0 [spmem:s2], $0x20, s28, s0, $0xb8;
	[tilespmem:$0x10D00] =	vst v63  }
0x75: {  	s28 =	simm.s32 @!p0 $0x1  }
0x76: {  	_ =	swait.ge @!p0 [sflag:s28], $0x1000  }
0x77: {  	[sflag:s28] =	ssyncset.done @!p0 $0x0  }
0x78: {  	[sflag:s28] =	ssyncadd.s32 @!p0 $0xFFFFF000;
	s28 =	simm.s32 @!p0 $0x4E80  }
0x79: {  	[spmem:s3] =	stream.indirect.scatter.add.f32 @!p0 [tilespmem:s29], [sflag:$0x3], $0x20, s28, s0, $0xb8;
	[tilespmem:$0x10D00] =	vst v63  }
0x7a: {  	s0 =	simm.s32 @!p0 $0x3  }
0x7b: {  	_ =	swait.ge @!p0 [sflag:s0], $0x1000  }
0x7c: {  	s26 =	sadd.s32 $0x1, s26;
	[sflag:s0] =	ssyncset.done @!p0 $0x0  }
0x7d: {  	p1 =	sne.s32 s26, s10;
	[sflag:s0] =	ssyncadd.s32 @!p0 $0xFFFFF000  }
.Ltmp1:
0x7e: {  	[bflag:$0x0] =	sbarrier.arrive $0xFFFF;
	(pc) =	sbr.rel @p1 .LBB2_1-.Ltmp1, $4  }
0x7f: {  	[hbm:s24], [sflag:s6] =	dma.local [spmem:s13], $0x9E0  }
0x80: {  	_ =	swait.ge [sflag:s12], $0x9E0  }
0x81: {  	[sflag:s12] =	ssyncset.done $0x0  }
0x82: {  	[sflag:s12] =	ssyncadd.s32 $0xFFFFF620  }
0x83: {  	_ =	sfence.sel $0x180000  }
0x84: {  	[bflag:$0x0] =	sbarrier.arrive $0xFFFF  }
0x85: {  	_ =	strace $0x90000047  }
0x86: {  	[bflag:$0x2] =	sbarrier.arrive $0xFFFF  }
0x87: {  	p0 =	sne.s32 s1, $0x0;
	s0 =	rddreg [dreg:$0x3]  }
0x88: {  	s0 =	sadd.s32 @!p0 $0x100000, s0  }
0x89: {  	[sflag:s0] =	ssyncadd.tile.s32 @!p0 $0x1;
	_ =	shalt  }
.Lfunc_end2:
_tile_overlayer_lowered:
.L_overlay_start_2:
0x8a: {  	(tag) =	ssettag $0x2  }
0x8b: {  	s0 =	rddreg [dreg:$0x0];
	s2 =	stileid.u32  }
0x8c: {  	s1 =	rddreg [dreg:$0x1];
	p0 =	sne.s32 s2, $0x0  }
0x8d: {  	s3 =	rddreg [dreg:$0x2];
	[bflag:$0x3] =	sbarrier.arrive $0xFFFF;
	s2 =	simm.s32 @!p0 $0x1C03  }
0x8e: {  	[timem:s3], [sflag:s2] =	dma.local @!p0 [hbm:s0], s1  }
0x8f: {  	s0 =	simm.s32 @!p0 $0x3  }
0x90: {  	_ =	swait.ge @!p0 [sflag:s0], s1  }
0x91: {  	s1 =	ssub.s32 @!p0 $0x0, s1;
	[sflag:s0] =	ssyncset.done @!p0 $0x0  }
0x92: {  	[sflag:s0] =	ssyncadd.s32 @!p0 s1  }
0x93: {  	[bflag:$0x3] =	sbarrier.arrive $0xFFFF  }
0x94: {  	_ =	shalt  }

</sc_bundles>
